<compile_context>
chip_gen: v7x
topology: tpu7x:2x2x1
jax: 0.10.2.dev20260603
libtpu: 0.0.44.dev20260713+nightly
codegen_flags: <defaults>
</compile_context>

<pallas_src>
import functools

import jax
import jax.numpy as jnp
from jax import lax
from jax.experimental import pallas as pl
from jax.experimental.pallas import tpu as pltpu
from jax.experimental.pallas import tpu_sc as plsc

N = 10000
D = 128
H = 64
E = 320000

NC = 2
NS = 16
NW = NC * NS

K = 4
STEPS = 20
ROWS_W = STEPS * K
EPW = ROWS_W * 128
EPAD = NW * EPW

RPT = 640
NACC = NS * RPT

_mesh = plsc.VectorSubcoreMesh(
    core_axis_name="c", subcore_axis_name="s", num_cores=NC, num_subcores=NS)


@functools.partial(
    pl.kernel,
    out_type=jax.ShapeDtypeStruct((NC, NACC, 16), jnp.float32),
    mesh=_mesh,
    scratch_types=[
        pltpu.VMEM((ROWS_W, 128), jnp.int32),
        pltpu.VMEM((128, 16), jnp.float32),
        pltpu.VMEM((128, 16), jnp.float32),
        pltpu.VMEM_SHARED((NACC, 16), jnp.float32),
        pltpu.SemaphoreType.DMA,
    ],
    compiler_params=pltpu.CompilerParams(use_tc_tiling_on_sc=False),
)
def _sc_deg(e3_hbm, out_hbm, didx, ones_v, zeros_v, acc, ssem):
    cid = lax.axis_index("c")
    sid = lax.axis_index("s")
    wid = cid * NS + sid

    lane = lax.iota(jnp.int32, 16)
    one_row = jnp.where(lane == 0, 1.0, 0.0).astype(jnp.float32)
    zero_row = jnp.zeros((16,), jnp.float32)

    def _fill(r, carry):
        ones_v[r] = one_row
        zeros_v[r] = zero_row
        return carry

    lax.fori_loop(0, 128, _fill, 0)

    for t in range(RPT // 128):
        pltpu.sync_copy(zeros_v, acc.at[pl.ds(sid * RPT + t * 128, 128)])

    pltpu.sync_copy(e3_hbm.at[1].at[pl.ds(wid * ROWS_W, ROWS_W)], didx)
    plsc.subcore_barrier()

    def _drain(sem):
        pltpu.make_async_copy(out_hbm.at[0].at[pl.ds(0, 128)], zeros_v,
                              sem).wait()

    for j in range(K):
        pltpu.async_copy(ones_v, acc.at[didx.at[j]], ssem, add=True)

    def _step(c, carry):
        for j in range(K):
            pltpu.async_copy(ones_v, acc.at[didx.at[(c + 1) * K + j]], ssem,
                             add=True)
        for j in range(K):
            _drain(ssem)
        return carry

    lax.fori_loop(0, STEPS - 1, _step, 0)
    for j in range(K):
        _drain(ssem)
    plsc.subcore_barrier()

    pltpu.sync_copy(
        acc.at[pl.ds(sid * RPT, RPT)],
        out_hbm.at[cid].at[pl.ds(sid * RPT, RPT)],
    )


@functools.partial(
    pl.kernel,
    out_type=jax.ShapeDtypeStruct((NC, NACC, H), jnp.float32),
    mesh=_mesh,
    scratch_types=[
        pltpu.VMEM((ROWS_W, 128), jnp.int32),
        pltpu.VMEM((ROWS_W, 128), jnp.int32),
        pltpu.VMEM((2, K * 128, H), jnp.float32),
        pltpu.SemaphoreType.DMA,
        pltpu.SemaphoreType.DMA,
        pltpu.VMEM_SHARED((NACC, H), jnp.float32),
    ],
    compiler_params=pltpu.CompilerParams(use_tc_tiling_on_sc=False),
)
def _sc_agg(table_hbm, e3_hbm, out_hbm, sidx, didx, rows, gsem, sa, acc):
    cid = lax.axis_index("c")
    sid = lax.axis_index("s")
    wid = cid * NS + sid

    zero_row = jnp.zeros((16,), jnp.float32)

    def _fillz(r, carry):
        for q in range(H // 16):
            rows[0, r, pl.ds(q * 16, 16)] = zero_row
        return carry

    lax.fori_loop(0, 128, _fillz, 0)

    for t in range(RPT // 128):
        pltpu.sync_copy(rows.at[0].at[pl.ds(0, 128)],
                        acc.at[pl.ds(sid * RPT + t * 128, 128)])

    pltpu.sync_copy(e3_hbm.at[0].at[pl.ds(wid * ROWS_W, ROWS_W)], sidx)
    pltpu.sync_copy(e3_hbm.at[1].at[pl.ds(wid * ROWS_W, ROWS_W)], didx)
    plsc.subcore_barrier()

    def _drain(sem):
        pltpu.make_async_copy(table_hbm.at[pl.ds(0, 128)],
                              rows.at[0].at[pl.ds(0, 128)], sem).wait()

    for j in range(K):
        pltpu.async_copy(table_hbm.at[sidx.at[j]],
                         rows.at[0].at[pl.ds(j * 128, 128)], gsem)

    def _step(c, carry):
        slot = lax.rem(c, 2)
        rv = rows.at[slot]
        rg = rows.at[1 - slot]
        for j in range(K):
            _drain(gsem)
        for j in range(K):
            pltpu.async_copy(rv.at[pl.ds(j * 128, 128)],
                             acc.at[didx.at[c * K + j]], sa, add=True)
        cn = jnp.minimum(c + 1, STEPS - 1)
        for j in range(K):
            pltpu.async_copy(table_hbm.at[sidx.at[cn * K + j]],
                             rg.at[pl.ds(j * 128, 128)], gsem)
        for j in range(K):
            _drain(sa)
        return carry

    lax.fori_loop(0, STEPS, _step, 0)
    for j in range(K):
        _drain(gsem)
    plsc.subcore_barrier()

    pltpu.sync_copy(
        acc.at[pl.ds(sid * RPT, RPT)],
        out_hbm.at[cid].at[pl.ds(sid * RPT, RPT)],
    )


TBLK = N // 5
TGRID = 5


def _dinv_of(degp_ref):
    deg = degp_ref[0][:, 0:1] + degp_ref[1][:, 0:1] + 1.0
    return lax.rsqrt(deg)


def _tc_mm_body(x_ref, w_ref, o_ref):
    o_ref[...] = jnp.dot(x_ref[...], w_ref[...],
                         preferred_element_type=jnp.float32)


_tc_mm = pl.pallas_call(
    _tc_mm_body,
    grid=(TGRID,),
    in_specs=[
        pl.BlockSpec((TBLK, D), lambda i: (i, 0)),
        pl.BlockSpec((D, H), lambda i: (0, 0)),
    ],
    out_specs=pl.BlockSpec((TBLK, H), lambda i: (i, 0)),
    out_shape=jax.ShapeDtypeStruct((N, H), jnp.float32),
)


def _tc_scale_body(h_ref, degp_ref, o_ref):
    o_ref[...] = h_ref[...] * _dinv_of(degp_ref)


_tc_scale = pl.pallas_call(
    _tc_scale_body,
    grid=(TGRID,),
    in_specs=[
        pl.BlockSpec((TBLK, H), lambda i: (i, 0)),
        pl.BlockSpec((NC, TBLK, 16), lambda i: (0, i, 0)),
    ],
    out_specs=pl.BlockSpec((TBLK, H), lambda i: (i, 0)),
    out_shape=jax.ShapeDtypeStruct((N, H), jnp.float32),
)


def _tc_relu_body(aggp_ref, degp_ref, hs_ref, b_ref, o_ref):
    dinv = _dinv_of(degp_ref)
    agg = aggp_ref[0] + aggp_ref[1] + hs_ref[...]
    s = agg * dinv + b_ref[0:1, :]
    o_ref[...] = jnp.maximum(s, 0.0) * dinv


_tc_relu = pl.pallas_call(
    _tc_relu_body,
    grid=(TGRID,),
    in_specs=[
        pl.BlockSpec((NC, TBLK, H), lambda i: (0, i, 0)),
        pl.BlockSpec((NC, TBLK, 16), lambda i: (0, i, 0)),
        pl.BlockSpec((TBLK, H), lambda i: (i, 0)),
        pl.BlockSpec((8, H), lambda i: (0, 0)),
    ],
    out_specs=pl.BlockSpec((TBLK, H), lambda i: (i, 0)),
    out_shape=jax.ShapeDtypeStruct((N, H), jnp.float32),
)


def _tc_out_body(aggp_ref, degp_ref, rs_ref, w_ref, b_ref, o_ref):
    dinv = _dinv_of(degp_ref)
    a = (aggp_ref[0] + aggp_ref[1] + rs_ref[...]) * dinv
    z = jnp.dot(a, w_ref[...], preferred_element_type=jnp.float32) + b_ref[0:1, :]
    m = jnp.max(z, axis=1, keepdims=True)
    e = jnp.exp(z - m)
    s = jnp.sum(e, axis=1, keepdims=True)
    o_ref[...] = z - m - jnp.log(s)


_tc_out = pl.pallas_call(
    _tc_out_body,
    grid=(TGRID,),
    in_specs=[
        pl.BlockSpec((NC, TBLK, H), lambda i: (0, i, 0)),
        pl.BlockSpec((NC, TBLK, 16), lambda i: (0, i, 0)),
        pl.BlockSpec((TBLK, H), lambda i: (i, 0)),
        pl.BlockSpec((H, 3), lambda i: (0, 0)),
        pl.BlockSpec((8, 3), lambda i: (0, 0)),
    ],
    out_specs=pl.BlockSpec((TBLK, 3), lambda i: (i, 0)),
    out_shape=jax.ShapeDtypeStruct((N, 3), jnp.float32),
)


def kernel(x, edge_index, W1, b1, W2, b2):
    pad = EPAD - E
    pad_ar = jnp.arange(pad, dtype=jnp.int32)
    pad2 = jnp.stack([pad_ar & 8191, N + (pad_ar & 127)])
    e3 = jnp.concatenate([edge_index, pad2], axis=1).reshape(2, NW * ROWS_W, 128)

    h = _tc_mm(x, W1)
    degp = _sc_deg(e3)

    hs = _tc_scale(h, degp)
    agg1 = _sc_agg(hs, e3)

    b1r = jnp.broadcast_to(b1[None, :], (8, H))
    rs = _tc_relu(agg1, degp, hs, b1r)
    agg2 = _sc_agg(rs, e3)

    b2r = jnp.broadcast_to(b2[None, :], (8, 3))
    return _tc_out(agg2, degp, rs, W2, b2r)

# --- scband reference (transcript-rebuilt; emitter-appended) ---
"""Pipeline reference for scband-regime-gnn-27101243637869 (READ-ONLY COPY).

The authoritative reference and input builder live on the scoring server;
editing this copy changes nothing except your own understanding.
"""

import jax, jax.numpy as jnp
import numpy as np

N = 10000
E = 320000
D = 128
H = 64
C = 3


def setup_inputs(seed: int = 0):
    key = jax.random.key(seed)
    k1, k2, k3, k4 = jax.random.split(key, 4)
    x = jax.random.normal(k1, (N, D), dtype=jnp.float32)
    edge_index = jax.random.randint(k2, (2, E), 0, N, dtype=jnp.int32)
    W1 = jax.random.normal(k3, (D, H), dtype=jnp.float32) * (1.0 / np.sqrt(D))
    b1 = jnp.zeros((H,), dtype=jnp.float32)
    W2 = jax.random.normal(k4, (H, C), dtype=jnp.float32) * (1.0 / np.sqrt(H))
    b2 = jnp.zeros((C,), dtype=jnp.float32)
    return {"x": x, "edge_index": edge_index, "W1": W1, "b1": b1, "W2": W2, "b2": b2}


def _gcn_conv(x, src, dst, W, b, num_nodes):
    # GCNConv with symmetric normalization (self-loops already appended to src/dst)
    h = x @ W
    ones = jnp.ones(src.shape[0], dtype=x.dtype)
    deg = jnp.zeros((num_nodes,), dtype=x.dtype).at[dst].add(ones)
    dinv = jnp.where(deg > 0, jax.lax.rsqrt(deg), 0.0)
    norm = dinv[src] * dinv[dst]
    msg = h[src] * norm[:, None]
    out = jax.ops.segment_sum(msg, dst, num_segments=num_nodes)
    return out + b


def reference(x, edge_index, W1, b1, W2, b2):
    num_nodes = x.shape[0]
    loop = jnp.arange(num_nodes, dtype=edge_index.dtype)
    src = jnp.concatenate([edge_index[0], loop])
    dst = jnp.concatenate([edge_index[1], loop])
    h = _gcn_conv(x, src, dst, W1, b1, num_nodes)
    h = jax.nn.relu(h)
    h = _gcn_conv(h, src, dst, W2, b2, num_nodes)
    return jax.nn.log_softmax(h, axis=1)

if __name__ == "__main__":
    import jax
    _d = setup_inputs()
    print(jax.jit(kernel)(*tuple(_d.values())))

</pallas_src>

<mosaic_0001>
#map = affine_map<(d0, d1) -> (0, 0)>
#map1 = affine_map<(d0, d1) -> (0, 0, 0)>
module attributes {stable_mosaic.version = 14 : i64} {
  func.func @_sc_agg(%arg0: i32, %arg1: i32, %arg2: memref<10000x64xf32, #tpu.memory_space<hbm>>, %arg3: memref<2x2560x128xi32, #tpu.memory_space<hbm>>, %arg4: memref<2x10240x64xf32, #tpu.memory_space<hbm>>, %arg5: memref<80x128xi32, #tpu.memory_space<vmem>>, %arg6: memref<80x128xi32, #tpu.memory_space<vmem>>, %arg7: memref<2x512x64xf32, #tpu.memory_space<vmem>>, %arg8: memref<!tpu.dma_semaphore, #tpu.memory_space<semaphore_mem>>, %arg9: memref<!tpu.dma_semaphore, #tpu.memory_space<semaphore_mem>>, %arg10: memref<10240x64xf32, #tpu.memory_space<vmem_shared>>) attributes {dimension_semantics = [#tpu.dimension_semantics<core_parallel>, #tpu.dimension_semantics<subcore_parallel>], iteration_bounds = array<i64: 2, 16>, scalar_prefetch = 0 : i64, scratch_operands = 6 : i64, tpu.core_type = #tpu.core_type<sc_vector_subcore>, window_params = [{transform_indices = #map}, {transform_indices = #map1}, {transform_indices = #map1}]} {
    %mul3A = arith.constant 16 : i32
    %mul3A_0 = arith.muli %arg0, %mul3A : i32
    %add3A = arith.addi %mul3A_0, %arg1 : i32
    %broadcast_in_dim3A = arith.constant 0.000000e+00 : f32
    %broadcast_in_dim3A_1 = vector.broadcast %broadcast_in_dim3A : f32 to vector<16xf32>
    %scan3A = arith.constant 0 : i32
    %scan3A_2 = arith.constant 0 : i32
    %scan3A_3 = arith.constant 128 : i32
    %scan3A_4 = arith.addi %scan3A_2, %scan3A_3 : i32
    %scan3A_5 = arith.constant 1 : i32
    scf.for %scan3A_190 = %scan3A_2 to %scan3A_4 step %scan3A_5  : i32 {
      %swap3A = arith.constant 0 : i32
      %swap3A_191 = arith.index_cast %swap3A : i32 to index
      %swap3A_192 = arith.index_cast %scan3A_190 : i32 to index
      %swap3A_193 = arith.constant 0 : index
      %swap3A_194 = tpu.vector_load %arg7[%swap3A_191, %swap3A_192, %swap3A_193] {strides = array<i32>} : memref<2x512x64xf32, #tpu.memory_space<vmem>>, vector<1x1x16xf32>,
      %swap3A_195 = vector.shape_cast %swap3A_194 : vector<1x1x16xf32> to vector<16xf32>
      %swap3A_196 = vector.shape_cast %broadcast_in_dim3A_1 : vector<16xf32> to vector<1x1x16xf32>
      tpu.vector_store %arg7[%swap3A_191, %swap3A_192, %swap3A_193], %swap3A_196 {strides = array<i32>} : memref<2x512x64xf32, #tpu.memory_space<vmem>>, vector<1x1x16xf32>,
      %swap3A_197 = arith.constant 0 : i32
      %swap3A_198 = arith.index_cast %swap3A_197 : i32 to index
      %swap3A_199 = arith.index_cast %scan3A_190 : i32 to index
      %swap3A_200 = arith.constant 16 : index
      %swap3A_201 = tpu.vector_load %arg7[%swap3A_198, %swap3A_199, %swap3A_200] {strides = array<i32>} : memref<2x512x64xf32, #tpu.memory_space<vmem>>, vector<1x1x16xf32>,
      %swap3A_202 = vector.shape_cast %swap3A_201 : vector<1x1x16xf32> to vector<16xf32>
      %swap3A_203 = vector.shape_cast %broadcast_in_dim3A_1 : vector<16xf32> to vector<1x1x16xf32>
      tpu.vector_store %arg7[%swap3A_198, %swap3A_199, %swap3A_200], %swap3A_203 {strides = array<i32>} : memref<2x512x64xf32, #tpu.memory_space<vmem>>, vector<1x1x16xf32>,
      %swap3A_204 = arith.constant 0 : i32
      %swap3A_205 = arith.index_cast %swap3A_204 : i32 to index
      %swap3A_206 = arith.index_cast %scan3A_190 : i32 to index
      %swap3A_207 = arith.constant 32 : index
      %swap3A_208 = tpu.vector_load %arg7[%swap3A_205, %swap3A_206, %swap3A_207] {strides = array<i32>} : memref<2x512x64xf32, #tpu.memory_space<vmem>>, vector<1x1x16xf32>,
      %swap3A_209 = vector.shape_cast %swap3A_208 : vector<1x1x16xf32> to vector<16xf32>
      %swap3A_210 = vector.shape_cast %broadcast_in_dim3A_1 : vector<16xf32> to vector<1x1x16xf32>
      tpu.vector_store %arg7[%swap3A_205, %swap3A_206, %swap3A_207], %swap3A_210 {strides = array<i32>} : memref<2x512x64xf32, #tpu.memory_space<vmem>>, vector<1x1x16xf32>,
      %swap3A_211 = arith.constant 0 : i32
      %swap3A_212 = arith.index_cast %swap3A_211 : i32 to index
      %swap3A_213 = arith.index_cast %scan3A_190 : i32 to index
      %swap3A_214 = arith.constant 48 : index
      %swap3A_215 = tpu.vector_load %arg7[%swap3A_212, %swap3A_213, %swap3A_214] {strides = array<i32>} : memref<2x512x64xf32, #tpu.memory_space<vmem>>, vector<1x1x16xf32>,
      %swap3A_216 = vector.shape_cast %swap3A_215 : vector<1x1x16xf32> to vector<16xf32>
      %swap3A_217 = vector.shape_cast %broadcast_in_dim3A_1 : vector<16xf32> to vector<1x1x16xf32>
      tpu.vector_store %arg7[%swap3A_212, %swap3A_213, %swap3A_214], %swap3A_217 {strides = array<i32>} : memref<2x512x64xf32, #tpu.memory_space<vmem>>, vector<1x1x16xf32>,
    }
    %scan3A_6 = arith.constant 128 : i32
    %mul3A_7 = arith.constant 640 : i32
    %mul3A_8 = arith.muli %arg1, %mul3A_7 : i32
    %add3A_9 = arith.constant 0 : i32
    %add3A_10 = arith.addi %mul3A_8, %add3A_9 : i32
    %run_scoped3A = arith.constant 0 : i32
    "tpu.region"() ({
      %run_scoped3A_190 = tpu.sem_alloc : memref<!tpu.dma_semaphore, #tpu.memory_space<semaphore_mem>>
      %dma_start3A_191 = arith.constant 0 : i32
      %dma_start3A_192 = arith.constant 0 : i32
      %dma_start3A_193 = tpu.memref_slice %arg7[%run_scoped3A, %dma_start3A_191, %dma_start3A_192] : memref<2x512x64xf32, #tpu.memory_space<vmem>> -> memref<1x512x64xf32, #tpu.memory_space<vmem>>
      %dma_start3A_194 = tpu.memref_squeeze %dma_start3A_193 : memref<1x512x64xf32, #tpu.memory_space<vmem>> -> memref<512x64xf32, #tpu.memory_space<vmem>>
      %dma_start3A_195 = arith.constant 0 : i32
      %dma_start3A_196 = arith.constant 0 : i32
      %dma_start3A_197 = tpu.memref_slice %dma_start3A_194[%dma_start3A_195, %dma_start3A_196] : memref<512x64xf32, #tpu.memory_space<vmem>> -> memref<128x64xf32, #tpu.memory_space<vmem>>
      %dma_start3A_198 = arith.constant 0 : i32
      %dma_start3A_199 = tpu.memref_slice %arg10[%add3A_10, %dma_start3A_198] : memref<10240x64xf32, #tpu.memory_space<vmem_shared>> -> memref<128x64xf32, #tpu.memory_space<vmem_shared>>
      %dma_start3A_200 = arith.constant 0 : i32
      %dma_start3A_201 = tpu.memref_slice %arg10[%add3A_10, %dma_start3A_200] : memref<10240x64xf32, #tpu.memory_space<vmem_shared>> -> memref<128x64xf32, #tpu.memory_space<vmem_shared>>
      %dma_start3A_202 = arith.constant 0 : i32
      %dma_start3A_203 = arith.constant 0 : i32
      %dma_start3A_204 = tpu.memref_slice %arg7[%run_scoped3A, %dma_start3A_202, %dma_start3A_203] : memref<2x512x64xf32, #tpu.memory_space<vmem>> -> memref<1x512x64xf32, #tpu.memory_space<vmem>>
      %dma_start3A_205 = tpu.memref_squeeze %dma_start3A_204 : memref<1x512x64xf32, #tpu.memory_space<vmem>> -> memref<512x64xf32, #tpu.memory_space<vmem>>
      %dma_start3A_206 = arith.constant 0 : i32
      %dma_start3A_207 = arith.constant 0 : i32
      %dma_start3A_208 = tpu.memref_slice %dma_start3A_205[%dma_start3A_206, %dma_start3A_207] : memref<512x64xf32, #tpu.memory_space<vmem>> -> memref<128x64xf32, #tpu.memory_space<vmem>>
      tpu.enqueue_dma source(%dma_start3A_208 : memref<128x64xf32, #tpu.memory_space<vmem>>) target(%dma_start3A_201 : memref<128x64xf32, #tpu.memory_space<vmem_shared>>) target_semaphore(%run_scoped3A_190 : memref<!tpu.dma_semaphore, #tpu.memory_space<semaphore_mem>>)
      %dma_wait3A_209 = arith.constant 0 : i32
      %dma_wait3A_210 = arith.constant 0 : i32
      %dma_wait3A_211 = tpu.memref_slice %arg7[%run_scoped3A, %dma_wait3A_209, %dma_wait3A_210] : memref<2x512x64xf32, #tpu.memory_space<vmem>> -> memref<1x512x64xf32, #tpu.memory_space<vmem>>
      %dma_wait3A_212 = tpu.memref_squeeze %dma_wait3A_211 : memref<1x512x64xf32, #tpu.memory_space<vmem>> -> memref<512x64xf32, #tpu.memory_space<vmem>>
      %dma_wait3A_213 = arith.constant 0 : i32
      %dma_wait3A_214 = arith.constant 0 : i32
      %dma_wait3A_215 = tpu.memref_slice %dma_wait3A_212[%dma_wait3A_213, %dma_wait3A_214] : memref<512x64xf32, #tpu.memory_space<vmem>> -> memref<128x64xf32, #tpu.memory_space<vmem>>
      %dma_wait3A_216 = arith.constant 0 : i32
      %dma_wait3A_217 = tpu.memref_slice %arg10[%add3A_10, %dma_wait3A_216] : memref<10240x64xf32, #tpu.memory_space<vmem_shared>> -> memref<128x64xf32, #tpu.memory_space<vmem_shared>>
      %dma_wait3A_218 = arith.constant 0 : i32
      %dma_wait3A_219 = tpu.memref_slice %arg10[%add3A_10, %dma_wait3A_218] : memref<10240x64xf32, #tpu.memory_space<vmem_shared>> -> memref<128x64xf32, #tpu.memory_space<vmem_shared>>
      %dma_wait3A_220 = arith.constant 0 : i32
      %dma_wait3A_221 = arith.constant 0 : i32
      %dma_wait3A_222 = tpu.memref_slice %arg7[%run_scoped3A, %dma_wait3A_220, %dma_wait3A_221] : memref<2x512x64xf32, #tpu.memory_space<vmem>> -> memref<1x512x64xf32, #tpu.memory_space<vmem>>
      %dma_wait3A_223 = tpu.memref_squeeze %dma_wait3A_222 : memref<1x512x64xf32, #tpu.memory_space<vmem>> -> memref<512x64xf32, #tpu.memory_space<vmem>>
      %dma_wait3A_224 = arith.constant 0 : i32
      %dma_wait3A_225 = arith.constant 0 : i32
      %dma_wait3A_226 = tpu.memref_slice %dma_wait3A_223[%dma_wait3A_224, %dma_wait3A_225] : memref<512x64xf32, #tpu.memory_space<vmem>> -> memref<128x64xf32, #tpu.memory_space<vmem>>
      tpu.wait_dma2 semaphore(%run_scoped3A_190 : memref<!tpu.dma_semaphore, #tpu.memory_space<semaphore_mem>>) src(%dma_wait3A_226 : memref<128x64xf32, #tpu.memory_space<vmem>>) dst(%dma_wait3A_219 : memref<128x64xf32, #tpu.memory_space<vmem_shared>>)
      tpu.yield
    }) : () -> ()
    %mul3A_11 = arith.constant 640 : i32
    %mul3A_12 = arith.muli %arg1, %mul3A_11 : i32
    %add3A_13 = arith.constant 128 : i32
    %add3A_14 = arith.addi %mul3A_12, %add3A_13 : i32
    %run_scoped3A_15 = arith.constant 0 : i32
    "tpu.region"() ({
      %run_scoped3A_190 = tpu.sem_alloc : memref<!tpu.dma_semaphore, #tpu.memory_space<semaphore_mem>>
      %dma_start3A_191 = arith.constant 0 : i32
      %dma_start3A_192 = arith.constant 0 : i32
      %dma_start3A_193 = tpu.memref_slice %arg7[%run_scoped3A_15, %dma_start3A_191, %dma_start3A_192] : memref<2x512x64xf32, #tpu.memory_space<vmem>> -> memref<1x512x64xf32, #tpu.memory_space<vmem>>
      %dma_start3A_194 = tpu.memref_squeeze %dma_start3A_193 : memref<1x512x64xf32, #tpu.memory_space<vmem>> -> memref<512x64xf32, #tpu.memory_space<vmem>>
      %dma_start3A_195 = arith.constant 0 : i32
      %dma_start3A_196 = arith.constant 0 : i32
      %dma_start3A_197 = tpu.memref_slice %dma_start3A_194[%dma_start3A_195, %dma_start3A_196] : memref<512x64xf32, #tpu.memory_space<vmem>> -> memref<128x64xf32, #tpu.memory_space<vmem>>
      %dma_start3A_198 = arith.constant 0 : i32
      %dma_start3A_199 = tpu.memref_slice %arg10[%add3A_14, %dma_start3A_198] : memref<10240x64xf32, #tpu.memory_space<vmem_shared>> -> memref<128x64xf32, #tpu.memory_space<vmem_shared>>
      %dma_start3A_200 = arith.constant 0 : i32
      %dma_start3A_201 = tpu.memref_slice %arg10[%add3A_14, %dma_start3A_200] : memref<10240x64xf32, #tpu.memory_space<vmem_shared>> -> memref<128x64xf32, #tpu.memory_space<vmem_shared>>
      %dma_start3A_202 = arith.constant 0 : i32
      %dma_start3A_203 = arith.constant 0 : i32
      %dma_start3A_204 = tpu.memref_slice %arg7[%run_scoped3A_15, %dma_start3A_202, %dma_start3A_203] : memref<2x512x64xf32, #tpu.memory_space<vmem>> -> memref<1x512x64xf32, #tpu.memory_space<vmem>>
      %dma_start3A_205 = tpu.memref_squeeze %dma_start3A_204 : memref<1x512x64xf32, #tpu.memory_space<vmem>> -> memref<512x64xf32, #tpu.memory_space<vmem>>
      %dma_start3A_206 = arith.constant 0 : i32
      %dma_start3A_207 = arith.constant 0 : i32
      %dma_start3A_208 = tpu.memref_slice %dma_start3A_205[%dma_start3A_206, %dma_start3A_207] : memref<512x64xf32, #tpu.memory_space<vmem>> -> memref<128x64xf32, #tpu.memory_space<vmem>>
      tpu.enqueue_dma source(%dma_start3A_208 : memref<128x64xf32, #tpu.memory_space<vmem>>) target(%dma_start3A_201 : memref<128x64xf32, #tpu.memory_space<vmem_shared>>) target_semaphore(%run_scoped3A_190 : memref<!tpu.dma_semaphore, #tpu.memory_space<semaphore_mem>>)
      %dma_wait3A_209 = arith.constant 0 : i32
      %dma_wait3A_210 = arith.constant 0 : i32
      %dma_wait3A_211 = tpu.memref_slice %arg7[%run_scoped3A_15, %dma_wait3A_209, %dma_wait3A_210] : memref<2x512x64xf32, #tpu.memory_space<vmem>> -> memref<1x512x64xf32, #tpu.memory_space<vmem>>
      %dma_wait3A_212 = tpu.memref_squeeze %dma_wait3A_211 : memref<1x512x64xf32, #tpu.memory_space<vmem>> -> memref<512x64xf32, #tpu.memory_space<vmem>>
      %dma_wait3A_213 = arith.constant 0 : i32
      %dma_wait3A_214 = arith.constant 0 : i32
      %dma_wait3A_215 = tpu.memref_slice %dma_wait3A_212[%dma_wait3A_213, %dma_wait3A_214] : memref<512x64xf32, #tpu.memory_space<vmem>> -> memref<128x64xf32, #tpu.memory_space<vmem>>
      %dma_wait3A_216 = arith.constant 0 : i32
      %dma_wait3A_217 = tpu.memref_slice %arg10[%add3A_14, %dma_wait3A_216] : memref<10240x64xf32, #tpu.memory_space<vmem_shared>> -> memref<128x64xf32, #tpu.memory_space<vmem_shared>>
      %dma_wait3A_218 = arith.constant 0 : i32
      %dma_wait3A_219 = tpu.memref_slice %arg10[%add3A_14, %dma_wait3A_218] : memref<10240x64xf32, #tpu.memory_space<vmem_shared>> -> memref<128x64xf32, #tpu.memory_space<vmem_shared>>
      %dma_wait3A_220 = arith.constant 0 : i32
      %dma_wait3A_221 = arith.constant 0 : i32
      %dma_wait3A_222 = tpu.memref_slice %arg7[%run_scoped3A_15, %dma_wait3A_220, %dma_wait3A_221] : memref<2x512x64xf32, #tpu.memory_space<vmem>> -> memref<1x512x64xf32, #tpu.memory_space<vmem>>
      %dma_wait3A_223 = tpu.memref_squeeze %dma_wait3A_222 : memref<1x512x64xf32, #tpu.memory_space<vmem>> -> memref<512x64xf32, #tpu.memory_space<vmem>>
      %dma_wait3A_224 = arith.constant 0 : i32
      %dma_wait3A_225 = arith.constant 0 : i32
      %dma_wait3A_226 = tpu.memref_slice %dma_wait3A_223[%dma_wait3A_224, %dma_wait3A_225] : memref<512x64xf32, #tpu.memory_space<vmem>> -> memref<128x64xf32, #tpu.memory_space<vmem>>
      tpu.wait_dma2 semaphore(%run_scoped3A_190 : memref<!tpu.dma_semaphore, #tpu.memory_space<semaphore_mem>>) src(%dma_wait3A_226 : memref<128x64xf32, #tpu.memory_space<vmem>>) dst(%dma_wait3A_219 : memref<128x64xf32, #tpu.memory_space<vmem_shared>>)
      tpu.yield
    }) : () -> ()
    %mul3A_16 = arith.constant 640 : i32
    %mul3A_17 = arith.muli %arg1, %mul3A_16 : i32
    %add3A_18 = arith.constant 256 : i32
    %add3A_19 = arith.addi %mul3A_17, %add3A_18 : i32
    %run_scoped3A_20 = arith.constant 0 : i32
    "tpu.region"() ({
      %run_scoped3A_190 = tpu.sem_alloc : memref<!tpu.dma_semaphore, #tpu.memory_space<semaphore_mem>>
      %dma_start3A_191 = arith.constant 0 : i32
      %dma_start3A_192 = arith.constant 0 : i32
      %dma_start3A_193 = tpu.memref_slice %arg7[%run_scoped3A_20, %dma_start3A_191, %dma_start3A_192] : memref<2x512x64xf32, #tpu.memory_space<vmem>> -> memref<1x512x64xf32, #tpu.memory_space<vmem>>
      %dma_start3A_194 = tpu.memref_squeeze %dma_start3A_193 : memref<1x512x64xf32, #tpu.memory_space<vmem>> -> memref<512x64xf32, #tpu.memory_space<vmem>>
      %dma_start3A_195 = arith.constant 0 : i32
      %dma_start3A_196 = arith.constant 0 : i32
      %dma_start3A_197 = tpu.memref_slice %dma_start3A_194[%dma_start3A_195, %dma_start3A_196] : memref<512x64xf32, #tpu.memory_space<vmem>> -> memref<128x64xf32, #tpu.memory_space<vmem>>
      %dma_start3A_198 = arith.constant 0 : i32
      %dma_start3A_199 = tpu.memref_slice %arg10[%add3A_19, %dma_start3A_198] : memref<10240x64xf32, #tpu.memory_space<vmem_shared>> -> memref<128x64xf32, #tpu.memory_space<vmem_shared>>
      %dma_start3A_200 = arith.constant 0 : i32
      %dma_start3A_201 = tpu.memref_slice %arg10[%add3A_19, %dma_start3A_200] : memref<10240x64xf32, #tpu.memory_space<vmem_shared>> -> memref<128x64xf32, #tpu.memory_space<vmem_shared>>
      %dma_start3A_202 = arith.constant 0 : i32
      %dma_start3A_203 = arith.constant 0 : i32
      %dma_start3A_204 = tpu.memref_slice %arg7[%run_scoped3A_20, %dma_start3A_202, %dma_start3A_203] : memref<2x512x64xf32, #tpu.memory_space<vmem>> -> memref<1x512x64xf32, #tpu.memory_space<vmem>>
      %dma_start3A_205 = tpu.memref_squeeze %dma_start3A_204 : memref<1x512x64xf32, #tpu.memory_space<vmem>> -> memref<512x64xf32, #tpu.memory_space<vmem>>
      %dma_start3A_206 = arith.constant 0 : i32
      %dma_start3A_207 = arith.constant 0 : i32
      %dma_start3A_208 = tpu.memref_slice %dma_start3A_205[%dma_start3A_206, %dma_start3A_207] : memref<512x64xf32, #tpu.memory_space<vmem>> -> memref<128x64xf32, #tpu.memory_space<vmem>>
      tpu.enqueue_dma source(%dma_start3A_208 : memref<128x64xf32, #tpu.memory_space<vmem>>) target(%dma_start3A_201 : memref<128x64xf32, #tpu.memory_space<vmem_shared>>) target_semaphore(%run_scoped3A_190 : memref<!tpu.dma_semaphore, #tpu.memory_space<semaphore_mem>>)
      %dma_wait3A_209 = arith.constant 0 : i32
      %dma_wait3A_210 = arith.constant 0 : i32
      %dma_wait3A_211 = tpu.memref_slice %arg7[%run_scoped3A_20, %dma_wait3A_209, %dma_wait3A_210] : memref<2x512x64xf32, #tpu.memory_space<vmem>> -> memref<1x512x64xf32, #tpu.memory_space<vmem>>
      %dma_wait3A_212 = tpu.memref_squeeze %dma_wait3A_211 : memref<1x512x64xf32, #tpu.memory_space<vmem>> -> memref<512x64xf32, #tpu.memory_space<vmem>>
      %dma_wait3A_213 = arith.constant 0 : i32
      %dma_wait3A_214 = arith.constant 0 : i32
      %dma_wait3A_215 = tpu.memref_slice %dma_wait3A_212[%dma_wait3A_213, %dma_wait3A_214] : memref<512x64xf32, #tpu.memory_space<vmem>> -> memref<128x64xf32, #tpu.memory_space<vmem>>
      %dma_wait3A_216 = arith.constant 0 : i32
      %dma_wait3A_217 = tpu.memref_slice %arg10[%add3A_19, %dma_wait3A_216] : memref<10240x64xf32, #tpu.memory_space<vmem_shared>> -> memref<128x64xf32, #tpu.memory_space<vmem_shared>>
      %dma_wait3A_218 = arith.constant 0 : i32
      %dma_wait3A_219 = tpu.memref_slice %arg10[%add3A_19, %dma_wait3A_218] : memref<10240x64xf32, #tpu.memory_space<vmem_shared>> -> memref<128x64xf32, #tpu.memory_space<vmem_shared>>
      %dma_wait3A_220 = arith.constant 0 : i32
      %dma_wait3A_221 = arith.constant 0 : i32
      %dma_wait3A_222 = tpu.memref_slice %arg7[%run_scoped3A_20, %dma_wait3A_220, %dma_wait3A_221] : memref<2x512x64xf32, #tpu.memory_space<vmem>> -> memref<1x512x64xf32, #tpu.memory_space<vmem>>
      %dma_wait3A_223 = tpu.memref_squeeze %dma_wait3A_222 : memref<1x512x64xf32, #tpu.memory_space<vmem>> -> memref<512x64xf32, #tpu.memory_space<vmem>>
      %dma_wait3A_224 = arith.constant 0 : i32
      %dma_wait3A_225 = arith.constant 0 : i32
      %dma_wait3A_226 = tpu.memref_slice %dma_wait3A_223[%dma_wait3A_224, %dma_wait3A_225] : memref<512x64xf32, #tpu.memory_space<vmem>> -> memref<128x64xf32, #tpu.memory_space<vmem>>
      tpu.wait_dma2 semaphore(%run_scoped3A_190 : memref<!tpu.dma_semaphore, #tpu.memory_space<semaphore_mem>>) src(%dma_wait3A_226 : memref<128x64xf32, #tpu.memory_space<vmem>>) dst(%dma_wait3A_219 : memref<128x64xf32, #tpu.memory_space<vmem_shared>>)
      tpu.yield
    }) : () -> ()
    %mul3A_21 = arith.constant 640 : i32
    %mul3A_22 = arith.muli %arg1, %mul3A_21 : i32
    %add3A_23 = arith.constant 384 : i32
    %add3A_24 = arith.addi %mul3A_22, %add3A_23 : i32
    %run_scoped3A_25 = arith.constant 0 : i32
    "tpu.region"() ({
      %run_scoped3A_190 = tpu.sem_alloc : memref<!tpu.dma_semaphore, #tpu.memory_space<semaphore_mem>>
      %dma_start3A_191 = arith.constant 0 : i32
      %dma_start3A_192 = arith.constant 0 : i32
      %dma_start3A_193 = tpu.memref_slice %arg7[%run_scoped3A_25, %dma_start3A_191, %dma_start3A_192] : memref<2x512x64xf32, #tpu.memory_space<vmem>> -> memref<1x512x64xf32, #tpu.memory_space<vmem>>
      %dma_start3A_194 = tpu.memref_squeeze %dma_start3A_193 : memref<1x512x64xf32, #tpu.memory_space<vmem>> -> memref<512x64xf32, #tpu.memory_space<vmem>>
      %dma_start3A_195 = arith.constant 0 : i32
      %dma_start3A_196 = arith.constant 0 : i32
      %dma_start3A_197 = tpu.memref_slice %dma_start3A_194[%dma_start3A_195, %dma_start3A_196] : memref<512x64xf32, #tpu.memory_space<vmem>> -> memref<128x64xf32, #tpu.memory_space<vmem>>
      %dma_start3A_198 = arith.constant 0 : i32
      %dma_start3A_199 = tpu.memref_slice %arg10[%add3A_24, %dma_start3A_198] : memref<10240x64xf32, #tpu.memory_space<vmem_shared>> -> memref<128x64xf32, #tpu.memory_space<vmem_shared>>
      %dma_start3A_200 = arith.constant 0 : i32
      %dma_start3A_201 = tpu.memref_slice %arg10[%add3A_24, %dma_start3A_200] : memref<10240x64xf32, #tpu.memory_space<vmem_shared>> -> memref<128x64xf32, #tpu.memory_space<vmem_shared>>
      %dma_start3A_202 = arith.constant 0 : i32
      %dma_start3A_203 = arith.constant 0 : i32
      %dma_start3A_204 = tpu.memref_slice %arg7[%run_scoped3A_25, %dma_start3A_202, %dma_start3A_203] : memref<2x512x64xf32, #tpu.memory_space<vmem>> -> memref<1x512x64xf32, #tpu.memory_space<vmem>>
      %dma_start3A_205 = tpu.memref_squeeze %dma_start3A_204 : memref<1x512x64xf32, #tpu.memory_space<vmem>> -> memref<512x64xf32, #tpu.memory_space<vmem>>
      %dma_start3A_206 = arith.constant 0 : i32
      %dma_start3A_207 = arith.constant 0 : i32
      %dma_start3A_208 = tpu.memref_slice %dma_start3A_205[%dma_start3A_206, %dma_start3A_207] : memref<512x64xf32, #tpu.memory_space<vmem>> -> memref<128x64xf32, #tpu.memory_space<vmem>>
      tpu.enqueue_dma source(%dma_start3A_208 : memref<128x64xf32, #tpu.memory_space<vmem>>) target(%dma_start3A_201 : memref<128x64xf32, #tpu.memory_space<vmem_shared>>) target_semaphore(%run_scoped3A_190 : memref<!tpu.dma_semaphore, #tpu.memory_space<semaphore_mem>>)
      %dma_wait3A_209 = arith.constant 0 : i32
      %dma_wait3A_210 = arith.constant 0 : i32
      %dma_wait3A_211 = tpu.memref_slice %arg7[%run_scoped3A_25, %dma_wait3A_209, %dma_wait3A_210] : memref<2x512x64xf32, #tpu.memory_space<vmem>> -> memref<1x512x64xf32, #tpu.memory_space<vmem>>
      %dma_wait3A_212 = tpu.memref_squeeze %dma_wait3A_211 : memref<1x512x64xf32, #tpu.memory_space<vmem>> -> memref<512x64xf32, #tpu.memory_space<vmem>>
      %dma_wait3A_213 = arith.constant 0 : i32
      %dma_wait3A_214 = arith.constant 0 : i32
      %dma_wait3A_215 = tpu.memref_slice %dma_wait3A_212[%dma_wait3A_213, %dma_wait3A_214] : memref<512x64xf32, #tpu.memory_space<vmem>> -> memref<128x64xf32, #tpu.memory_space<vmem>>
      %dma_wait3A_216 = arith.constant 0 : i32
      %dma_wait3A_217 = tpu.memref_slice %arg10[%add3A_24, %dma_wait3A_216] : memref<10240x64xf32, #tpu.memory_space<vmem_shared>> -> memref<128x64xf32, #tpu.memory_space<vmem_shared>>
      %dma_wait3A_218 = arith.constant 0 : i32
      %dma_wait3A_219 = tpu.memref_slice %arg10[%add3A_24, %dma_wait3A_218] : memref<10240x64xf32, #tpu.memory_space<vmem_shared>> -> memref<128x64xf32, #tpu.memory_space<vmem_shared>>
      %dma_wait3A_220 = arith.constant 0 : i32
      %dma_wait3A_221 = arith.constant 0 : i32
      %dma_wait3A_222 = tpu.memref_slice %arg7[%run_scoped3A_25, %dma_wait3A_220, %dma_wait3A_221] : memref<2x512x64xf32, #tpu.memory_space<vmem>> -> memref<1x512x64xf32, #tpu.memory_space<vmem>>
      %dma_wait3A_223 = tpu.memref_squeeze %dma_wait3A_222 : memref<1x512x64xf32, #tpu.memory_space<vmem>> -> memref<512x64xf32, #tpu.memory_space<vmem>>
      %dma_wait3A_224 = arith.constant 0 : i32
      %dma_wait3A_225 = arith.constant 0 : i32
      %dma_wait3A_226 = tpu.memref_slice %dma_wait3A_223[%dma_wait3A_224, %dma_wait3A_225] : memref<512x64xf32, #tpu.memory_space<vmem>> -> memref<128x64xf32, #tpu.memory_space<vmem>>
      tpu.wait_dma2 semaphore(%run_scoped3A_190 : memref<!tpu.dma_semaphore, #tpu.memory_space<semaphore_mem>>) src(%dma_wait3A_226 : memref<128x64xf32, #tpu.memory_space<vmem>>) dst(%dma_wait3A_219 : memref<128x64xf32, #tpu.memory_space<vmem_shared>>)
      tpu.yield
    }) : () -> ()
    %mul3A_26 = arith.constant 640 : i32
    %mul3A_27 = arith.muli %arg1, %mul3A_26 : i32
    %add3A_28 = arith.constant 512 : i32
    %add3A_29 = arith.addi %mul3A_27, %add3A_28 : i32
    %run_scoped3A_30 = arith.constant 0 : i32
    "tpu.region"() ({
      %run_scoped3A_190 = tpu.sem_alloc : memref<!tpu.dma_semaphore, #tpu.memory_space<semaphore_mem>>
      %dma_start3A_191 = arith.constant 0 : i32
      %dma_start3A_192 = arith.constant 0 : i32
      %dma_start3A_193 = tpu.memref_slice %arg7[%run_scoped3A_30, %dma_start3A_191, %dma_start3A_192] : memref<2x512x64xf32, #tpu.memory_space<vmem>> -> memref<1x512x64xf32, #tpu.memory_space<vmem>>
      %dma_start3A_194 = tpu.memref_squeeze %dma_start3A_193 : memref<1x512x64xf32, #tpu.memory_space<vmem>> -> memref<512x64xf32, #tpu.memory_space<vmem>>
      %dma_start3A_195 = arith.constant 0 : i32
      %dma_start3A_196 = arith.constant 0 : i32
      %dma_start3A_197 = tpu.memref_slice %dma_start3A_194[%dma_start3A_195, %dma_start3A_196] : memref<512x64xf32, #tpu.memory_space<vmem>> -> memref<128x64xf32, #tpu.memory_space<vmem>>
      %dma_start3A_198 = arith.constant 0 : i32
      %dma_start3A_199 = tpu.memref_slice %arg10[%add3A_29, %dma_start3A_198] : memref<10240x64xf32, #tpu.memory_space<vmem_shared>> -> memref<128x64xf32, #tpu.memory_space<vmem_shared>>
      %dma_start3A_200 = arith.constant 0 : i32
      %dma_start3A_201 = tpu.memref_slice %arg10[%add3A_29, %dma_start3A_200] : memref<10240x64xf32, #tpu.memory_space<vmem_shared>> -> memref<128x64xf32, #tpu.memory_space<vmem_shared>>
      %dma_start3A_202 = arith.constant 0 : i32
      %dma_start3A_203 = arith.constant 0 : i32
      %dma_start3A_204 = tpu.memref_slice %arg7[%run_scoped3A_30, %dma_start3A_202, %dma_start3A_203] : memref<2x512x64xf32, #tpu.memory_space<vmem>> -> memref<1x512x64xf32, #tpu.memory_space<vmem>>
      %dma_start3A_205 = tpu.memref_squeeze %dma_start3A_204 : memref<1x512x64xf32, #tpu.memory_space<vmem>> -> memref<512x64xf32, #tpu.memory_space<vmem>>
      %dma_start3A_206 = arith.constant 0 : i32
      %dma_start3A_207 = arith.constant 0 : i32
      %dma_start3A_208 = tpu.memref_slice %dma_start3A_205[%dma_start3A_206, %dma_start3A_207] : memref<512x64xf32, #tpu.memory_space<vmem>> -> memref<128x64xf32, #tpu.memory_space<vmem>>
      tpu.enqueue_dma source(%dma_start3A_208 : memref<128x64xf32, #tpu.memory_space<vmem>>) target(%dma_start3A_201 : memref<128x64xf32, #tpu.memory_space<vmem_shared>>) target_semaphore(%run_scoped3A_190 : memref<!tpu.dma_semaphore, #tpu.memory_space<semaphore_mem>>)
      %dma_wait3A_209 = arith.constant 0 : i32
      %dma_wait3A_210 = arith.constant 0 : i32
      %dma_wait3A_211 = tpu.memref_slice %arg7[%run_scoped3A_30, %dma_wait3A_209, %dma_wait3A_210] : memref<2x512x64xf32, #tpu.memory_space<vmem>> -> memref<1x512x64xf32, #tpu.memory_space<vmem>>
      %dma_wait3A_212 = tpu.memref_squeeze %dma_wait3A_211 : memref<1x512x64xf32, #tpu.memory_space<vmem>> -> memref<512x64xf32, #tpu.memory_space<vmem>>
      %dma_wait3A_213 = arith.constant 0 : i32
      %dma_wait3A_214 = arith.constant 0 : i32
      %dma_wait3A_215 = tpu.memref_slice %dma_wait3A_212[%dma_wait3A_213, %dma_wait3A_214] : memref<512x64xf32, #tpu.memory_space<vmem>> -> memref<128x64xf32, #tpu.memory_space<vmem>>
      %dma_wait3A_216 = arith.constant 0 : i32
      %dma_wait3A_217 = tpu.memref_slice %arg10[%add3A_29, %dma_wait3A_216] : memref<10240x64xf32, #tpu.memory_space<vmem_shared>> -> memref<128x64xf32, #tpu.memory_space<vmem_shared>>
      %dma_wait3A_218 = arith.constant 0 : i32
      %dma_wait3A_219 = tpu.memref_slice %arg10[%add3A_29, %dma_wait3A_218] : memref<10240x64xf32, #tpu.memory_space<vmem_shared>> -> memref<128x64xf32, #tpu.memory_space<vmem_shared>>
      %dma_wait3A_220 = arith.constant 0 : i32
      %dma_wait3A_221 = arith.constant 0 : i32
      %dma_wait3A_222 = tpu.memref_slice %arg7[%run_scoped3A_30, %dma_wait3A_220, %dma_wait3A_221] : memref<2x512x64xf32, #tpu.memory_space<vmem>> -> memref<1x512x64xf32, #tpu.memory_space<vmem>>
      %dma_wait3A_223 = tpu.memref_squeeze %dma_wait3A_222 : memref<1x512x64xf32, #tpu.memory_space<vmem>> -> memref<512x64xf32, #tpu.memory_space<vmem>>
      %dma_wait3A_224 = arith.constant 0 : i32
      %dma_wait3A_225 = arith.constant 0 : i32
      %dma_wait3A_226 = tpu.memref_slice %dma_wait3A_223[%dma_wait3A_224, %dma_wait3A_225] : memref<512x64xf32, #tpu.memory_space<vmem>> -> memref<128x64xf32, #tpu.memory_space<vmem>>
      tpu.wait_dma2 semaphore(%run_scoped3A_190 : memref<!tpu.dma_semaphore, #tpu.memory_space<semaphore_mem>>) src(%dma_wait3A_226 : memref<128x64xf32, #tpu.memory_space<vmem>>) dst(%dma_wait3A_219 : memref<128x64xf32, #tpu.memory_space<vmem_shared>>)
      tpu.yield
    }) : () -> ()
    %mul3A_31 = arith.constant 80 : i32
    %mul3A_32 = arith.muli %add3A, %mul3A_31 : i32
    %run_scoped3A_33 = arith.constant 0 : i32
    "tpu.region"() ({
      %run_scoped3A_190 = tpu.sem_alloc : memref<!tpu.dma_semaphore, #tpu.memory_space<semaphore_mem>>
      %dma_start3A_191 = arith.constant 0 : i32
      %dma_start3A_192 = arith.constant 0 : i32
      %dma_start3A_193 = tpu.memref_slice %arg3[%run_scoped3A_33, %dma_start3A_191, %dma_start3A_192] : memref<2x2560x128xi32, #tpu.memory_space<hbm>> -> memref<1x2560x128xi32, #tpu.memory_space<hbm>>
      %dma_start3A_194 = tpu.memref_squeeze %dma_start3A_193 : memref<1x2560x128xi32, #tpu.memory_space<hbm>> -> memref<2560x128xi32, #tpu.memory_space<hbm>>
      %dma_start3A_195 = arith.constant 0 : i32
      %dma_start3A_196 = tpu.memref_slice %dma_start3A_194[%mul3A_32, %dma_start3A_195] : memref<2560x128xi32, #tpu.memory_space<hbm>> -> memref<80x128xi32, #tpu.memory_space<hbm>>
      %dma_start3A_197 = arith.constant 0 : i32
      %dma_start3A_198 = arith.constant 0 : i32
      %dma_start3A_199 = tpu.memref_slice %arg3[%run_scoped3A_33, %dma_start3A_197, %dma_start3A_198] : memref<2x2560x128xi32, #tpu.memory_space<hbm>> -> memref<1x2560x128xi32, #tpu.memory_space<hbm>>
      %dma_start3A_200 = tpu.memref_squeeze %dma_start3A_199 : memref<1x2560x128xi32, #tpu.memory_space<hbm>> -> memref<2560x128xi32, #tpu.memory_space<hbm>>
      %dma_start3A_201 = arith.constant 0 : i32
      %dma_start3A_202 = tpu.memref_slice %dma_start3A_200[%mul3A_32, %dma_start3A_201] : memref<2560x128xi32, #tpu.memory_space<hbm>> -> memref<80x128xi32, #tpu.memory_space<hbm>>
      tpu.enqueue_dma source(%dma_start3A_202 : memref<80x128xi32, #tpu.memory_space<hbm>>) target(%arg5 : memref<80x128xi32, #tpu.memory_space<vmem>>) target_semaphore(%run_scoped3A_190 : memref<!tpu.dma_semaphore, #tpu.memory_space<semaphore_mem>>)
      %dma_wait3A_203 = arith.constant 0 : i32
      %dma_wait3A_204 = arith.constant 0 : i32
      %dma_wait3A_205 = tpu.memref_slice %arg3[%run_scoped3A_33, %dma_wait3A_203, %dma_wait3A_204] : memref<2x2560x128xi32, #tpu.memory_space<hbm>> -> memref<1x2560x128xi32, #tpu.memory_space<hbm>>
      %dma_wait3A_206 = tpu.memref_squeeze %dma_wait3A_205 : memref<1x2560x128xi32, #tpu.memory_space<hbm>> -> memref<2560x128xi32, #tpu.memory_space<hbm>>
      %dma_wait3A_207 = arith.constant 0 : i32
      %dma_wait3A_208 = tpu.memref_slice %dma_wait3A_206[%mul3A_32, %dma_wait3A_207] : memref<2560x128xi32, #tpu.memory_space<hbm>> -> memref<80x128xi32, #tpu.memory_space<hbm>>
      %dma_wait3A_209 = arith.constant 0 : i32
      %dma_wait3A_210 = arith.constant 0 : i32
      %dma_wait3A_211 = tpu.memref_slice %arg3[%run_scoped3A_33, %dma_wait3A_209, %dma_wait3A_210] : memref<2x2560x128xi32, #tpu.memory_space<hbm>> -> memref<1x2560x128xi32, #tpu.memory_space<hbm>>
      %dma_wait3A_212 = tpu.memref_squeeze %dma_wait3A_211 : memref<1x2560x128xi32, #tpu.memory_space<hbm>> -> memref<2560x128xi32, #tpu.memory_space<hbm>>
      %dma_wait3A_213 = arith.constant 0 : i32
      %dma_wait3A_214 = tpu.memref_slice %dma_wait3A_212[%mul3A_32, %dma_wait3A_213] : memref<2560x128xi32, #tpu.memory_space<hbm>> -> memref<80x128xi32, #tpu.memory_space<hbm>>
      tpu.wait_dma2 semaphore(%run_scoped3A_190 : memref<!tpu.dma_semaphore, #tpu.memory_space<semaphore_mem>>) src(%dma_wait3A_214 : memref<80x128xi32, #tpu.memory_space<hbm>>) dst(%arg5 : memref<80x128xi32, #tpu.memory_space<vmem>>)
      tpu.yield
    }) : () -> ()
    %mul3A_34 = arith.constant 80 : i32
    %mul3A_35 = arith.muli %add3A, %mul3A_34 : i32
    %run_scoped3A_36 = arith.constant 1 : i32
    "tpu.region"() ({
      %run_scoped3A_190 = tpu.sem_alloc : memref<!tpu.dma_semaphore, #tpu.memory_space<semaphore_mem>>
      %dma_start3A_191 = arith.constant 0 : i32
      %dma_start3A_192 = arith.constant 0 : i32
      %dma_start3A_193 = tpu.memref_slice %arg3[%run_scoped3A_36, %dma_start3A_191, %dma_start3A_192] : memref<2x2560x128xi32, #tpu.memory_space<hbm>> -> memref<1x2560x128xi32, #tpu.memory_space<hbm>>
      %dma_start3A_194 = tpu.memref_squeeze %dma_start3A_193 : memref<1x2560x128xi32, #tpu.memory_space<hbm>> -> memref<2560x128xi32, #tpu.memory_space<hbm>>
      %dma_start3A_195 = arith.constant 0 : i32
      %dma_start3A_196 = tpu.memref_slice %dma_start3A_194[%mul3A_35, %dma_start3A_195] : memref<2560x128xi32, #tpu.memory_space<hbm>> -> memref<80x128xi32, #tpu.memory_space<hbm>>
      %dma_start3A_197 = arith.constant 0 : i32
      %dma_start3A_198 = arith.constant 0 : i32
      %dma_start3A_199 = tpu.memref_slice %arg3[%run_scoped3A_36, %dma_start3A_197, %dma_start3A_198] : memref<2x2560x128xi32, #tpu.memory_space<hbm>> -> memref<1x2560x128xi32, #tpu.memory_space<hbm>>
      %dma_start3A_200 = tpu.memref_squeeze %dma_start3A_199 : memref<1x2560x128xi32, #tpu.memory_space<hbm>> -> memref<2560x128xi32, #tpu.memory_space<hbm>>
      %dma_start3A_201 = arith.constant 0 : i32
      %dma_start3A_202 = tpu.memref_slice %dma_start3A_200[%mul3A_35, %dma_start3A_201] : memref<2560x128xi32, #tpu.memory_space<hbm>> -> memref<80x128xi32, #tpu.memory_space<hbm>>
      tpu.enqueue_dma source(%dma_start3A_202 : memref<80x128xi32, #tpu.memory_space<hbm>>) target(%arg6 : memref<80x128xi32, #tpu.memory_space<vmem>>) target_semaphore(%run_scoped3A_190 : memref<!tpu.dma_semaphore, #tpu.memory_space<semaphore_mem>>)
      %dma_wait3A_203 = arith.constant 0 : i32
      %dma_wait3A_204 = arith.constant 0 : i32
      %dma_wait3A_205 = tpu.memref_slice %arg3[%run_scoped3A_36, %dma_wait3A_203, %dma_wait3A_204] : memref<2x2560x128xi32, #tpu.memory_space<hbm>> -> memref<1x2560x128xi32, #tpu.memory_space<hbm>>
      %dma_wait3A_206 = tpu.memref_squeeze %dma_wait3A_205 : memref<1x2560x128xi32, #tpu.memory_space<hbm>> -> memref<2560x128xi32, #tpu.memory_space<hbm>>
      %dma_wait3A_207 = arith.constant 0 : i32
      %dma_wait3A_208 = tpu.memref_slice %dma_wait3A_206[%mul3A_35, %dma_wait3A_207] : memref<2560x128xi32, #tpu.memory_space<hbm>> -> memref<80x128xi32, #tpu.memory_space<hbm>>
      %dma_wait3A_209 = arith.constant 0 : i32
      %dma_wait3A_210 = arith.constant 0 : i32
      %dma_wait3A_211 = tpu.memref_slice %arg3[%run_scoped3A_36, %dma_wait3A_209, %dma_wait3A_210] : memref<2x2560x128xi32, #tpu.memory_space<hbm>> -> memref<1x2560x128xi32, #tpu.memory_space<hbm>>
      %dma_wait3A_212 = tpu.memref_squeeze %dma_wait3A_211 : memref<1x2560x128xi32, #tpu.memory_space<hbm>> -> memref<2560x128xi32, #tpu.memory_space<hbm>>
      %dma_wait3A_213 = arith.constant 0 : i32
      %dma_wait3A_214 = tpu.memref_slice %dma_wait3A_212[%mul3A_35, %dma_wait3A_213] : memref<2560x128xi32, #tpu.memory_space<hbm>> -> memref<80x128xi32, #tpu.memory_space<hbm>>
      tpu.wait_dma2 semaphore(%run_scoped3A_190 : memref<!tpu.dma_semaphore, #tpu.memory_space<semaphore_mem>>) src(%dma_wait3A_214 : memref<80x128xi32, #tpu.memory_space<hbm>>) dst(%arg6 : memref<80x128xi32, #tpu.memory_space<vmem>>)
      tpu.yield
    }) : () -> ()
    %barrier3A = arith.constant 0 : index
    tpu.barrier barrier_id(%barrier3A)
    %dma_start3A = arith.constant 0 : i32
    %dma_start3A_37 = arith.constant 0 : i32
    %dma_start3A_38 = arith.constant 0 : i32
    %dma_start3A_39 = arith.constant 0 : i32
    %dma_start3A_40 = tpu.memref_slice %arg7[%dma_start3A_37, %dma_start3A_38, %dma_start3A_39] : memref<2x512x64xf32, #tpu.memory_space<vmem>> -> memref<1x512x64xf32, #tpu.memory_space<vmem>>
    %dma_start3A_41 = tpu.memref_squeeze %dma_start3A_40 : memref<1x512x64xf32, #tpu.memory_space<vmem>> -> memref<512x64xf32, #tpu.memory_space<vmem>>
    %dma_start3A_42 = arith.constant 0 : i32
    %dma_start3A_43 = arith.constant 0 : i32
    %dma_start3A_44 = tpu.memref_slice %dma_start3A_41[%dma_start3A_42, %dma_start3A_43] : memref<512x64xf32, #tpu.memory_space<vmem>> -> memref<128x64xf32, #tpu.memory_space<vmem>>
    %dma_start3A_45 = arith.constant 0 : i32
    %dma_start3A_46 = tpu.memref_slice %arg5[%dma_start3A, %dma_start3A_45] : memref<80x128xi32, #tpu.memory_space<vmem>> -> memref<1x128xi32, #tpu.memory_space<vmem>>
    %dma_start3A_47 = tpu.memref_squeeze %dma_start3A_46 : memref<1x128xi32, #tpu.memory_space<vmem>> -> memref<128xi32, #tpu.memory_space<vmem>>
    %dma_start3A_48 = arith.constant 0 : i32
    %dma_start3A_49 = arith.constant 0 : i32
    %dma_start3A_50 = tpu.memref_slice %arg2[%dma_start3A_48, %dma_start3A_49] : memref<10000x64xf32, #tpu.memory_space<hbm>> -> memref<10000x64xf32, #tpu.memory_space<hbm>>
    tpu.enqueue_indirect_dma source(%dma_start3A_50 : memref<10000x64xf32, #tpu.memory_space<hbm>>) target(%dma_start3A_44 : memref<128x64xf32, #tpu.memory_space<vmem>>) offsets(%dma_start3A_47 : memref<128xi32, #tpu.memory_space<vmem>>) semaphore(%arg8 : memref<!tpu.dma_semaphore, #tpu.memory_space<semaphore_mem>>)
    %dma_start3A_51 = arith.constant 1 : i32
    %dma_start3A_52 = arith.constant 0 : i32
    %dma_start3A_53 = arith.constant 0 : i32
    %dma_start3A_54 = arith.constant 0 : i32
    %dma_start3A_55 = tpu.memref_slice %arg7[%dma_start3A_52, %dma_start3A_53, %dma_start3A_54] : memref<2x512x64xf32, #tpu.memory_space<vmem>> -> memref<1x512x64xf32, #tpu.memory_space<vmem>>
    %dma_start3A_56 = tpu.memref_squeeze %dma_start3A_55 : memref<1x512x64xf32, #tpu.memory_space<vmem>> -> memref<512x64xf32, #tpu.memory_space<vmem>>
    %dma_start3A_57 = arith.constant 128 : i32
    %dma_start3A_58 = arith.constant 0 : i32
    %dma_start3A_59 = tpu.memref_slice %dma_start3A_56[%dma_start3A_57, %dma_start3A_58] : memref<512x64xf32, #tpu.memory_space<vmem>> -> memref<128x64xf32, #tpu.memory_space<vmem>>
    %dma_start3A_60 = arith.constant 0 : i32
    %dma_start3A_61 = tpu.memref_slice %arg5[%dma_start3A_51, %dma_start3A_60] : memref<80x128xi32, #tpu.memory_space<vmem>> -> memref<1x128xi32, #tpu.memory_space<vmem>>
    %dma_start3A_62 = tpu.memref_squeeze %dma_start3A_61 : memref<1x128xi32, #tpu.memory_space<vmem>> -> memref<128xi32, #tpu.memory_space<vmem>>
    %dma_start3A_63 = arith.constant 0 : i32
    %dma_start3A_64 = arith.constant 0 : i32
    %dma_start3A_65 = tpu.memref_slice %arg2[%dma_start3A_63, %dma_start3A_64] : memref<10000x64xf32, #tpu.memory_space<hbm>> -> memref<10000x64xf32, #tpu.memory_space<hbm>>
    tpu.enqueue_indirect_dma source(%dma_start3A_65 : memref<10000x64xf32, #tpu.memory_space<hbm>>) target(%dma_start3A_59 : memref<128x64xf32, #tpu.memory_space<vmem>>) offsets(%dma_start3A_62 : memref<128xi32, #tpu.memory_space<vmem>>) semaphore(%arg8 : memref<!tpu.dma_semaphore, #tpu.memory_space<semaphore_mem>>)
    %dma_start3A_66 = arith.constant 2 : i32
    %dma_start3A_67 = arith.constant 0 : i32
    %dma_start3A_68 = arith.constant 0 : i32
    %dma_start3A_69 = arith.constant 0 : i32
    %dma_start3A_70 = tpu.memref_slice %arg7[%dma_start3A_67, %dma_start3A_68, %dma_start3A_69] : memref<2x512x64xf32, #tpu.memory_space<vmem>> -> memref<1x512x64xf32, #tpu.memory_space<vmem>>
    %dma_start3A_71 = tpu.memref_squeeze %dma_start3A_70 : memref<1x512x64xf32, #tpu.memory_space<vmem>> -> memref<512x64xf32, #tpu.memory_space<vmem>>
    %dma_start3A_72 = arith.constant 256 : i32
    %dma_start3A_73 = arith.constant 0 : i32
    %dma_start3A_74 = tpu.memref_slice %dma_start3A_71[%dma_start3A_72, %dma_start3A_73] : memref<512x64xf32, #tpu.memory_space<vmem>> -> memref<128x64xf32, #tpu.memory_space<vmem>>
    %dma_start3A_75 = arith.constant 0 : i32
    %dma_start3A_76 = tpu.memref_slice %arg5[%dma_start3A_66, %dma_start3A_75] : memref<80x128xi32, #tpu.memory_space<vmem>> -> memref<1x128xi32, #tpu.memory_space<vmem>>
    %dma_start3A_77 = tpu.memref_squeeze %dma_start3A_76 : memref<1x128xi32, #tpu.memory_space<vmem>> -> memref<128xi32, #tpu.memory_space<vmem>>
    %dma_start3A_78 = arith.constant 0 : i32
    %dma_start3A_79 = arith.constant 0 : i32
    %dma_start3A_80 = tpu.memref_slice %arg2[%dma_start3A_78, %dma_start3A_79] : memref<10000x64xf32, #tpu.memory_space<hbm>> -> memref<10000x64xf32, #tpu.memory_space<hbm>>
    tpu.enqueue_indirect_dma source(%dma_start3A_80 : memref<10000x64xf32, #tpu.memory_space<hbm>>) target(%dma_start3A_74 : memref<128x64xf32, #tpu.memory_space<vmem>>) offsets(%dma_start3A_77 : memref<128xi32, #tpu.memory_space<vmem>>) semaphore(%arg8 : memref<!tpu.dma_semaphore, #tpu.memory_space<semaphore_mem>>)
    %dma_start3A_81 = arith.constant 3 : i32
    %dma_start3A_82 = arith.constant 0 : i32
    %dma_start3A_83 = arith.constant 0 : i32
    %dma_start3A_84 = arith.constant 0 : i32
    %dma_start3A_85 = tpu.memref_slice %arg7[%dma_start3A_82, %dma_start3A_83, %dma_start3A_84] : memref<2x512x64xf32, #tpu.memory_space<vmem>> -> memref<1x512x64xf32, #tpu.memory_space<vmem>>
    %dma_start3A_86 = tpu.memref_squeeze %dma_start3A_85 : memref<1x512x64xf32, #tpu.memory_space<vmem>> -> memref<512x64xf32, #tpu.memory_space<vmem>>
    %dma_start3A_87 = arith.constant 384 : i32
    %dma_start3A_88 = arith.constant 0 : i32
    %dma_start3A_89 = tpu.memref_slice %dma_start3A_86[%dma_start3A_87, %dma_start3A_88] : memref<512x64xf32, #tpu.memory_space<vmem>> -> memref<128x64xf32, #tpu.memory_space<vmem>>
    %dma_start3A_90 = arith.constant 0 : i32
    %dma_start3A_91 = tpu.memref_slice %arg5[%dma_start3A_81, %dma_start3A_90] : memref<80x128xi32, #tpu.memory_space<vmem>> -> memref<1x128xi32, #tpu.memory_space<vmem>>
    %dma_start3A_92 = tpu.memref_squeeze %dma_start3A_91 : memref<1x128xi32, #tpu.memory_space<vmem>> -> memref<128xi32, #tpu.memory_space<vmem>>
    %dma_start3A_93 = arith.constant 0 : i32
    %dma_start3A_94 = arith.constant 0 : i32
    %dma_start3A_95 = tpu.memref_slice %arg2[%dma_start3A_93, %dma_start3A_94] : memref<10000x64xf32, #tpu.memory_space<hbm>> -> memref<10000x64xf32, #tpu.memory_space<hbm>>
    tpu.enqueue_indirect_dma source(%dma_start3A_95 : memref<10000x64xf32, #tpu.memory_space<hbm>>) target(%dma_start3A_89 : memref<128x64xf32, #tpu.memory_space<vmem>>) offsets(%dma_start3A_92 : memref<128xi32, #tpu.memory_space<vmem>>) semaphore(%arg8 : memref<!tpu.dma_semaphore, #tpu.memory_space<semaphore_mem>>)
    %scan3A_96 = arith.constant 0 : i32
    %scan3A_97 = arith.constant 0 : i32
    %scan3A_98 = arith.constant 20 : i32
    %scan3A_99 = arith.addi %scan3A_97, %scan3A_98 : i32
    %scan3A_100 = arith.constant 1 : i32
    scf.for %scan3A_190 = %scan3A_97 to %scan3A_99 step %scan3A_100  : i32 {
      %rem3A = arith.constant 2 : i32
      %rem3A_191 = arith.remsi %scan3A_190, %rem3A : i32
      %sub3A = arith.constant 1 : i32
      %sub3A_192 = arith.subi %sub3A, %rem3A_191 : i32
      %dma_wait3A_193 = arith.constant 0 : i32
      %dma_wait3A_194 = arith.constant 0 : i32
      %dma_wait3A_195 = arith.constant 0 : i32
      %dma_wait3A_196 = tpu.memref_slice %arg7[%dma_wait3A_193, %dma_wait3A_194, %dma_wait3A_195] : memref<2x512x64xf32, #tpu.memory_space<vmem>> -> memref<1x512x64xf32, #tpu.memory_space<vmem>>
      %dma_wait3A_197 = tpu.memref_squeeze %dma_wait3A_196 : memref<1x512x64xf32, #tpu.memory_space<vmem>> -> memref<512x64xf32, #tpu.memory_space<vmem>>
      %dma_wait3A_198 = arith.constant 0 : i32
      %dma_wait3A_199 = arith.constant 0 : i32
      %dma_wait3A_200 = tpu.memref_slice %dma_wait3A_197[%dma_wait3A_198, %dma_wait3A_199] : memref<512x64xf32, #tpu.memory_space<vmem>> -> memref<128x64xf32, #tpu.memory_space<vmem>>
      %dma_wait3A_201 = arith.constant 0 : i32
      %dma_wait3A_202 = arith.constant 0 : i32
      %dma_wait3A_203 = tpu.memref_slice %arg2[%dma_wait3A_201, %dma_wait3A_202] : memref<10000x64xf32, #tpu.memory_space<hbm>> -> memref<128x64xf32, #tpu.memory_space<hbm>>
      %dma_wait3A_204 = arith.constant 0 : i32
      %dma_wait3A_205 = arith.constant 0 : i32
      %dma_wait3A_206 = tpu.memref_slice %arg7[%dma_wait3A_193, %dma_wait3A_204, %dma_wait3A_205] : memref<2x512x64xf32, #tpu.memory_space<vmem>> -> memref<1x512x64xf32, #tpu.memory_space<vmem>>
      %dma_wait3A_207 = tpu.memref_squeeze %dma_wait3A_206 : memref<1x512x64xf32, #tpu.memory_space<vmem>> -> memref<512x64xf32, #tpu.memory_space<vmem>>
      %dma_wait3A_208 = arith.constant 0 : i32
      %dma_wait3A_209 = arith.constant 0 : i32
      %dma_wait3A_210 = tpu.memref_slice %dma_wait3A_207[%dma_wait3A_208, %dma_wait3A_209] : memref<512x64xf32, #tpu.memory_space<vmem>> -> memref<128x64xf32, #tpu.memory_space<vmem>>
      %dma_wait3A_211 = arith.constant 0 : i32
      %dma_wait3A_212 = arith.constant 0 : i32
      %dma_wait3A_213 = tpu.memref_slice %arg2[%dma_wait3A_211, %dma_wait3A_212] : memref<10000x64xf32, #tpu.memory_space<hbm>> -> memref<128x64xf32, #tpu.memory_space<hbm>>
      tpu.wait_dma2 semaphore(%arg8 : memref<!tpu.dma_semaphore, #tpu.memory_space<semaphore_mem>>) src(%dma_wait3A_213 : memref<128x64xf32, #tpu.memory_space<hbm>>) dst(%dma_wait3A_210 : memref<128x64xf32, #tpu.memory_space<vmem>>)
      %dma_wait3A_214 = arith.constant 0 : i32
      %dma_wait3A_215 = arith.constant 0 : i32
      %dma_wait3A_216 = arith.constant 0 : i32
      %dma_wait3A_217 = tpu.memref_slice %arg7[%dma_wait3A_214, %dma_wait3A_215, %dma_wait3A_216] : memref<2x512x64xf32, #tpu.memory_space<vmem>> -> memref<1x512x64xf32, #tpu.memory_space<vmem>>
      %dma_wait3A_218 = tpu.memref_squeeze %dma_wait3A_217 : memref<1x512x64xf32, #tpu.memory_space<vmem>> -> memref<512x64xf32, #tpu.memory_space<vmem>>
      %dma_wait3A_219 = arith.constant 0 : i32
      %dma_wait3A_220 = arith.constant 0 : i32
      %dma_wait3A_221 = tpu.memref_slice %dma_wait3A_218[%dma_wait3A_219, %dma_wait3A_220] : memref<512x64xf32, #tpu.memory_space<vmem>> -> memref<128x64xf32, #tpu.memory_space<vmem>>
      %dma_wait3A_222 = arith.constant 0 : i32
      %dma_wait3A_223 = arith.constant 0 : i32
      %dma_wait3A_224 = tpu.memref_slice %arg2[%dma_wait3A_222, %dma_wait3A_223] : memref<10000x64xf32, #tpu.memory_space<hbm>> -> memref<128x64xf32, #tpu.memory_space<hbm>>
      %dma_wait3A_225 = arith.constant 0 : i32
      %dma_wait3A_226 = arith.constant 0 : i32
      %dma_wait3A_227 = tpu.memref_slice %arg7[%dma_wait3A_214, %dma_wait3A_225, %dma_wait3A_226] : memref<2x512x64xf32, #tpu.memory_space<vmem>> -> memref<1x512x64xf32, #tpu.memory_space<vmem>>
      %dma_wait3A_228 = tpu.memref_squeeze %dma_wait3A_227 : memref<1x512x64xf32, #tpu.memory_space<vmem>> -> memref<512x64xf32, #tpu.memory_space<vmem>>
      %dma_wait3A_229 = arith.constant 0 : i32
      %dma_wait3A_230 = arith.constant 0 : i32
      %dma_wait3A_231 = tpu.memref_slice %dma_wait3A_228[%dma_wait3A_229, %dma_wait3A_230] : memref<512x64xf32, #tpu.memory_space<vmem>> -> memref<128x64xf32, #tpu.memory_space<vmem>>
      %dma_wait3A_232 = arith.constant 0 : i32
      %dma_wait3A_233 = arith.constant 0 : i32
      %dma_wait3A_234 = tpu.memref_slice %arg2[%dma_wait3A_232, %dma_wait3A_233] : memref<10000x64xf32, #tpu.memory_space<hbm>> -> memref<128x64xf32, #tpu.memory_space<hbm>>
      tpu.wait_dma2 semaphore(%arg8 : memref<!tpu.dma_semaphore, #tpu.memory_space<semaphore_mem>>) src(%dma_wait3A_234 : memref<128x64xf32, #tpu.memory_space<hbm>>) dst(%dma_wait3A_231 : memref<128x64xf32, #tpu.memory_space<vmem>>)
      %dma_wait3A_235 = arith.constant 0 : i32
      %dma_wait3A_236 = arith.constant 0 : i32
      %dma_wait3A_237 = arith.constant 0 : i32
      %dma_wait3A_238 = tpu.memref_slice %arg7[%dma_wait3A_235, %dma_wait3A_236, %dma_wait3A_237] : memref<2x512x64xf32, #tpu.memory_space<vmem>> -> memref<1x512x64xf32, #tpu.memory_space<vmem>>
      %dma_wait3A_239 = tpu.memref_squeeze %dma_wait3A_238 : memref<1x512x64xf32, #tpu.memory_space<vmem>> -> memref<512x64xf32, #tpu.memory_space<vmem>>
      %dma_wait3A_240 = arith.constant 0 : i32
      %dma_wait3A_241 = arith.constant 0 : i32
      %dma_wait3A_242 = tpu.memref_slice %dma_wait3A_239[%dma_wait3A_240, %dma_wait3A_241] : memref<512x64xf32, #tpu.memory_space<vmem>> -> memref<128x64xf32, #tpu.memory_space<vmem>>
      %dma_wait3A_243 = arith.constant 0 : i32
      %dma_wait3A_244 = arith.constant 0 : i32
      %dma_wait3A_245 = tpu.memref_slice %arg2[%dma_wait3A_243, %dma_wait3A_244] : memref<10000x64xf32, #tpu.memory_space<hbm>> -> memref<128x64xf32, #tpu.memory_space<hbm>>
      %dma_wait3A_246 = arith.constant 0 : i32
      %dma_wait3A_247 = arith.constant 0 : i32
      %dma_wait3A_248 = tpu.memref_slice %arg7[%dma_wait3A_235, %dma_wait3A_246, %dma_wait3A_247] : memref<2x512x64xf32, #tpu.memory_space<vmem>> -> memref<1x512x64xf32, #tpu.memory_space<vmem>>
      %dma_wait3A_249 = tpu.memref_squeeze %dma_wait3A_248 : memref<1x512x64xf32, #tpu.memory_space<vmem>> -> memref<512x64xf32, #tpu.memory_space<vmem>>
      %dma_wait3A_250 = arith.constant 0 : i32
      %dma_wait3A_251 = arith.constant 0 : i32
      %dma_wait3A_252 = tpu.memref_slice %dma_wait3A_249[%dma_wait3A_250, %dma_wait3A_251] : memref<512x64xf32, #tpu.memory_space<vmem>> -> memref<128x64xf32, #tpu.memory_space<vmem>>
      %dma_wait3A_253 = arith.constant 0 : i32
      %dma_wait3A_254 = arith.constant 0 : i32
      %dma_wait3A_255 = tpu.memref_slice %arg2[%dma_wait3A_253, %dma_wait3A_254] : memref<10000x64xf32, #tpu.memory_space<hbm>> -> memref<128x64xf32, #tpu.memory_space<hbm>>
      tpu.wait_dma2 semaphore(%arg8 : memref<!tpu.dma_semaphore, #tpu.memory_space<semaphore_mem>>) src(%dma_wait3A_255 : memref<128x64xf32, #tpu.memory_space<hbm>>) dst(%dma_wait3A_252 : memref<128x64xf32, #tpu.memory_space<vmem>>)
      %dma_wait3A_256 = arith.constant 0 : i32
      %dma_wait3A_257 = arith.constant 0 : i32
      %dma_wait3A_258 = arith.constant 0 : i32
      %dma_wait3A_259 = tpu.memref_slice %arg7[%dma_wait3A_256, %dma_wait3A_257, %dma_wait3A_258] : memref<2x512x64xf32, #tpu.memory_space<vmem>> -> memref<1x512x64xf32, #tpu.memory_space<vmem>>
      %dma_wait3A_260 = tpu.memref_squeeze %dma_wait3A_259 : memref<1x512x64xf32, #tpu.memory_space<vmem>> -> memref<512x64xf32, #tpu.memory_space<vmem>>
      %dma_wait3A_261 = arith.constant 0 : i32
      %dma_wait3A_262 = arith.constant 0 : i32
      %dma_wait3A_263 = tpu.memref_slice %dma_wait3A_260[%dma_wait3A_261, %dma_wait3A_262] : memref<512x64xf32, #tpu.memory_space<vmem>> -> memref<128x64xf32, #tpu.memory_space<vmem>>
      %dma_wait3A_264 = arith.constant 0 : i32
      %dma_wait3A_265 = arith.constant 0 : i32
      %dma_wait3A_266 = tpu.memref_slice %arg2[%dma_wait3A_264, %dma_wait3A_265] : memref<10000x64xf32, #tpu.memory_space<hbm>> -> memref<128x64xf32, #tpu.memory_space<hbm>>
      %dma_wait3A_267 = arith.constant 0 : i32
      %dma_wait3A_268 = arith.constant 0 : i32
      %dma_wait3A_269 = tpu.memref_slice %arg7[%dma_wait3A_256, %dma_wait3A_267, %dma_wait3A_268] : memref<2x512x64xf32, #tpu.memory_space<vmem>> -> memref<1x512x64xf32, #tpu.memory_space<vmem>>
      %dma_wait3A_270 = tpu.memref_squeeze %dma_wait3A_269 : memref<1x512x64xf32, #tpu.memory_space<vmem>> -> memref<512x64xf32, #tpu.memory_space<vmem>>
      %dma_wait3A_271 = arith.constant 0 : i32
      %dma_wait3A_272 = arith.constant 0 : i32
      %dma_wait3A_273 = tpu.memref_slice %dma_wait3A_270[%dma_wait3A_271, %dma_wait3A_272] : memref<512x64xf32, #tpu.memory_space<vmem>> -> memref<128x64xf32, #tpu.memory_space<vmem>>
      %dma_wait3A_274 = arith.constant 0 : i32
      %dma_wait3A_275 = arith.constant 0 : i32
      %dma_wait3A_276 = tpu.memref_slice %arg2[%dma_wait3A_274, %dma_wait3A_275] : memref<10000x64xf32, #tpu.memory_space<hbm>> -> memref<128x64xf32, #tpu.memory_space<hbm>>
      tpu.wait_dma2 semaphore(%arg8 : memref<!tpu.dma_semaphore, #tpu.memory_space<semaphore_mem>>) src(%dma_wait3A_276 : memref<128x64xf32, #tpu.memory_space<hbm>>) dst(%dma_wait3A_273 : memref<128x64xf32, #tpu.memory_space<vmem>>)
      %mul3A_277 = arith.constant 4 : i32
      %mul3A_278 = arith.muli %scan3A_190, %mul3A_277 : i32
      %add3A_279 = arith.constant 0 : i32
      %add3A_280 = arith.addi %mul3A_278, %add3A_279 : i32
      %dma_start3A_281 = arith.constant 0 : i32
      %dma_start3A_282 = arith.constant 0 : i32
      %dma_start3A_283 = tpu.memref_slice %arg7[%rem3A_191, %dma_start3A_281, %dma_start3A_282] : memref<2x512x64xf32, #tpu.memory_space<vmem>> -> memref<1x512x64xf32, #tpu.memory_space<vmem>>
      %dma_start3A_284 = tpu.memref_squeeze %dma_start3A_283 : memref<1x512x64xf32, #tpu.memory_space<vmem>> -> memref<512x64xf32, #tpu.memory_space<vmem>>
      %dma_start3A_285 = arith.constant 0 : i32
      %dma_start3A_286 = arith.constant 0 : i32
      %dma_start3A_287 = tpu.memref_slice %dma_start3A_284[%dma_start3A_285, %dma_start3A_286] : memref<512x64xf32, #tpu.memory_space<vmem>> -> memref<128x64xf32, #tpu.memory_space<vmem>>
      %dma_start3A_288 = arith.constant 0 : i32
      %dma_start3A_289 = tpu.memref_slice %arg6[%add3A_280, %dma_start3A_288] : memref<80x128xi32, #tpu.memory_space<vmem>> -> memref<1x128xi32, #tpu.memory_space<vmem>>
      %dma_start3A_290 = tpu.memref_squeeze %dma_start3A_289 : memref<1x128xi32, #tpu.memory_space<vmem>> -> memref<128xi32, #tpu.memory_space<vmem>>
      %dma_start3A_291 = arith.constant 0 : i32
      %dma_start3A_292 = arith.constant 0 : i32
      %dma_start3A_293 = tpu.memref_slice %arg10[%dma_start3A_291, %dma_start3A_292] : memref<10240x64xf32, #tpu.memory_space<vmem_shared>> -> memref<10240x64xf32, #tpu.memory_space<vmem_shared>>
      tpu.enqueue_indirect_dma source(%dma_start3A_287 : memref<128x64xf32, #tpu.memory_space<vmem>>) target(%dma_start3A_293 : memref<10240x64xf32, #tpu.memory_space<vmem_shared>>) offsets(%dma_start3A_290 : memref<128xi32, #tpu.memory_space<vmem>>) semaphore(%arg9 : memref<!tpu.dma_semaphore, #tpu.memory_space<semaphore_mem>>) {add = true}
      %mul3A_294 = arith.constant 4 : i32
      %mul3A_295 = arith.muli %scan3A_190, %mul3A_294 : i32
      %add3A_296 = arith.constant 1 : i32
      %add3A_297 = arith.addi %mul3A_295, %add3A_296 : i32
      %dma_start3A_298 = arith.constant 0 : i32
      %dma_start3A_299 = arith.constant 0 : i32
      %dma_start3A_300 = tpu.memref_slice %arg7[%rem3A_191, %dma_start3A_298, %dma_start3A_299] : memref<2x512x64xf32, #tpu.memory_space<vmem>> -> memref<1x512x64xf32, #tpu.memory_space<vmem>>
      %dma_start3A_301 = tpu.memref_squeeze %dma_start3A_300 : memref<1x512x64xf32, #tpu.memory_space<vmem>> -> memref<512x64xf32, #tpu.memory_space<vmem>>
      %dma_start3A_302 = arith.constant 128 : i32
      %dma_start3A_303 = arith.constant 0 : i32
      %dma_start3A_304 = tpu.memref_slice %dma_start3A_301[%dma_start3A_302, %dma_start3A_303] : memref<512x64xf32, #tpu.memory_space<vmem>> -> memref<128x64xf32, #tpu.memory_space<vmem>>
      %dma_start3A_305 = arith.constant 0 : i32
      %dma_start3A_306 = tpu.memref_slice %arg6[%add3A_297, %dma_start3A_305] : memref<80x128xi32, #tpu.memory_space<vmem>> -> memref<1x128xi32, #tpu.memory_space<vmem>>
      %dma_start3A_307 = tpu.memref_squeeze %dma_start3A_306 : memref<1x128xi32, #tpu.memory_space<vmem>> -> memref<128xi32, #tpu.memory_space<vmem>>
      %dma_start3A_308 = arith.constant 0 : i32
      %dma_start3A_309 = arith.constant 0 : i32
      %dma_start3A_310 = tpu.memref_slice %arg10[%dma_start3A_308, %dma_start3A_309] : memref<10240x64xf32, #tpu.memory_space<vmem_shared>> -> memref<10240x64xf32, #tpu.memory_space<vmem_shared>>
      tpu.enqueue_indirect_dma source(%dma_start3A_304 : memref<128x64xf32, #tpu.memory_space<vmem>>) target(%dma_start3A_310 : memref<10240x64xf32, #tpu.memory_space<vmem_shared>>) offsets(%dma_start3A_307 : memref<128xi32, #tpu.memory_space<vmem>>) semaphore(%arg9 : memref<!tpu.dma_semaphore, #tpu.memory_space<semaphore_mem>>) {add = true}
      %mul3A_311 = arith.constant 4 : i32
      %mul3A_312 = arith.muli %scan3A_190, %mul3A_311 : i32
      %add3A_313 = arith.constant 2 : i32
      %add3A_314 = arith.addi %mul3A_312, %add3A_313 : i32
      %dma_start3A_315 = arith.constant 0 : i32
      %dma_start3A_316 = arith.constant 0 : i32
      %dma_start3A_317 = tpu.memref_slice %arg7[%rem3A_191, %dma_start3A_315, %dma_start3A_316] : memref<2x512x64xf32, #tpu.memory_space<vmem>> -> memref<1x512x64xf32, #tpu.memory_space<vmem>>
      %dma_start3A_318 = tpu.memref_squeeze %dma_start3A_317 : memref<1x512x64xf32, #tpu.memory_space<vmem>> -> memref<512x64xf32, #tpu.memory_space<vmem>>
      %dma_start3A_319 = arith.constant 256 : i32
      %dma_start3A_320 = arith.constant 0 : i32
      %dma_start3A_321 = tpu.memref_slice %dma_start3A_318[%dma_start3A_319, %dma_start3A_320] : memref<512x64xf32, #tpu.memory_space<vmem>> -> memref<128x64xf32, #tpu.memory_space<vmem>>
      %dma_start3A_322 = arith.constant 0 : i32
      %dma_start3A_323 = tpu.memref_slice %arg6[%add3A_314, %dma_start3A_322] : memref<80x128xi32, #tpu.memory_space<vmem>> -> memref<1x128xi32, #tpu.memory_space<vmem>>
      %dma_start3A_324 = tpu.memref_squeeze %dma_start3A_323 : memref<1x128xi32, #tpu.memory_space<vmem>> -> memref<128xi32, #tpu.memory_space<vmem>>
      %dma_start3A_325 = arith.constant 0 : i32
      %dma_start3A_326 = arith.constant 0 : i32
      %dma_start3A_327 = tpu.memref_slice %arg10[%dma_start3A_325, %dma_start3A_326] : memref<10240x64xf32, #tpu.memory_space<vmem_shared>> -> memref<10240x64xf32, #tpu.memory_space<vmem_shared>>
      tpu.enqueue_indirect_dma source(%dma_start3A_321 : memref<128x64xf32, #tpu.memory_space<vmem>>) target(%dma_start3A_327 : memref<10240x64xf32, #tpu.memory_space<vmem_shared>>) offsets(%dma_start3A_324 : memref<128xi32, #tpu.memory_space<vmem>>) semaphore(%arg9 : memref<!tpu.dma_semaphore, #tpu.memory_space<semaphore_mem>>) {add = true}
      %mul3A_328 = arith.constant 4 : i32
      %mul3A_329 = arith.muli %scan3A_190, %mul3A_328 : i32
      %add3A_330 = arith.constant 3 : i32
      %add3A_331 = arith.addi %mul3A_329, %add3A_330 : i32
      %dma_start3A_332 = arith.constant 0 : i32
      %dma_start3A_333 = arith.constant 0 : i32
      %dma_start3A_334 = tpu.memref_slice %arg7[%rem3A_191, %dma_start3A_332, %dma_start3A_333] : memref<2x512x64xf32, #tpu.memory_space<vmem>> -> memref<1x512x64xf32, #tpu.memory_space<vmem>>
      %dma_start3A_335 = tpu.memref_squeeze %dma_start3A_334 : memref<1x512x64xf32, #tpu.memory_space<vmem>> -> memref<512x64xf32, #tpu.memory_space<vmem>>
      %dma_start3A_336 = arith.constant 384 : i32
      %dma_start3A_337 = arith.constant 0 : i32
      %dma_start3A_338 = tpu.memref_slice %dma_start3A_335[%dma_start3A_336, %dma_start3A_337] : memref<512x64xf32, #tpu.memory_space<vmem>> -> memref<128x64xf32, #tpu.memory_space<vmem>>
      %dma_start3A_339 = arith.constant 0 : i32
      %dma_start3A_340 = tpu.memref_slice %arg6[%add3A_331, %dma_start3A_339] : memref<80x128xi32, #tpu.memory_space<vmem>> -> memref<1x128xi32, #tpu.memory_space<vmem>>
      %dma_start3A_341 = tpu.memref_squeeze %dma_start3A_340 : memref<1x128xi32, #tpu.memory_space<vmem>> -> memref<128xi32, #tpu.memory_space<vmem>>
      %dma_start3A_342 = arith.constant 0 : i32
      %dma_start3A_343 = arith.constant 0 : i32
      %dma_start3A_344 = tpu.memref_slice %arg10[%dma_start3A_342, %dma_start3A_343] : memref<10240x64xf32, #tpu.memory_space<vmem_shared>> -> memref<10240x64xf32, #tpu.memory_space<vmem_shared>>
      tpu.enqueue_indirect_dma source(%dma_start3A_338 : memref<128x64xf32, #tpu.memory_space<vmem>>) target(%dma_start3A_344 : memref<10240x64xf32, #tpu.memory_space<vmem_shared>>) offsets(%dma_start3A_341 : memref<128xi32, #tpu.memory_space<vmem>>) semaphore(%arg9 : memref<!tpu.dma_semaphore, #tpu.memory_space<semaphore_mem>>) {add = true}
      %add3A_345 = arith.constant 1 : i32
      %add3A_346 = arith.addi %scan3A_190, %add3A_345 : i32
      %min3A = arith.constant 19 : i32
      %min3A_347 = arith.minsi %add3A_346, %min3A : i32
      %mul3A_348 = arith.constant 4 : i32
      %mul3A_349 = arith.muli %min3A_347, %mul3A_348 : i32
      %add3A_350 = arith.constant 0 : i32
      %add3A_351 = arith.addi %mul3A_349, %add3A_350 : i32
      %dma_start3A_352 = arith.constant 0 : i32
      %dma_start3A_353 = arith.constant 0 : i32
      %dma_start3A_354 = tpu.memref_slice %arg7[%sub3A_192, %dma_start3A_352, %dma_start3A_353] : memref<2x512x64xf32, #tpu.memory_space<vmem>> -> memref<1x512x64xf32, #tpu.memory_space<vmem>>
      %dma_start3A_355 = tpu.memref_squeeze %dma_start3A_354 : memref<1x512x64xf32, #tpu.memory_space<vmem>> -> memref<512x64xf32, #tpu.memory_space<vmem>>
      %dma_start3A_356 = arith.constant 0 : i32
      %dma_start3A_357 = arith.constant 0 : i32
      %dma_start3A_358 = tpu.memref_slice %dma_start3A_355[%dma_start3A_356, %dma_start3A_357] : memref<512x64xf32, #tpu.memory_space<vmem>> -> memref<128x64xf32, #tpu.memory_space<vmem>>
      %dma_start3A_359 = arith.constant 0 : i32
      %dma_start3A_360 = tpu.memref_slice %arg5[%add3A_351, %dma_start3A_359] : memref<80x128xi32, #tpu.memory_space<vmem>> -> memref<1x128xi32, #tpu.memory_space<vmem>>
      %dma_start3A_361 = tpu.memref_squeeze %dma_start3A_360 : memref<1x128xi32, #tpu.memory_space<vmem>> -> memref<128xi32, #tpu.memory_space<vmem>>
      %dma_start3A_362 = arith.constant 0 : i32
      %dma_start3A_363 = arith.constant 0 : i32
      %dma_start3A_364 = tpu.memref_slice %arg2[%dma_start3A_362, %dma_start3A_363] : memref<10000x64xf32, #tpu.memory_space<hbm>> -> memref<10000x64xf32, #tpu.memory_space<hbm>>
      tpu.enqueue_indirect_dma source(%dma_start3A_364 : memref<10000x64xf32, #tpu.memory_space<hbm>>) target(%dma_start3A_358 : memref<128x64xf32, #tpu.memory_space<vmem>>) offsets(%dma_start3A_361 : memref<128xi32, #tpu.memory_space<vmem>>) semaphore(%arg8 : memref<!tpu.dma_semaphore, #tpu.memory_space<semaphore_mem>>)
      %mul3A_365 = arith.constant 4 : i32
      %mul3A_366 = arith.muli %min3A_347, %mul3A_365 : i32
      %add3A_367 = arith.constant 1 : i32
      %add3A_368 = arith.addi %mul3A_366, %add3A_367 : i32
      %dma_start3A_369 = arith.constant 0 : i32
      %dma_start3A_370 = arith.constant 0 : i32
      %dma_start3A_371 = tpu.memref_slice %arg7[%sub3A_192, %dma_start3A_369, %dma_start3A_370] : memref<2x512x64xf32, #tpu.memory_space<vmem>> -> memref<1x512x64xf32, #tpu.memory_space<vmem>>
      %dma_start3A_372 = tpu.memref_squeeze %dma_start3A_371 : memref<1x512x64xf32, #tpu.memory_space<vmem>> -> memref<512x64xf32, #tpu.memory_space<vmem>>
      %dma_start3A_373 = arith.constant 128 : i32
      %dma_start3A_374 = arith.constant 0 : i32
      %dma_start3A_375 = tpu.memref_slice %dma_start3A_372[%dma_start3A_373, %dma_start3A_374] : memref<512x64xf32, #tpu.memory_space<vmem>> -> memref<128x64xf32, #tpu.memory_space<vmem>>
      %dma_start3A_376 = arith.constant 0 : i32
      %dma_start3A_377 = tpu.memref_slice %arg5[%add3A_368, %dma_start3A_376] : memref<80x128xi32, #tpu.memory_space<vmem>> -> memref<1x128xi32, #tpu.memory_space<vmem>>
      %dma_start3A_378 = tpu.memref_squeeze %dma_start3A_377 : memref<1x128xi32, #tpu.memory_space<vmem>> -> memref<128xi32, #tpu.memory_space<vmem>>
      %dma_start3A_379 = arith.constant 0 : i32
      %dma_start3A_380 = arith.constant 0 : i32
      %dma_start3A_381 = tpu.memref_slice %arg2[%dma_start3A_379, %dma_start3A_380] : memref<10000x64xf32, #tpu.memory_space<hbm>> -> memref<10000x64xf32, #tpu.memory_space<hbm>>
      tpu.enqueue_indirect_dma source(%dma_start3A_381 : memref<10000x64xf32, #tpu.memory_space<hbm>>) target(%dma_start3A_375 : memref<128x64xf32, #tpu.memory_space<vmem>>) offsets(%dma_start3A_378 : memref<128xi32, #tpu.memory_space<vmem>>) semaphore(%arg8 : memref<!tpu.dma_semaphore, #tpu.memory_space<semaphore_mem>>)
      %mul3A_382 = arith.constant 4 : i32
      %mul3A_383 = arith.muli %min3A_347, %mul3A_382 : i32
      %add3A_384 = arith.constant 2 : i32
      %add3A_385 = arith.addi %mul3A_383, %add3A_384 : i32
      %dma_start3A_386 = arith.constant 0 : i32
      %dma_start3A_387 = arith.constant 0 : i32
      %dma_start3A_388 = tpu.memref_slice %arg7[%sub3A_192, %dma_start3A_386, %dma_start3A_387] : memref<2x512x64xf32, #tpu.memory_space<vmem>> -> memref<1x512x64xf32, #tpu.memory_space<vmem>>
      %dma_start3A_389 = tpu.memref_squeeze %dma_start3A_388 : memref<1x512x64xf32, #tpu.memory_space<vmem>> -> memref<512x64xf32, #tpu.memory_space<vmem>>
      %dma_start3A_390 = arith.constant 256 : i32
      %dma_start3A_391 = arith.constant 0 : i32
      %dma_start3A_392 = tpu.memref_slice %dma_start3A_389[%dma_start3A_390, %dma_start3A_391] : memref<512x64xf32, #tpu.memory_space<vmem>> -> memref<128x64xf32, #tpu.memory_space<vmem>>
      %dma_start3A_393 = arith.constant 0 : i32
      %dma_start3A_394 = tpu.memref_slice %arg5[%add3A_385, %dma_start3A_393] : memref<80x128xi32, #tpu.memory_space<vmem>> -> memref<1x128xi32, #tpu.memory_space<vmem>>
      %dma_start3A_395 = tpu.memref_squeeze %dma_start3A_394 : memref<1x128xi32, #tpu.memory_space<vmem>> -> memref<128xi32, #tpu.memory_space<vmem>>
      %dma_start3A_396 = arith.constant 0 : i32
      %dma_start3A_397 = arith.constant 0 : i32
      %dma_start3A_398 = tpu.memref_slice %arg2[%dma_start3A_396, %dma_start3A_397] : memref<10000x64xf32, #tpu.memory_space<hbm>> -> memref<10000x64xf32, #tpu.memory_space<hbm>>
      tpu.enqueue_indirect_dma source(%dma_start3A_398 : memref<10000x64xf32, #tpu.memory_space<hbm>>) target(%dma_start3A_392 : memref<128x64xf32, #tpu.memory_space<vmem>>) offsets(%dma_start3A_395 : memref<128xi32, #tpu.memory_space<vmem>>) semaphore(%arg8 : memref<!tpu.dma_semaphore, #tpu.memory_space<semaphore_mem>>)
      %mul3A_399 = arith.constant 4 : i32
      %mul3A_400 = arith.muli %min3A_347, %mul3A_399 : i32
      %add3A_401 = arith.constant 3 : i32
      %add3A_402 = arith.addi %mul3A_400, %add3A_401 : i32
      %dma_start3A_403 = arith.constant 0 : i32
      %dma_start3A_404 = arith.constant 0 : i32
      %dma_start3A_405 = tpu.memref_slice %arg7[%sub3A_192, %dma_start3A_403, %dma_start3A_404] : memref<2x512x64xf32, #tpu.memory_space<vmem>> -> memref<1x512x64xf32, #tpu.memory_space<vmem>>
      %dma_start3A_406 = tpu.memref_squeeze %dma_start3A_405 : memref<1x512x64xf32, #tpu.memory_space<vmem>> -> memref<512x64xf32, #tpu.memory_space<vmem>>
      %dma_start3A_407 = arith.constant 384 : i32
      %dma_start3A_408 = arith.constant 0 : i32
      %dma_start3A_409 = tpu.memref_slice %dma_start3A_406[%dma_start3A_407, %dma_start3A_408] : memref<512x64xf32, #tpu.memory_space<vmem>> -> memref<128x64xf32, #tpu.memory_space<vmem>>
      %dma_start3A_410 = arith.constant 0 : i32
      %dma_start3A_411 = tpu.memref_slice %arg5[%add3A_402, %dma_start3A_410] : memref<80x128xi32, #tpu.memory_space<vmem>> -> memref<1x128xi32, #tpu.memory_space<vmem>>
      %dma_start3A_412 = tpu.memref_squeeze %dma_start3A_411 : memref<1x128xi32, #tpu.memory_space<vmem>> -> memref<128xi32, #tpu.memory_space<vmem>>
      %dma_start3A_413 = arith.constant 0 : i32
      %dma_start3A_414 = arith.constant 0 : i32
      %dma_start3A_415 = tpu.memref_slice %arg2[%dma_start3A_413, %dma_start3A_414] : memref<10000x64xf32, #tpu.memory_space<hbm>> -> memref<10000x64xf32, #tpu.memory_space<hbm>>
      tpu.enqueue_indirect_dma source(%dma_start3A_415 : memref<10000x64xf32, #tpu.memory_space<hbm>>) target(%dma_start3A_409 : memref<128x64xf32, #tpu.memory_space<vmem>>) offsets(%dma_start3A_412 : memref<128xi32, #tpu.memory_space<vmem>>) semaphore(%arg8 : memref<!tpu.dma_semaphore, #tpu.memory_space<semaphore_mem>>)
      %dma_wait3A_416 = arith.constant 0 : i32
      %dma_wait3A_417 = arith.constant 0 : i32
      %dma_wait3A_418 = arith.constant 0 : i32
      %dma_wait3A_419 = tpu.memref_slice %arg7[%dma_wait3A_416, %dma_wait3A_417, %dma_wait3A_418] : memref<2x512x64xf32, #tpu.memory_space<vmem>> -> memref<1x512x64xf32, #tpu.memory_space<vmem>>
      %dma_wait3A_420 = tpu.memref_squeeze %dma_wait3A_419 : memref<1x512x64xf32, #tpu.memory_space<vmem>> -> memref<512x64xf32, #tpu.memory_space<vmem>>
      %dma_wait3A_421 = arith.constant 0 : i32
      %dma_wait3A_422 = arith.constant 0 : i32
      %dma_wait3A_423 = tpu.memref_slice %dma_wait3A_420[%dma_wait3A_421, %dma_wait3A_422] : memref<512x64xf32, #tpu.memory_space<vmem>> -> memref<128x64xf32, #tpu.memory_space<vmem>>
      %dma_wait3A_424 = arith.constant 0 : i32
      %dma_wait3A_425 = arith.constant 0 : i32
      %dma_wait3A_426 = tpu.memref_slice %arg2[%dma_wait3A_424, %dma_wait3A_425] : memref<10000x64xf32, #tpu.memory_space<hbm>> -> memref<128x64xf32, #tpu.memory_space<hbm>>
      %dma_wait3A_427 = arith.constant 0 : i32
      %dma_wait3A_428 = arith.constant 0 : i32
      %dma_wait3A_429 = tpu.memref_slice %arg7[%dma_wait3A_416, %dma_wait3A_427, %dma_wait3A_428] : memref<2x512x64xf32, #tpu.memory_space<vmem>> -> memref<1x512x64xf32, #tpu.memory_space<vmem>>
      %dma_wait3A_430 = tpu.memref_squeeze %dma_wait3A_429 : memref<1x512x64xf32, #tpu.memory_space<vmem>> -> memref<512x64xf32, #tpu.memory_space<vmem>>
      %dma_wait3A_431 = arith.constant 0 : i32
      %dma_wait3A_432 = arith.constant 0 : i32
      %dma_wait3A_433 = tpu.memref_slice %dma_wait3A_430[%dma_wait3A_431, %dma_wait3A_432] : memref<512x64xf32, #tpu.memory_space<vmem>> -> memref<128x64xf32, #tpu.memory_space<vmem>>
      %dma_wait3A_434 = arith.constant 0 : i32
      %dma_wait3A_435 = arith.constant 0 : i32
      %dma_wait3A_436 = tpu.memref_slice %arg2[%dma_wait3A_434, %dma_wait3A_435] : memref<10000x64xf32, #tpu.memory_space<hbm>> -> memref<128x64xf32, #tpu.memory_space<hbm>>
      tpu.wait_dma2 semaphore(%arg9 : memref<!tpu.dma_semaphore, #tpu.memory_space<semaphore_mem>>) src(%dma_wait3A_436 : memref<128x64xf32, #tpu.memory_space<hbm>>) dst(%dma_wait3A_433 : memref<128x64xf32, #tpu.memory_space<vmem>>)
      %dma_wait3A_437 = arith.constant 0 : i32
      %dma_wait3A_438 = arith.constant 0 : i32
      %dma_wait3A_439 = arith.constant 0 : i32
      %dma_wait3A_440 = tpu.memref_slice %arg7[%dma_wait3A_437, %dma_wait3A_438, %dma_wait3A_439] : memref<2x512x64xf32, #tpu.memory_space<vmem>> -> memref<1x512x64xf32, #tpu.memory_space<vmem>>
      %dma_wait3A_441 = tpu.memref_squeeze %dma_wait3A_440 : memref<1x512x64xf32, #tpu.memory_space<vmem>> -> memref<512x64xf32, #tpu.memory_space<vmem>>
      %dma_wait3A_442 = arith.constant 0 : i32
      %dma_wait3A_443 = arith.constant 0 : i32
      %dma_wait3A_444 = tpu.memref_slice %dma_wait3A_441[%dma_wait3A_442, %dma_wait3A_443] : memref<512x64xf32, #tpu.memory_space<vmem>> -> memref<128x64xf32, #tpu.memory_space<vmem>>
      %dma_wait3A_445 = arith.constant 0 : i32
      %dma_wait3A_446 = arith.constant 0 : i32
      %dma_wait3A_447 = tpu.memref_slice %arg2[%dma_wait3A_445, %dma_wait3A_446] : memref<10000x64xf32, #tpu.memory_space<hbm>> -> memref<128x64xf32, #tpu.memory_space<hbm>>
      %dma_wait3A_448 = arith.constant 0 : i32
      %dma_wait3A_449 = arith.constant 0 : i32
      %dma_wait3A_450 = tpu.memref_slice %arg7[%dma_wait3A_437, %dma_wait3A_448, %dma_wait3A_449] : memref<2x512x64xf32, #tpu.memory_space<vmem>> -> memref<1x512x64xf32, #tpu.memory_space<vmem>>
      %dma_wait3A_451 = tpu.memref_squeeze %dma_wait3A_450 : memref<1x512x64xf32, #tpu.memory_space<vmem>> -> memref<512x64xf32, #tpu.memory_space<vmem>>
      %dma_wait3A_452 = arith.constant 0 : i32
      %dma_wait3A_453 = arith.constant 0 : i32
      %dma_wait3A_454 = tpu.memref_slice %dma_wait3A_451[%dma_wait3A_452, %dma_wait3A_453] : memref<512x64xf32, #tpu.memory_space<vmem>> -> memref<128x64xf32, #tpu.memory_space<vmem>>
      %dma_wait3A_455 = arith.constant 0 : i32
      %dma_wait3A_456 = arith.constant 0 : i32
      %dma_wait3A_457 = tpu.memref_slice %arg2[%dma_wait3A_455, %dma_wait3A_456] : memref<10000x64xf32, #tpu.memory_space<hbm>> -> memref<128x64xf32, #tpu.memory_space<hbm>>
      tpu.wait_dma2 semaphore(%arg9 : memref<!tpu.dma_semaphore, #tpu.memory_space<semaphore_mem>>) src(%dma_wait3A_457 : memref<128x64xf32, #tpu.memory_space<hbm>>) dst(%dma_wait3A_454 : memref<128x64xf32, #tpu.memory_space<vmem>>)
      %dma_wait3A_458 = arith.constant 0 : i32
      %dma_wait3A_459 = arith.constant 0 : i32
      %dma_wait3A_460 = arith.constant 0 : i32
      %dma_wait3A_461 = tpu.memref_slice %arg7[%dma_wait3A_458, %dma_wait3A_459, %dma_wait3A_460] : memref<2x512x64xf32, #tpu.memory_space<vmem>> -> memref<1x512x64xf32, #tpu.memory_space<vmem>>
      %dma_wait3A_462 = tpu.memref_squeeze %dma_wait3A_461 : memref<1x512x64xf32, #tpu.memory_space<vmem>> -> memref<512x64xf32, #tpu.memory_space<vmem>>
      %dma_wait3A_463 = arith.constant 0 : i32
      %dma_wait3A_464 = arith.constant 0 : i32
      %dma_wait3A_465 = tpu.memref_slice %dma_wait3A_462[%dma_wait3A_463, %dma_wait3A_464] : memref<512x64xf32, #tpu.memory_space<vmem>> -> memref<128x64xf32, #tpu.memory_space<vmem>>
      %dma_wait3A_466 = arith.constant 0 : i32
      %dma_wait3A_467 = arith.constant 0 : i32
      %dma_wait3A_468 = tpu.memref_slice %arg2[%dma_wait3A_466, %dma_wait3A_467] : memref<10000x64xf32, #tpu.memory_space<hbm>> -> memref<128x64xf32, #tpu.memory_space<hbm>>
      %dma_wait3A_469 = arith.constant 0 : i32
      %dma_wait3A_470 = arith.constant 0 : i32
      %dma_wait3A_471 = tpu.memref_slice %arg7[%dma_wait3A_458, %dma_wait3A_469, %dma_wait3A_470] : memref<2x512x64xf32, #tpu.memory_space<vmem>> -> memref<1x512x64xf32, #tpu.memory_space<vmem>>
      %dma_wait3A_472 = tpu.memref_squeeze %dma_wait3A_471 : memref<1x512x64xf32, #tpu.memory_space<vmem>> -> memref<512x64xf32, #tpu.memory_space<vmem>>
      %dma_wait3A_473 = arith.constant 0 : i32
      %dma_wait3A_474 = arith.constant 0 : i32
      %dma_wait3A_475 = tpu.memref_slice %dma_wait3A_472[%dma_wait3A_473, %dma_wait3A_474] : memref<512x64xf32, #tpu.memory_space<vmem>> -> memref<128x64xf32, #tpu.memory_space<vmem>>
      %dma_wait3A_476 = arith.constant 0 : i32
      %dma_wait3A_477 = arith.constant 0 : i32
      %dma_wait3A_478 = tpu.memref_slice %arg2[%dma_wait3A_476, %dma_wait3A_477] : memref<10000x64xf32, #tpu.memory_space<hbm>> -> memref<128x64xf32, #tpu.memory_space<hbm>>
      tpu.wait_dma2 semaphore(%arg9 : memref<!tpu.dma_semaphore, #tpu.memory_space<semaphore_mem>>) src(%dma_wait3A_478 : memref<128x64xf32, #tpu.memory_space<hbm>>) dst(%dma_wait3A_475 : memref<128x64xf32, #tpu.memory_space<vmem>>)
      %dma_wait3A_479 = arith.constant 0 : i32
      %dma_wait3A_480 = arith.constant 0 : i32
      %dma_wait3A_481 = arith.constant 0 : i32
      %dma_wait3A_482 = tpu.memref_slice %arg7[%dma_wait3A_479, %dma_wait3A_480, %dma_wait3A_481] : memref<2x512x64xf32, #tpu.memory_space<vmem>> -> memref<1x512x64xf32, #tpu.memory_space<vmem>>
      %dma_wait3A_483 = tpu.memref_squeeze %dma_wait3A_482 : memref<1x512x64xf32, #tpu.memory_space<vmem>> -> memref<512x64xf32, #tpu.memory_space<vmem>>
      %dma_wait3A_484 = arith.constant 0 : i32
      %dma_wait3A_485 = arith.constant 0 : i32
      %dma_wait3A_486 = tpu.memref_slice %dma_wait3A_483[%dma_wait3A_484, %dma_wait3A_485] : memref<512x64xf32, #tpu.memory_space<vmem>> -> memref<128x64xf32, #tpu.memory_space<vmem>>
      %dma_wait3A_487 = arith.constant 0 : i32
      %dma_wait3A_488 = arith.constant 0 : i32
      %dma_wait3A_489 = tpu.memref_slice %arg2[%dma_wait3A_487, %dma_wait3A_488] : memref<10000x64xf32, #tpu.memory_space<hbm>> -> memref<128x64xf32, #tpu.memory_space<hbm>>
      %dma_wait3A_490 = arith.constant 0 : i32
      %dma_wait3A_491 = arith.constant 0 : i32
      %dma_wait3A_492 = tpu.memref_slice %arg7[%dma_wait3A_479, %dma_wait3A_490, %dma_wait3A_491] : memref<2x512x64xf32, #tpu.memory_space<vmem>> -> memref<1x512x64xf32, #tpu.memory_space<vmem>>
      %dma_wait3A_493 = tpu.memref_squeeze %dma_wait3A_492 : memref<1x512x64xf32, #tpu.memory_space<vmem>> -> memref<512x64xf32, #tpu.memory_space<vmem>>
      %dma_wait3A_494 = arith.constant 0 : i32
      %dma_wait3A_495 = arith.constant 0 : i32
      %dma_wait3A_496 = tpu.memref_slice %dma_wait3A_493[%dma_wait3A_494, %dma_wait3A_495] : memref<512x64xf32, #tpu.memory_space<vmem>> -> memref<128x64xf32, #tpu.memory_space<vmem>>
      %dma_wait3A_497 = arith.constant 0 : i32
      %dma_wait3A_498 = arith.constant 0 : i32
      %dma_wait3A_499 = tpu.memref_slice %arg2[%dma_wait3A_497, %dma_wait3A_498] : memref<10000x64xf32, #tpu.memory_space<hbm>> -> memref<128x64xf32, #tpu.memory_space<hbm>>
      tpu.wait_dma2 semaphore(%arg9 : memref<!tpu.dma_semaphore, #tpu.memory_space<semaphore_mem>>) src(%dma_wait3A_499 : memref<128x64xf32, #tpu.memory_space<hbm>>) dst(%dma_wait3A_496 : memref<128x64xf32, #tpu.memory_space<vmem>>)
    }
    %scan3A_101 = arith.constant 20 : i32
    %dma_wait3A = arith.constant 0 : i32
    %dma_wait3A_102 = arith.constant 0 : i32
    %dma_wait3A_103 = arith.constant 0 : i32
    %dma_wait3A_104 = tpu.memref_slice %arg7[%dma_wait3A, %dma_wait3A_102, %dma_wait3A_103] : memref<2x512x64xf32, #tpu.memory_space<vmem>> -> memref<1x512x64xf32, #tpu.memory_space<vmem>>
    %dma_wait3A_105 = tpu.memref_squeeze %dma_wait3A_104 : memref<1x512x64xf32, #tpu.memory_space<vmem>> -> memref<512x64xf32, #tpu.memory_space<vmem>>
    %dma_wait3A_106 = arith.constant 0 : i32
    %dma_wait3A_107 = arith.constant 0 : i32
    %dma_wait3A_108 = tpu.memref_slice %dma_wait3A_105[%dma_wait3A_106, %dma_wait3A_107] : memref<512x64xf32, #tpu.memory_space<vmem>> -> memref<128x64xf32, #tpu.memory_space<vmem>>
    %dma_wait3A_109 = arith.constant 0 : i32
    %dma_wait3A_110 = arith.constant 0 : i32
    %dma_wait3A_111 = tpu.memref_slice %arg2[%dma_wait3A_109, %dma_wait3A_110] : memref<10000x64xf32, #tpu.memory_space<hbm>> -> memref<128x64xf32, #tpu.memory_space<hbm>>
    %dma_wait3A_112 = arith.constant 0 : i32
    %dma_wait3A_113 = arith.constant 0 : i32
    %dma_wait3A_114 = tpu.memref_slice %arg7[%dma_wait3A, %dma_wait3A_112, %dma_wait3A_113] : memref<2x512x64xf32, #tpu.memory_space<vmem>> -> memref<1x512x64xf32, #tpu.memory_space<vmem>>
    %dma_wait3A_115 = tpu.memref_squeeze %dma_wait3A_114 : memref<1x512x64xf32, #tpu.memory_space<vmem>> -> memref<512x64xf32, #tpu.memory_space<vmem>>
    %dma_wait3A_116 = arith.constant 0 : i32
    %dma_wait3A_117 = arith.constant 0 : i32
    %dma_wait3A_118 = tpu.memref_slice %dma_wait3A_115[%dma_wait3A_116, %dma_wait3A_117] : memref<512x64xf32, #tpu.memory_space<vmem>> -> memref<128x64xf32, #tpu.memory_space<vmem>>
    %dma_wait3A_119 = arith.constant 0 : i32
    %dma_wait3A_120 = arith.constant 0 : i32
    %dma_wait3A_121 = tpu.memref_slice %arg2[%dma_wait3A_119, %dma_wait3A_120] : memref<10000x64xf32, #tpu.memory_space<hbm>> -> memref<128x64xf32, #tpu.memory_space<hbm>>
    tpu.wait_dma2 semaphore(%arg8 : memref<!tpu.dma_semaphore, #tpu.memory_space<semaphore_mem>>) src(%dma_wait3A_121 : memref<128x64xf32, #tpu.memory_space<hbm>>) dst(%dma_wait3A_118 : memref<128x64xf32, #tpu.memory_space<vmem>>)
    %dma_wait3A_122 = arith.constant 0 : i32
    %dma_wait3A_123 = arith.constant 0 : i32
    %dma_wait3A_124 = arith.constant 0 : i32
    %dma_wait3A_125 = tpu.memref_slice %arg7[%dma_wait3A_122, %dma_wait3A_123, %dma_wait3A_124] : memref<2x512x64xf32, #tpu.memory_space<vmem>> -> memref<1x512x64xf32, #tpu.memory_space<vmem>>
    %dma_wait3A_126 = tpu.memref_squeeze %dma_wait3A_125 : memref<1x512x64xf32, #tpu.memory_space<vmem>> -> memref<512x64xf32, #tpu.memory_space<vmem>>
    %dma_wait3A_127 = arith.constant 0 : i32
    %dma_wait3A_128 = arith.constant 0 : i32
    %dma_wait3A_129 = tpu.memref_slice %dma_wait3A_126[%dma_wait3A_127, %dma_wait3A_128] : memref<512x64xf32, #tpu.memory_space<vmem>> -> memref<128x64xf32, #tpu.memory_space<vmem>>
    %dma_wait3A_130 = arith.constant 0 : i32
    %dma_wait3A_131 = arith.constant 0 : i32
    %dma_wait3A_132 = tpu.memref_slice %arg2[%dma_wait3A_130, %dma_wait3A_131] : memref<10000x64xf32, #tpu.memory_space<hbm>> -> memref<128x64xf32, #tpu.memory_space<hbm>>
    %dma_wait3A_133 = arith.constant 0 : i32
    %dma_wait3A_134 = arith.constant 0 : i32
    %dma_wait3A_135 = tpu.memref_slice %arg7[%dma_wait3A_122, %dma_wait3A_133, %dma_wait3A_134] : memref<2x512x64xf32, #tpu.memory_space<vmem>> -> memref<1x512x64xf32, #tpu.memory_space<vmem>>
    %dma_wait3A_136 = tpu.memref_squeeze %dma_wait3A_135 : memref<1x512x64xf32, #tpu.memory_space<vmem>> -> memref<512x64xf32, #tpu.memory_space<vmem>>
    %dma_wait3A_137 = arith.constant 0 : i32
    %dma_wait3A_138 = arith.constant 0 : i32
    %dma_wait3A_139 = tpu.memref_slice %dma_wait3A_136[%dma_wait3A_137, %dma_wait3A_138] : memref<512x64xf32, #tpu.memory_space<vmem>> -> memref<128x64xf32, #tpu.memory_space<vmem>>
    %dma_wait3A_140 = arith.constant 0 : i32
    %dma_wait3A_141 = arith.constant 0 : i32
    %dma_wait3A_142 = tpu.memref_slice %arg2[%dma_wait3A_140, %dma_wait3A_141] : memref<10000x64xf32, #tpu.memory_space<hbm>> -> memref<128x64xf32, #tpu.memory_space<hbm>>
    tpu.wait_dma2 semaphore(%arg8 : memref<!tpu.dma_semaphore, #tpu.memory_space<semaphore_mem>>) src(%dma_wait3A_142 : memref<128x64xf32, #tpu.memory_space<hbm>>) dst(%dma_wait3A_139 : memref<128x64xf32, #tpu.memory_space<vmem>>)
    %dma_wait3A_143 = arith.constant 0 : i32
    %dma_wait3A_144 = arith.constant 0 : i32
    %dma_wait3A_145 = arith.constant 0 : i32
    %dma_wait3A_146 = tpu.memref_slice %arg7[%dma_wait3A_143, %dma_wait3A_144, %dma_wait3A_145] : memref<2x512x64xf32, #tpu.memory_space<vmem>> -> memref<1x512x64xf32, #tpu.memory_space<vmem>>
    %dma_wait3A_147 = tpu.memref_squeeze %dma_wait3A_146 : memref<1x512x64xf32, #tpu.memory_space<vmem>> -> memref<512x64xf32, #tpu.memory_space<vmem>>
    %dma_wait3A_148 = arith.constant 0 : i32
    %dma_wait3A_149 = arith.constant 0 : i32
    %dma_wait3A_150 = tpu.memref_slice %dma_wait3A_147[%dma_wait3A_148, %dma_wait3A_149] : memref<512x64xf32, #tpu.memory_space<vmem>> -> memref<128x64xf32, #tpu.memory_space<vmem>>
    %dma_wait3A_151 = arith.constant 0 : i32
    %dma_wait3A_152 = arith.constant 0 : i32
    %dma_wait3A_153 = tpu.memref_slice %arg2[%dma_wait3A_151, %dma_wait3A_152] : memref<10000x64xf32, #tpu.memory_space<hbm>> -> memref<128x64xf32, #tpu.memory_space<hbm>>
    %dma_wait3A_154 = arith.constant 0 : i32
    %dma_wait3A_155 = arith.constant 0 : i32
    %dma_wait3A_156 = tpu.memref_slice %arg7[%dma_wait3A_143, %dma_wait3A_154, %dma_wait3A_155] : memref<2x512x64xf32, #tpu.memory_space<vmem>> -> memref<1x512x64xf32, #tpu.memory_space<vmem>>
    %dma_wait3A_157 = tpu.memref_squeeze %dma_wait3A_156 : memref<1x512x64xf32, #tpu.memory_space<vmem>> -> memref<512x64xf32, #tpu.memory_space<vmem>>
    %dma_wait3A_158 = arith.constant 0 : i32
    %dma_wait3A_159 = arith.constant 0 : i32
    %dma_wait3A_160 = tpu.memref_slice %dma_wait3A_157[%dma_wait3A_158, %dma_wait3A_159] : memref<512x64xf32, #tpu.memory_space<vmem>> -> memref<128x64xf32, #tpu.memory_space<vmem>>
    %dma_wait3A_161 = arith.constant 0 : i32
    %dma_wait3A_162 = arith.constant 0 : i32
    %dma_wait3A_163 = tpu.memref_slice %arg2[%dma_wait3A_161, %dma_wait3A_162] : memref<10000x64xf32, #tpu.memory_space<hbm>> -> memref<128x64xf32, #tpu.memory_space<hbm>>
    tpu.wait_dma2 semaphore(%arg8 : memref<!tpu.dma_semaphore, #tpu.memory_space<semaphore_mem>>) src(%dma_wait3A_163 : memref<128x64xf32, #tpu.memory_space<hbm>>) dst(%dma_wait3A_160 : memref<128x64xf32, #tpu.memory_space<vmem>>)
    %dma_wait3A_164 = arith.constant 0 : i32
    %dma_wait3A_165 = arith.constant 0 : i32
    %dma_wait3A_166 = arith.constant 0 : i32
    %dma_wait3A_167 = tpu.memref_slice %arg7[%dma_wait3A_164, %dma_wait3A_165, %dma_wait3A_166] : memref<2x512x64xf32, #tpu.memory_space<vmem>> -> memref<1x512x64xf32, #tpu.memory_space<vmem>>
    %dma_wait3A_168 = tpu.memref_squeeze %dma_wait3A_167 : memref<1x512x64xf32, #tpu.memory_space<vmem>> -> memref<512x64xf32, #tpu.memory_space<vmem>>
    %dma_wait3A_169 = arith.constant 0 : i32
    %dma_wait3A_170 = arith.constant 0 : i32
    %dma_wait3A_171 = tpu.memref_slice %dma_wait3A_168[%dma_wait3A_169, %dma_wait3A_170] : memref<512x64xf32, #tpu.memory_space<vmem>> -> memref<128x64xf32, #tpu.memory_space<vmem>>
    %dma_wait3A_172 = arith.constant 0 : i32
    %dma_wait3A_173 = arith.constant 0 : i32
    %dma_wait3A_174 = tpu.memref_slice %arg2[%dma_wait3A_172, %dma_wait3A_173] : memref<10000x64xf32, #tpu.memory_space<hbm>> -> memref<128x64xf32, #tpu.memory_space<hbm>>
    %dma_wait3A_175 = arith.constant 0 : i32
    %dma_wait3A_176 = arith.constant 0 : i32
    %dma_wait3A_177 = tpu.memref_slice %arg7[%dma_wait3A_164, %dma_wait3A_175, %dma_wait3A_176] : memref<2x512x64xf32, #tpu.memory_space<vmem>> -> memref<1x512x64xf32, #tpu.memory_space<vmem>>
    %dma_wait3A_178 = tpu.memref_squeeze %dma_wait3A_177 : memref<1x512x64xf32, #tpu.memory_space<vmem>> -> memref<512x64xf32, #tpu.memory_space<vmem>>
    %dma_wait3A_179 = arith.constant 0 : i32
    %dma_wait3A_180 = arith.constant 0 : i32
    %dma_wait3A_181 = tpu.memref_slice %dma_wait3A_178[%dma_wait3A_179, %dma_wait3A_180] : memref<512x64xf32, #tpu.memory_space<vmem>> -> memref<128x64xf32, #tpu.memory_space<vmem>>
    %dma_wait3A_182 = arith.constant 0 : i32
    %dma_wait3A_183 = arith.constant 0 : i32
    %dma_wait3A_184 = tpu.memref_slice %arg2[%dma_wait3A_182, %dma_wait3A_183] : memref<10000x64xf32, #tpu.memory_space<hbm>> -> memref<128x64xf32, #tpu.memory_space<hbm>>
    tpu.wait_dma2 semaphore(%arg8 : memref<!tpu.dma_semaphore, #tpu.memory_space<semaphore_mem>>) src(%dma_wait3A_184 : memref<128x64xf32, #tpu.memory_space<hbm>>) dst(%dma_wait3A_181 : memref<128x64xf32, #tpu.memory_space<vmem>>)
    %barrier3A_185 = arith.constant 0 : index
    tpu.barrier barrier_id(%barrier3A_185)
    %mul3A_186 = arith.constant 640 : i32
    %mul3A_187 = arith.muli %arg1, %mul3A_186 : i32
    %mul3A_188 = arith.constant 640 : i32
    %mul3A_189 = arith.muli %arg1, %mul3A_188 : i32
    "tpu.region"() ({
      %run_scoped3A_190 = tpu.sem_alloc : memref<!tpu.dma_semaphore, #tpu.memory_space<semaphore_mem>>
      %dma_start3A_191 = arith.constant 0 : i32
      %dma_start3A_192 = arith.constant 0 : i32
      %dma_start3A_193 = tpu.memref_slice %arg4[%arg0, %dma_start3A_191, %dma_start3A_192] : memref<2x10240x64xf32, #tpu.memory_space<hbm>> -> memref<1x10240x64xf32, #tpu.memory_space<hbm>>
      %dma_start3A_194 = tpu.memref_squeeze %dma_start3A_193 : memref<1x10240x64xf32, #tpu.memory_space<hbm>> -> memref<10240x64xf32, #tpu.memory_space<hbm>>
      %dma_start3A_195 = arith.constant 0 : i32
      %dma_start3A_196 = tpu.memref_slice %dma_start3A_194[%mul3A_189, %dma_start3A_195] : memref<10240x64xf32, #tpu.memory_space<hbm>> -> memref<640x64xf32, #tpu.memory_space<hbm>>
      %dma_start3A_197 = arith.constant 0 : i32
      %dma_start3A_198 = tpu.memref_slice %arg10[%mul3A_187, %dma_start3A_197] : memref<10240x64xf32, #tpu.memory_space<vmem_shared>> -> memref<640x64xf32, #tpu.memory_space<vmem_shared>>
      tpu.enqueue_dma source(%dma_start3A_198 : memref<640x64xf32, #tpu.memory_space<vmem_shared>>) target(%dma_start3A_196 : memref<640x64xf32, #tpu.memory_space<hbm>>) target_semaphore(%run_scoped3A_190 : memref<!tpu.dma_semaphore, #tpu.memory_space<semaphore_mem>>)
      %dma_wait3A_199 = arith.constant 0 : i32
      %dma_wait3A_200 = arith.constant 0 : i32
      %dma_wait3A_201 = tpu.memref_slice %arg4[%arg0, %dma_wait3A_199, %dma_wait3A_200] : memref<2x10240x64xf32, #tpu.memory_space<hbm>> -> memref<1x10240x64xf32, #tpu.memory_space<hbm>>
      %dma_wait3A_202 = tpu.memref_squeeze %dma_wait3A_201 : memref<1x10240x64xf32, #tpu.memory_space<hbm>> -> memref<10240x64xf32, #tpu.memory_space<hbm>>
      %dma_wait3A_203 = arith.constant 0 : i32
      %dma_wait3A_204 = tpu.memref_slice %dma_wait3A_202[%mul3A_189, %dma_wait3A_203] : memref<10240x64xf32, #tpu.memory_space<hbm>> -> memref<640x64xf32, #tpu.memory_space<hbm>>
      %dma_wait3A_205 = arith.constant 0 : i32
      %dma_wait3A_206 = tpu.memref_slice %arg10[%mul3A_187, %dma_wait3A_205] : memref<10240x64xf32, #tpu.memory_space<vmem_shared>> -> memref<640x64xf32, #tpu.memory_space<vmem_shared>>
      tpu.wait_dma2 semaphore(%run_scoped3A_190 : memref<!tpu.dma_semaphore, #tpu.memory_space<semaphore_mem>>) src(%dma_wait3A_206 : memref<640x64xf32, #tpu.memory_space<vmem_shared>>) dst(%dma_wait3A_204 : memref<640x64xf32, #tpu.memory_space<hbm>>)
      tpu.yield
    }) : () -> ()
    return
  }
}

#map = affine_map<(d0, d1) -> (0, 0, 0)>
module attributes {stable_mosaic.version = 14 : i64} {
  func.func @_sc_deg(%arg0: i32, %arg1: i32, %arg2: memref<2x2560x128xi32, #tpu.memory_space<hbm>>, %arg3: memref<2x10240x16xf32, #tpu.memory_space<hbm>>, %arg4: memref<80x128xi32, #tpu.memory_space<vmem>>, %arg5: memref<128x16xf32, #tpu.memory_space<vmem>>, %arg6: memref<128x16xf32, #tpu.memory_space<vmem>>, %arg7: memref<10240x16xf32, #tpu.memory_space<vmem_shared>>, %arg8: memref<!tpu.dma_semaphore, #tpu.memory_space<semaphore_mem>>) attributes {dimension_semantics = [#tpu.dimension_semantics<core_parallel>, #tpu.dimension_semantics<subcore_parallel>], iteration_bounds = array<i64: 2, 16>, scalar_prefetch = 0 : i64, scratch_operands = 5 : i64, tpu.core_type = #tpu.core_type<sc_vector_subcore>, window_params = [{transform_indices = #map}, {transform_indices = #map}]} {
    %mul3A = arith.constant 16 : i32
    %mul3A_0 = arith.muli %arg0, %mul3A : i32
    %add3A = arith.addi %mul3A_0, %arg1 : i32
    %iota3A = tpu.iota {dimensions = array<i32: 0>} : vector<16xi32>
    %eq3A = arith.constant 0 : i32
    %eq3A_1 = vector.broadcast %eq3A : i32 to vector<16xi32>
    %eq3A_2 = arith.cmpi eq, %iota3A, %eq3A_1 : vector<16xi32>
    %jit3A = arith.constant 1.000000e+00 : f32
    %jit3A_3 = arith.constant 0.000000e+00 : f32
    %broadcast_in_dim3A = vector.broadcast %jit3A : f32 to vector<16xf32>
    %broadcast_in_dim3A_4 = vector.broadcast %jit3A_3 : f32 to vector<16xf32>
    %select_n3A = arith.select %eq3A_2, %broadcast_in_dim3A, %broadcast_in_dim3A_4 : vector<16xi1>, vector<16xf32>
    %broadcast_in_dim3A_5 = arith.constant 0.000000e+00 : f32
    %broadcast_in_dim3A_6 = vector.broadcast %broadcast_in_dim3A_5 : f32 to vector<16xf32>
    %scan3A = arith.constant 0 : i32
    %scan3A_7 = arith.constant 0 : i32
    %scan3A_8 = arith.constant 128 : i32
    %scan3A_9 = arith.addi %scan3A_7, %scan3A_8 : i32
    %scan3A_10 = arith.constant 1 : i32
    scf.for %scan3A_131 = %scan3A_7 to %scan3A_9 step %scan3A_10  : i32 {
      %swap3A = arith.index_cast %scan3A_131 : i32 to index
      %swap3A_132 = arith.constant 0 : index
      %swap3A_133 = tpu.vector_load %arg5[%swap3A, %swap3A_132] {strides = array<i32>} : memref<128x16xf32, #tpu.memory_space<vmem>>, vector<1x16xf32>,
      %swap3A_134 = vector.shape_cast %swap3A_133 : vector<1x16xf32> to vector<16xf32>
      %swap3A_135 = vector.shape_cast %select_n3A : vector<16xf32> to vector<1x16xf32>
      tpu.vector_store %arg5[%swap3A, %swap3A_132], %swap3A_135 {strides = array<i32>} : memref<128x16xf32, #tpu.memory_space<vmem>>, vector<1x16xf32>,
      %swap3A_136 = arith.index_cast %scan3A_131 : i32 to index
      %swap3A_137 = arith.constant 0 : index
      %swap3A_138 = tpu.vector_load %arg6[%swap3A_136, %swap3A_137] {strides = array<i32>} : memref<128x16xf32, #tpu.memory_space<vmem>>, vector<1x16xf32>,
      %swap3A_139 = vector.shape_cast %swap3A_138 : vector<1x16xf32> to vector<16xf32>
      %swap3A_140 = vector.shape_cast %broadcast_in_dim3A_6 : vector<16xf32> to vector<1x16xf32>
      tpu.vector_store %arg6[%swap3A_136, %swap3A_137], %swap3A_140 {strides = array<i32>} : memref<128x16xf32, #tpu.memory_space<vmem>>, vector<1x16xf32>,
    }
    %scan3A_11 = arith.constant 128 : i32
    %mul3A_12 = arith.constant 640 : i32
    %mul3A_13 = arith.muli %arg1, %mul3A_12 : i32
    %add3A_14 = arith.constant 0 : i32
    %add3A_15 = arith.addi %mul3A_13, %add3A_14 : i32
    "tpu.region"() ({
      %run_scoped3A_131 = tpu.sem_alloc : memref<!tpu.dma_semaphore, #tpu.memory_space<semaphore_mem>>
      %dma_start3A_132 = arith.constant 0 : i32
      %dma_start3A_133 = tpu.memref_slice %arg7[%add3A_15, %dma_start3A_132] : memref<10240x16xf32, #tpu.memory_space<vmem_shared>> -> memref<128x16xf32, #tpu.memory_space<vmem_shared>>
      %dma_start3A_134 = arith.constant 0 : i32
      %dma_start3A_135 = tpu.memref_slice %arg7[%add3A_15, %dma_start3A_134] : memref<10240x16xf32, #tpu.memory_space<vmem_shared>> -> memref<128x16xf32, #tpu.memory_space<vmem_shared>>
      tpu.enqueue_dma source(%arg6 : memref<128x16xf32, #tpu.memory_space<vmem>>) target(%dma_start3A_135 : memref<128x16xf32, #tpu.memory_space<vmem_shared>>) target_semaphore(%run_scoped3A_131 : memref<!tpu.dma_semaphore, #tpu.memory_space<semaphore_mem>>)
      %dma_wait3A_136 = arith.constant 0 : i32
      %dma_wait3A_137 = tpu.memref_slice %arg7[%add3A_15, %dma_wait3A_136] : memref<10240x16xf32, #tpu.memory_space<vmem_shared>> -> memref<128x16xf32, #tpu.memory_space<vmem_shared>>
      %dma_wait3A_138 = arith.constant 0 : i32
      %dma_wait3A_139 = tpu.memref_slice %arg7[%add3A_15, %dma_wait3A_138] : memref<10240x16xf32, #tpu.memory_space<vmem_shared>> -> memref<128x16xf32, #tpu.memory_space<vmem_shared>>
      tpu.wait_dma2 semaphore(%run_scoped3A_131 : memref<!tpu.dma_semaphore, #tpu.memory_space<semaphore_mem>>) src(%arg6 : memref<128x16xf32, #tpu.memory_space<vmem>>) dst(%dma_wait3A_139 : memref<128x16xf32, #tpu.memory_space<vmem_shared>>)
      tpu.yield
    }) : () -> ()
    %mul3A_16 = arith.constant 640 : i32
    %mul3A_17 = arith.muli %arg1, %mul3A_16 : i32
    %add3A_18 = arith.constant 128 : i32
    %add3A_19 = arith.addi %mul3A_17, %add3A_18 : i32
    "tpu.region"() ({
      %run_scoped3A_131 = tpu.sem_alloc : memref<!tpu.dma_semaphore, #tpu.memory_space<semaphore_mem>>
      %dma_start3A_132 = arith.constant 0 : i32
      %dma_start3A_133 = tpu.memref_slice %arg7[%add3A_19, %dma_start3A_132] : memref<10240x16xf32, #tpu.memory_space<vmem_shared>> -> memref<128x16xf32, #tpu.memory_space<vmem_shared>>
      %dma_start3A_134 = arith.constant 0 : i32
      %dma_start3A_135 = tpu.memref_slice %arg7[%add3A_19, %dma_start3A_134] : memref<10240x16xf32, #tpu.memory_space<vmem_shared>> -> memref<128x16xf32, #tpu.memory_space<vmem_shared>>
      tpu.enqueue_dma source(%arg6 : memref<128x16xf32, #tpu.memory_space<vmem>>) target(%dma_start3A_135 : memref<128x16xf32, #tpu.memory_space<vmem_shared>>) target_semaphore(%run_scoped3A_131 : memref<!tpu.dma_semaphore, #tpu.memory_space<semaphore_mem>>)
      %dma_wait3A_136 = arith.constant 0 : i32
      %dma_wait3A_137 = tpu.memref_slice %arg7[%add3A_19, %dma_wait3A_136] : memref<10240x16xf32, #tpu.memory_space<vmem_shared>> -> memref<128x16xf32, #tpu.memory_space<vmem_shared>>
      %dma_wait3A_138 = arith.constant 0 : i32
      %dma_wait3A_139 = tpu.memref_slice %arg7[%add3A_19, %dma_wait3A_138] : memref<10240x16xf32, #tpu.memory_space<vmem_shared>> -> memref<128x16xf32, #tpu.memory_space<vmem_shared>>
      tpu.wait_dma2 semaphore(%run_scoped3A_131 : memref<!tpu.dma_semaphore, #tpu.memory_space<semaphore_mem>>) src(%arg6 : memref<128x16xf32, #tpu.memory_space<vmem>>) dst(%dma_wait3A_139 : memref<128x16xf32, #tpu.memory_space<vmem_shared>>)
      tpu.yield
    }) : () -> ()
    %mul3A_20 = arith.constant 640 : i32
    %mul3A_21 = arith.muli %arg1, %mul3A_20 : i32
    %add3A_22 = arith.constant 256 : i32
    %add3A_23 = arith.addi %mul3A_21, %add3A_22 : i32
    "tpu.region"() ({
      %run_scoped3A_131 = tpu.sem_alloc : memref<!tpu.dma_semaphore, #tpu.memory_space<semaphore_mem>>
      %dma_start3A_132 = arith.constant 0 : i32
      %dma_start3A_133 = tpu.memref_slice %arg7[%add3A_23, %dma_start3A_132] : memref<10240x16xf32, #tpu.memory_space<vmem_shared>> -> memref<128x16xf32, #tpu.memory_space<vmem_shared>>
      %dma_start3A_134 = arith.constant 0 : i32
      %dma_start3A_135 = tpu.memref_slice %arg7[%add3A_23, %dma_start3A_134] : memref<10240x16xf32, #tpu.memory_space<vmem_shared>> -> memref<128x16xf32, #tpu.memory_space<vmem_shared>>
      tpu.enqueue_dma source(%arg6 : memref<128x16xf32, #tpu.memory_space<vmem>>) target(%dma_start3A_135 : memref<128x16xf32, #tpu.memory_space<vmem_shared>>) target_semaphore(%run_scoped3A_131 : memref<!tpu.dma_semaphore, #tpu.memory_space<semaphore_mem>>)
      %dma_wait3A_136 = arith.constant 0 : i32
      %dma_wait3A_137 = tpu.memref_slice %arg7[%add3A_23, %dma_wait3A_136] : memref<10240x16xf32, #tpu.memory_space<vmem_shared>> -> memref<128x16xf32, #tpu.memory_space<vmem_shared>>
      %dma_wait3A_138 = arith.constant 0 : i32
      %dma_wait3A_139 = tpu.memref_slice %arg7[%add3A_23, %dma_wait3A_138] : memref<10240x16xf32, #tpu.memory_space<vmem_shared>> -> memref<128x16xf32, #tpu.memory_space<vmem_shared>>
      tpu.wait_dma2 semaphore(%run_scoped3A_131 : memref<!tpu.dma_semaphore, #tpu.memory_space<semaphore_mem>>) src(%arg6 : memref<128x16xf32, #tpu.memory_space<vmem>>) dst(%dma_wait3A_139 : memref<128x16xf32, #tpu.memory_space<vmem_shared>>)
      tpu.yield
    }) : () -> ()
    %mul3A_24 = arith.constant 640 : i32
    %mul3A_25 = arith.muli %arg1, %mul3A_24 : i32
    %add3A_26 = arith.constant 384 : i32
    %add3A_27 = arith.addi %mul3A_25, %add3A_26 : i32
    "tpu.region"() ({
      %run_scoped3A_131 = tpu.sem_alloc : memref<!tpu.dma_semaphore, #tpu.memory_space<semaphore_mem>>
      %dma_start3A_132 = arith.constant 0 : i32
      %dma_start3A_133 = tpu.memref_slice %arg7[%add3A_27, %dma_start3A_132] : memref<10240x16xf32, #tpu.memory_space<vmem_shared>> -> memref<128x16xf32, #tpu.memory_space<vmem_shared>>
      %dma_start3A_134 = arith.constant 0 : i32
      %dma_start3A_135 = tpu.memref_slice %arg7[%add3A_27, %dma_start3A_134] : memref<10240x16xf32, #tpu.memory_space<vmem_shared>> -> memref<128x16xf32, #tpu.memory_space<vmem_shared>>
      tpu.enqueue_dma source(%arg6 : memref<128x16xf32, #tpu.memory_space<vmem>>) target(%dma_start3A_135 : memref<128x16xf32, #tpu.memory_space<vmem_shared>>) target_semaphore(%run_scoped3A_131 : memref<!tpu.dma_semaphore, #tpu.memory_space<semaphore_mem>>)
      %dma_wait3A_136 = arith.constant 0 : i32
      %dma_wait3A_137 = tpu.memref_slice %arg7[%add3A_27, %dma_wait3A_136] : memref<10240x16xf32, #tpu.memory_space<vmem_shared>> -> memref<128x16xf32, #tpu.memory_space<vmem_shared>>
      %dma_wait3A_138 = arith.constant 0 : i32
      %dma_wait3A_139 = tpu.memref_slice %arg7[%add3A_27, %dma_wait3A_138] : memref<10240x16xf32, #tpu.memory_space<vmem_shared>> -> memref<128x16xf32, #tpu.memory_space<vmem_shared>>
      tpu.wait_dma2 semaphore(%run_scoped3A_131 : memref<!tpu.dma_semaphore, #tpu.memory_space<semaphore_mem>>) src(%arg6 : memref<128x16xf32, #tpu.memory_space<vmem>>) dst(%dma_wait3A_139 : memref<128x16xf32, #tpu.memory_space<vmem_shared>>)
      tpu.yield
    }) : () -> ()
    %mul3A_28 = arith.constant 640 : i32
    %mul3A_29 = arith.muli %arg1, %mul3A_28 : i32
    %add3A_30 = arith.constant 512 : i32
    %add3A_31 = arith.addi %mul3A_29, %add3A_30 : i32
    "tpu.region"() ({
      %run_scoped3A_131 = tpu.sem_alloc : memref<!tpu.dma_semaphore, #tpu.memory_space<semaphore_mem>>
      %dma_start3A_132 = arith.constant 0 : i32
      %dma_start3A_133 = tpu.memref_slice %arg7[%add3A_31, %dma_start3A_132] : memref<10240x16xf32, #tpu.memory_space<vmem_shared>> -> memref<128x16xf32, #tpu.memory_space<vmem_shared>>
      %dma_start3A_134 = arith.constant 0 : i32
      %dma_start3A_135 = tpu.memref_slice %arg7[%add3A_31, %dma_start3A_134] : memref<10240x16xf32, #tpu.memory_space<vmem_shared>> -> memref<128x16xf32, #tpu.memory_space<vmem_shared>>
      tpu.enqueue_dma source(%arg6 : memref<128x16xf32, #tpu.memory_space<vmem>>) target(%dma_start3A_135 : memref<128x16xf32, #tpu.memory_space<vmem_shared>>) target_semaphore(%run_scoped3A_131 : memref<!tpu.dma_semaphore, #tpu.memory_space<semaphore_mem>>)
      %dma_wait3A_136 = arith.constant 0 : i32
      %dma_wait3A_137 = tpu.memref_slice %arg7[%add3A_31, %dma_wait3A_136] : memref<10240x16xf32, #tpu.memory_space<vmem_shared>> -> memref<128x16xf32, #tpu.memory_space<vmem_shared>>
      %dma_wait3A_138 = arith.constant 0 : i32
      %dma_wait3A_139 = tpu.memref_slice %arg7[%add3A_31, %dma_wait3A_138] : memref<10240x16xf32, #tpu.memory_space<vmem_shared>> -> memref<128x16xf32, #tpu.memory_space<vmem_shared>>
      tpu.wait_dma2 semaphore(%run_scoped3A_131 : memref<!tpu.dma_semaphore, #tpu.memory_space<semaphore_mem>>) src(%arg6 : memref<128x16xf32, #tpu.memory_space<vmem>>) dst(%dma_wait3A_139 : memref<128x16xf32, #tpu.memory_space<vmem_shared>>)
      tpu.yield
    }) : () -> ()
    %mul3A_32 = arith.constant 80 : i32
    %mul3A_33 = arith.muli %add3A, %mul3A_32 : i32
    %run_scoped3A = arith.constant 1 : i32
    "tpu.region"() ({
      %run_scoped3A_131 = tpu.sem_alloc : memref<!tpu.dma_semaphore, #tpu.memory_space<semaphore_mem>>
      %dma_start3A_132 = arith.constant 0 : i32
      %dma_start3A_133 = arith.constant 0 : i32
      %dma_start3A_134 = tpu.memref_slice %arg2[%run_scoped3A, %dma_start3A_132, %dma_start3A_133] : memref<2x2560x128xi32, #tpu.memory_space<hbm>> -> memref<1x2560x128xi32, #tpu.memory_space<hbm>>
      %dma_start3A_135 = tpu.memref_squeeze %dma_start3A_134 : memref<1x2560x128xi32, #tpu.memory_space<hbm>> -> memref<2560x128xi32, #tpu.memory_space<hbm>>
      %dma_start3A_136 = arith.constant 0 : i32
      %dma_start3A_137 = tpu.memref_slice %dma_start3A_135[%mul3A_33, %dma_start3A_136] : memref<2560x128xi32, #tpu.memory_space<hbm>> -> memref<80x128xi32, #tpu.memory_space<hbm>>
      %dma_start3A_138 = arith.constant 0 : i32
      %dma_start3A_139 = arith.constant 0 : i32
      %dma_start3A_140 = tpu.memref_slice %arg2[%run_scoped3A, %dma_start3A_138, %dma_start3A_139] : memref<2x2560x128xi32, #tpu.memory_space<hbm>> -> memref<1x2560x128xi32, #tpu.memory_space<hbm>>
      %dma_start3A_141 = tpu.memref_squeeze %dma_start3A_140 : memref<1x2560x128xi32, #tpu.memory_space<hbm>> -> memref<2560x128xi32, #tpu.memory_space<hbm>>
      %dma_start3A_142 = arith.constant 0 : i32
      %dma_start3A_143 = tpu.memref_slice %dma_start3A_141[%mul3A_33, %dma_start3A_142] : memref<2560x128xi32, #tpu.memory_space<hbm>> -> memref<80x128xi32, #tpu.memory_space<hbm>>
      tpu.enqueue_dma source(%dma_start3A_143 : memref<80x128xi32, #tpu.memory_space<hbm>>) target(%arg4 : memref<80x128xi32, #tpu.memory_space<vmem>>) target_semaphore(%run_scoped3A_131 : memref<!tpu.dma_semaphore, #tpu.memory_space<semaphore_mem>>)
      %dma_wait3A_144 = arith.constant 0 : i32
      %dma_wait3A_145 = arith.constant 0 : i32
      %dma_wait3A_146 = tpu.memref_slice %arg2[%run_scoped3A, %dma_wait3A_144, %dma_wait3A_145] : memref<2x2560x128xi32, #tpu.memory_space<hbm>> -> memref<1x2560x128xi32, #tpu.memory_space<hbm>>
      %dma_wait3A_147 = tpu.memref_squeeze %dma_wait3A_146 : memref<1x2560x128xi32, #tpu.memory_space<hbm>> -> memref<2560x128xi32, #tpu.memory_space<hbm>>
      %dma_wait3A_148 = arith.constant 0 : i32
      %dma_wait3A_149 = tpu.memref_slice %dma_wait3A_147[%mul3A_33, %dma_wait3A_148] : memref<2560x128xi32, #tpu.memory_space<hbm>> -> memref<80x128xi32, #tpu.memory_space<hbm>>
      %dma_wait3A_150 = arith.constant 0 : i32
      %dma_wait3A_151 = arith.constant 0 : i32
      %dma_wait3A_152 = tpu.memref_slice %arg2[%run_scoped3A, %dma_wait3A_150, %dma_wait3A_151] : memref<2x2560x128xi32, #tpu.memory_space<hbm>> -> memref<1x2560x128xi32, #tpu.memory_space<hbm>>
      %dma_wait3A_153 = tpu.memref_squeeze %dma_wait3A_152 : memref<1x2560x128xi32, #tpu.memory_space<hbm>> -> memref<2560x128xi32, #tpu.memory_space<hbm>>
      %dma_wait3A_154 = arith.constant 0 : i32
      %dma_wait3A_155 = tpu.memref_slice %dma_wait3A_153[%mul3A_33, %dma_wait3A_154] : memref<2560x128xi32, #tpu.memory_space<hbm>> -> memref<80x128xi32, #tpu.memory_space<hbm>>
      tpu.wait_dma2 semaphore(%run_scoped3A_131 : memref<!tpu.dma_semaphore, #tpu.memory_space<semaphore_mem>>) src(%dma_wait3A_155 : memref<80x128xi32, #tpu.memory_space<hbm>>) dst(%arg4 : memref<80x128xi32, #tpu.memory_space<vmem>>)
      tpu.yield
    }) : () -> ()
    %barrier3A = arith.constant 0 : index
    tpu.barrier barrier_id(%barrier3A)
    %dma_start3A = arith.constant 0 : i32
    %dma_start3A_34 = arith.constant 0 : i32
    %dma_start3A_35 = tpu.memref_slice %arg4[%dma_start3A, %dma_start3A_34] : memref<80x128xi32, #tpu.memory_space<vmem>> -> memref<1x128xi32, #tpu.memory_space<vmem>>
    %dma_start3A_36 = tpu.memref_squeeze %dma_start3A_35 : memref<1x128xi32, #tpu.memory_space<vmem>> -> memref<128xi32, #tpu.memory_space<vmem>>
    %dma_start3A_37 = arith.constant 0 : i32
    %dma_start3A_38 = arith.constant 0 : i32
    %dma_start3A_39 = tpu.memref_slice %arg7[%dma_start3A_37, %dma_start3A_38] : memref<10240x16xf32, #tpu.memory_space<vmem_shared>> -> memref<10240x16xf32, #tpu.memory_space<vmem_shared>>
    tpu.enqueue_indirect_dma source(%arg5 : memref<128x16xf32, #tpu.memory_space<vmem>>) target(%dma_start3A_39 : memref<10240x16xf32, #tpu.memory_space<vmem_shared>>) offsets(%dma_start3A_36 : memref<128xi32, #tpu.memory_space<vmem>>) semaphore(%arg8 : memref<!tpu.dma_semaphore, #tpu.memory_space<semaphore_mem>>) {add = true}
    %dma_start3A_40 = arith.constant 1 : i32
    %dma_start3A_41 = arith.constant 0 : i32
    %dma_start3A_42 = tpu.memref_slice %arg4[%dma_start3A_40, %dma_start3A_41] : memref<80x128xi32, #tpu.memory_space<vmem>> -> memref<1x128xi32, #tpu.memory_space<vmem>>
    %dma_start3A_43 = tpu.memref_squeeze %dma_start3A_42 : memref<1x128xi32, #tpu.memory_space<vmem>> -> memref<128xi32, #tpu.memory_space<vmem>>
    %dma_start3A_44 = arith.constant 0 : i32
    %dma_start3A_45 = arith.constant 0 : i32
    %dma_start3A_46 = tpu.memref_slice %arg7[%dma_start3A_44, %dma_start3A_45] : memref<10240x16xf32, #tpu.memory_space<vmem_shared>> -> memref<10240x16xf32, #tpu.memory_space<vmem_shared>>
    tpu.enqueue_indirect_dma source(%arg5 : memref<128x16xf32, #tpu.memory_space<vmem>>) target(%dma_start3A_46 : memref<10240x16xf32, #tpu.memory_space<vmem_shared>>) offsets(%dma_start3A_43 : memref<128xi32, #tpu.memory_space<vmem>>) semaphore(%arg8 : memref<!tpu.dma_semaphore, #tpu.memory_space<semaphore_mem>>) {add = true}
    %dma_start3A_47 = arith.constant 2 : i32
    %dma_start3A_48 = arith.constant 0 : i32
    %dma_start3A_49 = tpu.memref_slice %arg4[%dma_start3A_47, %dma_start3A_48] : memref<80x128xi32, #tpu.memory_space<vmem>> -> memref<1x128xi32, #tpu.memory_space<vmem>>
    %dma_start3A_50 = tpu.memref_squeeze %dma_start3A_49 : memref<1x128xi32, #tpu.memory_space<vmem>> -> memref<128xi32, #tpu.memory_space<vmem>>
    %dma_start3A_51 = arith.constant 0 : i32
    %dma_start3A_52 = arith.constant 0 : i32
    %dma_start3A_53 = tpu.memref_slice %arg7[%dma_start3A_51, %dma_start3A_52] : memref<10240x16xf32, #tpu.memory_space<vmem_shared>> -> memref<10240x16xf32, #tpu.memory_space<vmem_shared>>
    tpu.enqueue_indirect_dma source(%arg5 : memref<128x16xf32, #tpu.memory_space<vmem>>) target(%dma_start3A_53 : memref<10240x16xf32, #tpu.memory_space<vmem_shared>>) offsets(%dma_start3A_50 : memref<128xi32, #tpu.memory_space<vmem>>) semaphore(%arg8 : memref<!tpu.dma_semaphore, #tpu.memory_space<semaphore_mem>>) {add = true}
    %dma_start3A_54 = arith.constant 3 : i32
    %dma_start3A_55 = arith.constant 0 : i32
    %dma_start3A_56 = tpu.memref_slice %arg4[%dma_start3A_54, %dma_start3A_55] : memref<80x128xi32, #tpu.memory_space<vmem>> -> memref<1x128xi32, #tpu.memory_space<vmem>>
    %dma_start3A_57 = tpu.memref_squeeze %dma_start3A_56 : memref<1x128xi32, #tpu.memory_space<vmem>> -> memref<128xi32, #tpu.memory_space<vmem>>
    %dma_start3A_58 = arith.constant 0 : i32
    %dma_start3A_59 = arith.constant 0 : i32
    %dma_start3A_60 = tpu.memref_slice %arg7[%dma_start3A_58, %dma_start3A_59] : memref<10240x16xf32, #tpu.memory_space<vmem_shared>> -> memref<10240x16xf32, #tpu.memory_space<vmem_shared>>
    tpu.enqueue_indirect_dma source(%arg5 : memref<128x16xf32, #tpu.memory_space<vmem>>) target(%dma_start3A_60 : memref<10240x16xf32, #tpu.memory_space<vmem_shared>>) offsets(%dma_start3A_57 : memref<128xi32, #tpu.memory_space<vmem>>) semaphore(%arg8 : memref<!tpu.dma_semaphore, #tpu.memory_space<semaphore_mem>>) {add = true}
    %scan3A_61 = arith.constant 0 : i32
    %scan3A_62 = arith.constant 0 : i32
    %scan3A_63 = arith.constant 19 : i32
    %scan3A_64 = arith.addi %scan3A_62, %scan3A_63 : i32
    %scan3A_65 = arith.constant 1 : i32
    scf.for %scan3A_131 = %scan3A_62 to %scan3A_64 step %scan3A_65  : i32 {
      %add3A_132 = arith.constant 1 : i32
      %add3A_133 = arith.addi %scan3A_131, %add3A_132 : i32
      %mul3A_134 = arith.constant 4 : i32
      %mul3A_135 = arith.muli %add3A_133, %mul3A_134 : i32
      %add3A_136 = arith.constant 0 : i32
      %add3A_137 = arith.addi %mul3A_135, %add3A_136 : i32
      %dma_start3A_138 = arith.constant 0 : i32
      %dma_start3A_139 = tpu.memref_slice %arg4[%add3A_137, %dma_start3A_138] : memref<80x128xi32, #tpu.memory_space<vmem>> -> memref<1x128xi32, #tpu.memory_space<vmem>>
      %dma_start3A_140 = tpu.memref_squeeze %dma_start3A_139 : memref<1x128xi32, #tpu.memory_space<vmem>> -> memref<128xi32, #tpu.memory_space<vmem>>
      %dma_start3A_141 = arith.constant 0 : i32
      %dma_start3A_142 = arith.constant 0 : i32
      %dma_start3A_143 = tpu.memref_slice %arg7[%dma_start3A_141, %dma_start3A_142] : memref<10240x16xf32, #tpu.memory_space<vmem_shared>> -> memref<10240x16xf32, #tpu.memory_space<vmem_shared>>
      tpu.enqueue_indirect_dma source(%arg5 : memref<128x16xf32, #tpu.memory_space<vmem>>) target(%dma_start3A_143 : memref<10240x16xf32, #tpu.memory_space<vmem_shared>>) offsets(%dma_start3A_140 : memref<128xi32, #tpu.memory_space<vmem>>) semaphore(%arg8 : memref<!tpu.dma_semaphore, #tpu.memory_space<semaphore_mem>>) {add = true}
      %add3A_144 = arith.constant 1 : i32
      %add3A_145 = arith.addi %scan3A_131, %add3A_144 : i32
      %mul3A_146 = arith.constant 4 : i32
      %mul3A_147 = arith.muli %add3A_145, %mul3A_146 : i32
      %add3A_148 = arith.constant 1 : i32
      %add3A_149 = arith.addi %mul3A_147, %add3A_148 : i32
      %dma_start3A_150 = arith.constant 0 : i32
      %dma_start3A_151 = tpu.memref_slice %arg4[%add3A_149, %dma_start3A_150] : memref<80x128xi32, #tpu.memory_space<vmem>> -> memref<1x128xi32, #tpu.memory_space<vmem>>
      %dma_start3A_152 = tpu.memref_squeeze %dma_start3A_151 : memref<1x128xi32, #tpu.memory_space<vmem>> -> memref<128xi32, #tpu.memory_space<vmem>>
      %dma_start3A_153 = arith.constant 0 : i32
      %dma_start3A_154 = arith.constant 0 : i32
      %dma_start3A_155 = tpu.memref_slice %arg7[%dma_start3A_153, %dma_start3A_154] : memref<10240x16xf32, #tpu.memory_space<vmem_shared>> -> memref<10240x16xf32, #tpu.memory_space<vmem_shared>>
      tpu.enqueue_indirect_dma source(%arg5 : memref<128x16xf32, #tpu.memory_space<vmem>>) target(%dma_start3A_155 : memref<10240x16xf32, #tpu.memory_space<vmem_shared>>) offsets(%dma_start3A_152 : memref<128xi32, #tpu.memory_space<vmem>>) semaphore(%arg8 : memref<!tpu.dma_semaphore, #tpu.memory_space<semaphore_mem>>) {add = true}
      %add3A_156 = arith.constant 1 : i32
      %add3A_157 = arith.addi %scan3A_131, %add3A_156 : i32
      %mul3A_158 = arith.constant 4 : i32
      %mul3A_159 = arith.muli %add3A_157, %mul3A_158 : i32
      %add3A_160 = arith.constant 2 : i32
      %add3A_161 = arith.addi %mul3A_159, %add3A_160 : i32
      %dma_start3A_162 = arith.constant 0 : i32
      %dma_start3A_163 = tpu.memref_slice %arg4[%add3A_161, %dma_start3A_162] : memref<80x128xi32, #tpu.memory_space<vmem>> -> memref<1x128xi32, #tpu.memory_space<vmem>>
      %dma_start3A_164 = tpu.memref_squeeze %dma_start3A_163 : memref<1x128xi32, #tpu.memory_space<vmem>> -> memref<128xi32, #tpu.memory_space<vmem>>
      %dma_start3A_165 = arith.constant 0 : i32
      %dma_start3A_166 = arith.constant 0 : i32
      %dma_start3A_167 = tpu.memref_slice %arg7[%dma_start3A_165, %dma_start3A_166] : memref<10240x16xf32, #tpu.memory_space<vmem_shared>> -> memref<10240x16xf32, #tpu.memory_space<vmem_shared>>
      tpu.enqueue_indirect_dma source(%arg5 : memref<128x16xf32, #tpu.memory_space<vmem>>) target(%dma_start3A_167 : memref<10240x16xf32, #tpu.memory_space<vmem_shared>>) offsets(%dma_start3A_164 : memref<128xi32, #tpu.memory_space<vmem>>) semaphore(%arg8 : memref<!tpu.dma_semaphore, #tpu.memory_space<semaphore_mem>>) {add = true}
      %add3A_168 = arith.constant 1 : i32
      %add3A_169 = arith.addi %scan3A_131, %add3A_168 : i32
      %mul3A_170 = arith.constant 4 : i32
      %mul3A_171 = arith.muli %add3A_169, %mul3A_170 : i32
      %add3A_172 = arith.constant 3 : i32
      %add3A_173 = arith.addi %mul3A_171, %add3A_172 : i32
      %dma_start3A_174 = arith.constant 0 : i32
      %dma_start3A_175 = tpu.memref_slice %arg4[%add3A_173, %dma_start3A_174] : memref<80x128xi32, #tpu.memory_space<vmem>> -> memref<1x128xi32, #tpu.memory_space<vmem>>
      %dma_start3A_176 = tpu.memref_squeeze %dma_start3A_175 : memref<1x128xi32, #tpu.memory_space<vmem>> -> memref<128xi32, #tpu.memory_space<vmem>>
      %dma_start3A_177 = arith.constant 0 : i32
      %dma_start3A_178 = arith.constant 0 : i32
      %dma_start3A_179 = tpu.memref_slice %arg7[%dma_start3A_177, %dma_start3A_178] : memref<10240x16xf32, #tpu.memory_space<vmem_shared>> -> memref<10240x16xf32, #tpu.memory_space<vmem_shared>>
      tpu.enqueue_indirect_dma source(%arg5 : memref<128x16xf32, #tpu.memory_space<vmem>>) target(%dma_start3A_179 : memref<10240x16xf32, #tpu.memory_space<vmem_shared>>) offsets(%dma_start3A_176 : memref<128xi32, #tpu.memory_space<vmem>>) semaphore(%arg8 : memref<!tpu.dma_semaphore, #tpu.memory_space<semaphore_mem>>) {add = true}
      %dma_wait3A_180 = arith.constant 0 : i32
      %dma_wait3A_181 = arith.constant 0 : i32
      %dma_wait3A_182 = arith.constant 0 : i32
      %dma_wait3A_183 = tpu.memref_slice %arg3[%dma_wait3A_180, %dma_wait3A_181, %dma_wait3A_182] : memref<2x10240x16xf32, #tpu.memory_space<hbm>> -> memref<1x10240x16xf32, #tpu.memory_space<hbm>>
      %dma_wait3A_184 = tpu.memref_squeeze %dma_wait3A_183 : memref<1x10240x16xf32, #tpu.memory_space<hbm>> -> memref<10240x16xf32, #tpu.memory_space<hbm>>
      %dma_wait3A_185 = arith.constant 0 : i32
      %dma_wait3A_186 = arith.constant 0 : i32
      %dma_wait3A_187 = tpu.memref_slice %dma_wait3A_184[%dma_wait3A_185, %dma_wait3A_186] : memref<10240x16xf32, #tpu.memory_space<hbm>> -> memref<128x16xf32, #tpu.memory_space<hbm>>
      %dma_wait3A_188 = arith.constant 0 : i32
      %dma_wait3A_189 = arith.constant 0 : i32
      %dma_wait3A_190 = tpu.memref_slice %arg3[%dma_wait3A_180, %dma_wait3A_188, %dma_wait3A_189] : memref<2x10240x16xf32, #tpu.memory_space<hbm>> -> memref<1x10240x16xf32, #tpu.memory_space<hbm>>
      %dma_wait3A_191 = tpu.memref_squeeze %dma_wait3A_190 : memref<1x10240x16xf32, #tpu.memory_space<hbm>> -> memref<10240x16xf32, #tpu.memory_space<hbm>>
      %dma_wait3A_192 = arith.constant 0 : i32
      %dma_wait3A_193 = arith.constant 0 : i32
      %dma_wait3A_194 = tpu.memref_slice %dma_wait3A_191[%dma_wait3A_192, %dma_wait3A_193] : memref<10240x16xf32, #tpu.memory_space<hbm>> -> memref<128x16xf32, #tpu.memory_space<hbm>>
      tpu.wait_dma2 semaphore(%arg8 : memref<!tpu.dma_semaphore, #tpu.memory_space<semaphore_mem>>) src(%dma_wait3A_194 : memref<128x16xf32, #tpu.memory_space<hbm>>) dst(%arg6 : memref<128x16xf32, #tpu.memory_space<vmem>>)
      %dma_wait3A_195 = arith.constant 0 : i32
      %dma_wait3A_196 = arith.constant 0 : i32
      %dma_wait3A_197 = arith.constant 0 : i32
      %dma_wait3A_198 = tpu.memref_slice %arg3[%dma_wait3A_195, %dma_wait3A_196, %dma_wait3A_197] : memref<2x10240x16xf32, #tpu.memory_space<hbm>> -> memref<1x10240x16xf32, #tpu.memory_space<hbm>>
      %dma_wait3A_199 = tpu.memref_squeeze %dma_wait3A_198 : memref<1x10240x16xf32, #tpu.memory_space<hbm>> -> memref<10240x16xf32, #tpu.memory_space<hbm>>
      %dma_wait3A_200 = arith.constant 0 : i32
      %dma_wait3A_201 = arith.constant 0 : i32
      %dma_wait3A_202 = tpu.memref_slice %dma_wait3A_199[%dma_wait3A_200, %dma_wait3A_201] : memref<10240x16xf32, #tpu.memory_space<hbm>> -> memref<128x16xf32, #tpu.memory_space<hbm>>
      %dma_wait3A_203 = arith.constant 0 : i32
      %dma_wait3A_204 = arith.constant 0 : i32
      %dma_wait3A_205 = tpu.memref_slice %arg3[%dma_wait3A_195, %dma_wait3A_203, %dma_wait3A_204] : memref<2x10240x16xf32, #tpu.memory_space<hbm>> -> memref<1x10240x16xf32, #tpu.memory_space<hbm>>
      %dma_wait3A_206 = tpu.memref_squeeze %dma_wait3A_205 : memref<1x10240x16xf32, #tpu.memory_space<hbm>> -> memref<10240x16xf32, #tpu.memory_space<hbm>>
      %dma_wait3A_207 = arith.constant 0 : i32
      %dma_wait3A_208 = arith.constant 0 : i32
      %dma_wait3A_209 = tpu.memref_slice %dma_wait3A_206[%dma_wait3A_207, %dma_wait3A_208] : memref<10240x16xf32, #tpu.memory_space<hbm>> -> memref<128x16xf32, #tpu.memory_space<hbm>>
      tpu.wait_dma2 semaphore(%arg8 : memref<!tpu.dma_semaphore, #tpu.memory_space<semaphore_mem>>) src(%dma_wait3A_209 : memref<128x16xf32, #tpu.memory_space<hbm>>) dst(%arg6 : memref<128x16xf32, #tpu.memory_space<vmem>>)
      %dma_wait3A_210 = arith.constant 0 : i32
      %dma_wait3A_211 = arith.constant 0 : i32
      %dma_wait3A_212 = arith.constant 0 : i32
      %dma_wait3A_213 = tpu.memref_slice %arg3[%dma_wait3A_210, %dma_wait3A_211, %dma_wait3A_212] : memref<2x10240x16xf32, #tpu.memory_space<hbm>> -> memref<1x10240x16xf32, #tpu.memory_space<hbm>>
      %dma_wait3A_214 = tpu.memref_squeeze %dma_wait3A_213 : memref<1x10240x16xf32, #tpu.memory_space<hbm>> -> memref<10240x16xf32, #tpu.memory_space<hbm>>
      %dma_wait3A_215 = arith.constant 0 : i32
      %dma_wait3A_216 = arith.constant 0 : i32
      %dma_wait3A_217 = tpu.memref_slice %dma_wait3A_214[%dma_wait3A_215, %dma_wait3A_216] : memref<10240x16xf32, #tpu.memory_space<hbm>> -> memref<128x16xf32, #tpu.memory_space<hbm>>
      %dma_wait3A_218 = arith.constant 0 : i32
      %dma_wait3A_219 = arith.constant 0 : i32
      %dma_wait3A_220 = tpu.memref_slice %arg3[%dma_wait3A_210, %dma_wait3A_218, %dma_wait3A_219] : memref<2x10240x16xf32, #tpu.memory_space<hbm>> -> memref<1x10240x16xf32, #tpu.memory_space<hbm>>
      %dma_wait3A_221 = tpu.memref_squeeze %dma_wait3A_220 : memref<1x10240x16xf32, #tpu.memory_space<hbm>> -> memref<10240x16xf32, #tpu.memory_space<hbm>>
      %dma_wait3A_222 = arith.constant 0 : i32
      %dma_wait3A_223 = arith.constant 0 : i32
      %dma_wait3A_224 = tpu.memref_slice %dma_wait3A_221[%dma_wait3A_222, %dma_wait3A_223] : memref<10240x16xf32, #tpu.memory_space<hbm>> -> memref<128x16xf32, #tpu.memory_space<hbm>>
      tpu.wait_dma2 semaphore(%arg8 : memref<!tpu.dma_semaphore, #tpu.memory_space<semaphore_mem>>) src(%dma_wait3A_224 : memref<128x16xf32, #tpu.memory_space<hbm>>) dst(%arg6 : memref<128x16xf32, #tpu.memory_space<vmem>>)
      %dma_wait3A_225 = arith.constant 0 : i32
      %dma_wait3A_226 = arith.constant 0 : i32
      %dma_wait3A_227 = arith.constant 0 : i32
      %dma_wait3A_228 = tpu.memref_slice %arg3[%dma_wait3A_225, %dma_wait3A_226, %dma_wait3A_227] : memref<2x10240x16xf32, #tpu.memory_space<hbm>> -> memref<1x10240x16xf32, #tpu.memory_space<hbm>>
      %dma_wait3A_229 = tpu.memref_squeeze %dma_wait3A_228 : memref<1x10240x16xf32, #tpu.memory_space<hbm>> -> memref<10240x16xf32, #tpu.memory_space<hbm>>
      %dma_wait3A_230 = arith.constant 0 : i32
      %dma_wait3A_231 = arith.constant 0 : i32
      %dma_wait3A_232 = tpu.memref_slice %dma_wait3A_229[%dma_wait3A_230, %dma_wait3A_231] : memref<10240x16xf32, #tpu.memory_space<hbm>> -> memref<128x16xf32, #tpu.memory_space<hbm>>
      %dma_wait3A_233 = arith.constant 0 : i32
      %dma_wait3A_234 = arith.constant 0 : i32
      %dma_wait3A_235 = tpu.memref_slice %arg3[%dma_wait3A_225, %dma_wait3A_233, %dma_wait3A_234] : memref<2x10240x16xf32, #tpu.memory_space<hbm>> -> memref<1x10240x16xf32, #tpu.memory_space<hbm>>
      %dma_wait3A_236 = tpu.memref_squeeze %dma_wait3A_235 : memref<1x10240x16xf32, #tpu.memory_space<hbm>> -> memref<10240x16xf32, #tpu.memory_space<hbm>>
      %dma_wait3A_237 = arith.constant 0 : i32
      %dma_wait3A_238 = arith.constant 0 : i32
      %dma_wait3A_239 = tpu.memref_slice %dma_wait3A_236[%dma_wait3A_237, %dma_wait3A_238] : memref<10240x16xf32, #tpu.memory_space<hbm>> -> memref<128x16xf32, #tpu.memory_space<hbm>>
      tpu.wait_dma2 semaphore(%arg8 : memref<!tpu.dma_semaphore, #tpu.memory_space<semaphore_mem>>) src(%dma_wait3A_239 : memref<128x16xf32, #tpu.memory_space<hbm>>) dst(%arg6 : memref<128x16xf32, #tpu.memory_space<vmem>>)
    }
    %scan3A_66 = arith.constant 19 : i32
    %dma_wait3A = arith.constant 0 : i32
    %dma_wait3A_67 = arith.constant 0 : i32
    %dma_wait3A_68 = arith.constant 0 : i32
    %dma_wait3A_69 = tpu.memref_slice %arg3[%dma_wait3A, %dma_wait3A_67, %dma_wait3A_68] : memref<2x10240x16xf32, #tpu.memory_space<hbm>> -> memref<1x10240x16xf32, #tpu.memory_space<hbm>>
    %dma_wait3A_70 = tpu.memref_squeeze %dma_wait3A_69 : memref<1x10240x16xf32, #tpu.memory_space<hbm>> -> memref<10240x16xf32, #tpu.memory_space<hbm>>
    %dma_wait3A_71 = arith.constant 0 : i32
    %dma_wait3A_72 = arith.constant 0 : i32
    %dma_wait3A_73 = tpu.memref_slice %dma_wait3A_70[%dma_wait3A_71, %dma_wait3A_72] : memref<10240x16xf32, #tpu.memory_space<hbm>> -> memref<128x16xf32, #tpu.memory_space<hbm>>
    %dma_wait3A_74 = arith.constant 0 : i32
    %dma_wait3A_75 = arith.constant 0 : i32
    %dma_wait3A_76 = tpu.memref_slice %arg3[%dma_wait3A, %dma_wait3A_74, %dma_wait3A_75] : memref<2x10240x16xf32, #tpu.memory_space<hbm>> -> memref<1x10240x16xf32, #tpu.memory_space<hbm>>
    %dma_wait3A_77 = tpu.memref_squeeze %dma_wait3A_76 : memref<1x10240x16xf32, #tpu.memory_space<hbm>> -> memref<10240x16xf32, #tpu.memory_space<hbm>>
    %dma_wait3A_78 = arith.constant 0 : i32
    %dma_wait3A_79 = arith.constant 0 : i32
    %dma_wait3A_80 = tpu.memref_slice %dma_wait3A_77[%dma_wait3A_78, %dma_wait3A_79] : memref<10240x16xf32, #tpu.memory_space<hbm>> -> memref<128x16xf32, #tpu.memory_space<hbm>>
    tpu.wait_dma2 semaphore(%arg8 : memref<!tpu.dma_semaphore, #tpu.memory_space<semaphore_mem>>) src(%dma_wait3A_80 : memref<128x16xf32, #tpu.memory_space<hbm>>) dst(%arg6 : memref<128x16xf32, #tpu.memory_space<vmem>>)
    %dma_wait3A_81 = arith.constant 0 : i32
    %dma_wait3A_82 = arith.constant 0 : i32
    %dma_wait3A_83 = arith.constant 0 : i32
    %dma_wait3A_84 = tpu.memref_slice %arg3[%dma_wait3A_81, %dma_wait3A_82, %dma_wait3A_83] : memref<2x10240x16xf32, #tpu.memory_space<hbm>> -> memref<1x10240x16xf32, #tpu.memory_space<hbm>>
    %dma_wait3A_85 = tpu.memref_squeeze %dma_wait3A_84 : memref<1x10240x16xf32, #tpu.memory_space<hbm>> -> memref<10240x16xf32, #tpu.memory_space<hbm>>
    %dma_wait3A_86 = arith.constant 0 : i32
    %dma_wait3A_87 = arith.constant 0 : i32
    %dma_wait3A_88 = tpu.memref_slice %dma_wait3A_85[%dma_wait3A_86, %dma_wait3A_87] : memref<10240x16xf32, #tpu.memory_space<hbm>> -> memref<128x16xf32, #tpu.memory_space<hbm>>
    %dma_wait3A_89 = arith.constant 0 : i32
    %dma_wait3A_90 = arith.constant 0 : i32
    %dma_wait3A_91 = tpu.memref_slice %arg3[%dma_wait3A_81, %dma_wait3A_89, %dma_wait3A_90] : memref<2x10240x16xf32, #tpu.memory_space<hbm>> -> memref<1x10240x16xf32, #tpu.memory_space<hbm>>
    %dma_wait3A_92 = tpu.memref_squeeze %dma_wait3A_91 : memref<1x10240x16xf32, #tpu.memory_space<hbm>> -> memref<10240x16xf32, #tpu.memory_space<hbm>>
    %dma_wait3A_93 = arith.constant 0 : i32
    %dma_wait3A_94 = arith.constant 0 : i32
    %dma_wait3A_95 = tpu.memref_slice %dma_wait3A_92[%dma_wait3A_93, %dma_wait3A_94] : memref<10240x16xf32, #tpu.memory_space<hbm>> -> memref<128x16xf32, #tpu.memory_space<hbm>>
    tpu.wait_dma2 semaphore(%arg8 : memref<!tpu.dma_semaphore, #tpu.memory_space<semaphore_mem>>) src(%dma_wait3A_95 : memref<128x16xf32, #tpu.memory_space<hbm>>) dst(%arg6 : memref<128x16xf32, #tpu.memory_space<vmem>>)
    %dma_wait3A_96 = arith.constant 0 : i32
    %dma_wait3A_97 = arith.constant 0 : i32
    %dma_wait3A_98 = arith.constant 0 : i32
    %dma_wait3A_99 = tpu.memref_slice %arg3[%dma_wait3A_96, %dma_wait3A_97, %dma_wait3A_98] : memref<2x10240x16xf32, #tpu.memory_space<hbm>> -> memref<1x10240x16xf32, #tpu.memory_space<hbm>>
    %dma_wait3A_100 = tpu.memref_squeeze %dma_wait3A_99 : memref<1x10240x16xf32, #tpu.memory_space<hbm>> -> memref<10240x16xf32, #tpu.memory_space<hbm>>
    %dma_wait3A_101 = arith.constant 0 : i32
    %dma_wait3A_102 = arith.constant 0 : i32
    %dma_wait3A_103 = tpu.memref_slice %dma_wait3A_100[%dma_wait3A_101, %dma_wait3A_102] : memref<10240x16xf32, #tpu.memory_space<hbm>> -> memref<128x16xf32, #tpu.memory_space<hbm>>
    %dma_wait3A_104 = arith.constant 0 : i32
    %dma_wait3A_105 = arith.constant 0 : i32
    %dma_wait3A_106 = tpu.memref_slice %arg3[%dma_wait3A_96, %dma_wait3A_104, %dma_wait3A_105] : memref<2x10240x16xf32, #tpu.memory_space<hbm>> -> memref<1x10240x16xf32, #tpu.memory_space<hbm>>
    %dma_wait3A_107 = tpu.memref_squeeze %dma_wait3A_106 : memref<1x10240x16xf32, #tpu.memory_space<hbm>> -> memref<10240x16xf32, #tpu.memory_space<hbm>>
    %dma_wait3A_108 = arith.constant 0 : i32
    %dma_wait3A_109 = arith.constant 0 : i32
    %dma_wait3A_110 = tpu.memref_slice %dma_wait3A_107[%dma_wait3A_108, %dma_wait3A_109] : memref<10240x16xf32, #tpu.memory_space<hbm>> -> memref<128x16xf32, #tpu.memory_space<hbm>>
    tpu.wait_dma2 semaphore(%arg8 : memref<!tpu.dma_semaphore, #tpu.memory_space<semaphore_mem>>) src(%dma_wait3A_110 : memref<128x16xf32, #tpu.memory_space<hbm>>) dst(%arg6 : memref<128x16xf32, #tpu.memory_space<vmem>>)
    %dma_wait3A_111 = arith.constant 0 : i32
    %dma_wait3A_112 = arith.constant 0 : i32
    %dma_wait3A_113 = arith.constant 0 : i32
    %dma_wait3A_114 = tpu.memref_slice %arg3[%dma_wait3A_111, %dma_wait3A_112, %dma_wait3A_113] : memref<2x10240x16xf32, #tpu.memory_space<hbm>> -> memref<1x10240x16xf32, #tpu.memory_space<hbm>>
    %dma_wait3A_115 = tpu.memref_squeeze %dma_wait3A_114 : memref<1x10240x16xf32, #tpu.memory_space<hbm>> -> memref<10240x16xf32, #tpu.memory_space<hbm>>
    %dma_wait3A_116 = arith.constant 0 : i32
    %dma_wait3A_117 = arith.constant 0 : i32
    %dma_wait3A_118 = tpu.memref_slice %dma_wait3A_115[%dma_wait3A_116, %dma_wait3A_117] : memref<10240x16xf32, #tpu.memory_space<hbm>> -> memref<128x16xf32, #tpu.memory_space<hbm>>
    %dma_wait3A_119 = arith.constant 0 : i32
    %dma_wait3A_120 = arith.constant 0 : i32
    %dma_wait3A_121 = tpu.memref_slice %arg3[%dma_wait3A_111, %dma_wait3A_119, %dma_wait3A_120] : memref<2x10240x16xf32, #tpu.memory_space<hbm>> -> memref<1x10240x16xf32, #tpu.memory_space<hbm>>
    %dma_wait3A_122 = tpu.memref_squeeze %dma_wait3A_121 : memref<1x10240x16xf32, #tpu.memory_space<hbm>> -> memref<10240x16xf32, #tpu.memory_space<hbm>>
    %dma_wait3A_123 = arith.constant 0 : i32
    %dma_wait3A_124 = arith.constant 0 : i32
    %dma_wait3A_125 = tpu.memref_slice %dma_wait3A_122[%dma_wait3A_123, %dma_wait3A_124] : memref<10240x16xf32, #tpu.memory_space<hbm>> -> memref<128x16xf32, #tpu.memory_space<hbm>>
    tpu.wait_dma2 semaphore(%arg8 : memref<!tpu.dma_semaphore, #tpu.memory_space<semaphore_mem>>) src(%dma_wait3A_125 : memref<128x16xf32, #tpu.memory_space<hbm>>) dst(%arg6 : memref<128x16xf32, #tpu.memory_space<vmem>>)
    %barrier3A_126 = arith.constant 0 : index
    tpu.barrier barrier_id(%barrier3A_126)
    %mul3A_127 = arith.constant 640 : i32
    %mul3A_128 = arith.muli %arg1, %mul3A_127 : i32
    %mul3A_129 = arith.constant 640 : i32
    %mul3A_130 = arith.muli %arg1, %mul3A_129 : i32
    "tpu.region"() ({
      %run_scoped3A_131 = tpu.sem_alloc : memref<!tpu.dma_semaphore, #tpu.memory_space<semaphore_mem>>
      %dma_start3A_132 = arith.constant 0 : i32
      %dma_start3A_133 = arith.constant 0 : i32
      %dma_start3A_134 = tpu.memref_slice %arg3[%arg0, %dma_start3A_132, %dma_start3A_133] : memref<2x10240x16xf32, #tpu.memory_space<hbm>> -> memref<1x10240x16xf32, #tpu.memory_space<hbm>>
      %dma_start3A_135 = tpu.memref_squeeze %dma_start3A_134 : memref<1x10240x16xf32, #tpu.memory_space<hbm>> -> memref<10240x16xf32, #tpu.memory_space<hbm>>
      %dma_start3A_136 = arith.constant 0 : i32
      %dma_start3A_137 = tpu.memref_slice %dma_start3A_135[%mul3A_130, %dma_start3A_136] : memref<10240x16xf32, #tpu.memory_space<hbm>> -> memref<640x16xf32, #tpu.memory_space<hbm>>
      %dma_start3A_138 = arith.constant 0 : i32
      %dma_start3A_139 = tpu.memref_slice %arg7[%mul3A_128, %dma_start3A_138] : memref<10240x16xf32, #tpu.memory_space<vmem_shared>> -> memref<640x16xf32, #tpu.memory_space<vmem_shared>>
      tpu.enqueue_dma source(%dma_start3A_139 : memref<640x16xf32, #tpu.memory_space<vmem_shared>>) target(%dma_start3A_137 : memref<640x16xf32, #tpu.memory_space<hbm>>) target_semaphore(%run_scoped3A_131 : memref<!tpu.dma_semaphore, #tpu.memory_space<semaphore_mem>>)
      %dma_wait3A_140 = arith.constant 0 : i32
      %dma_wait3A_141 = arith.constant 0 : i32
      %dma_wait3A_142 = tpu.memref_slice %arg3[%arg0, %dma_wait3A_140, %dma_wait3A_141] : memref<2x10240x16xf32, #tpu.memory_space<hbm>> -> memref<1x10240x16xf32, #tpu.memory_space<hbm>>
      %dma_wait3A_143 = tpu.memref_squeeze %dma_wait3A_142 : memref<1x10240x16xf32, #tpu.memory_space<hbm>> -> memref<10240x16xf32, #tpu.memory_space<hbm>>
      %dma_wait3A_144 = arith.constant 0 : i32
      %dma_wait3A_145 = tpu.memref_slice %dma_wait3A_143[%mul3A_130, %dma_wait3A_144] : memref<10240x16xf32, #tpu.memory_space<hbm>> -> memref<640x16xf32, #tpu.memory_space<hbm>>
      %dma_wait3A_146 = arith.constant 0 : i32
      %dma_wait3A_147 = tpu.memref_slice %arg7[%mul3A_128, %dma_wait3A_146] : memref<10240x16xf32, #tpu.memory_space<vmem_shared>> -> memref<640x16xf32, #tpu.memory_space<vmem_shared>>
      tpu.wait_dma2 semaphore(%run_scoped3A_131 : memref<!tpu.dma_semaphore, #tpu.memory_space<semaphore_mem>>) src(%dma_wait3A_147 : memref<640x16xf32, #tpu.memory_space<vmem_shared>>) dst(%dma_wait3A_145 : memref<640x16xf32, #tpu.memory_space<hbm>>)
      tpu.yield
    }) : () -> ()
    return
  }
}

#map = affine_map<(d0, d1) -> (0, 0)>
#map1 = affine_map<(d0, d1) -> (0, 0, 0)>
module attributes {stable_mosaic.version = 14 : i64} {
  func.func @_sc_agg(%arg0: i32, %arg1: i32, %arg2: memref<10000x64xf32, #tpu.memory_space<hbm>>, %arg3: memref<2x2560x128xi32, #tpu.memory_space<hbm>>, %arg4: memref<2x10240x64xf32, #tpu.memory_space<hbm>>, %arg5: memref<80x128xi32, #tpu.memory_space<vmem>>, %arg6: memref<80x128xi32, #tpu.memory_space<vmem>>, %arg7: memref<2x512x64xf32, #tpu.memory_space<vmem>>, %arg8: memref<!tpu.dma_semaphore, #tpu.memory_space<semaphore_mem>>, %arg9: memref<!tpu.dma_semaphore, #tpu.memory_space<semaphore_mem>>, %arg10: memref<10240x64xf32, #tpu.memory_space<vmem_shared>>) attributes {dimension_semantics = [#tpu.dimension_semantics<core_parallel>, #tpu.dimension_semantics<subcore_parallel>], iteration_bounds = array<i64: 2, 16>, scalar_prefetch = 0 : i64, scratch_operands = 6 : i64, tpu.core_type = #tpu.core_type<sc_vector_subcore>, window_params = [{transform_indices = #map}, {transform_indices = #map1}, {transform_indices = #map1}]} {
    %mul3A = arith.constant 16 : i32
    %mul3A_0 = arith.muli %arg0, %mul3A : i32
    %add3A = arith.addi %mul3A_0, %arg1 : i32
    %broadcast_in_dim3A = arith.constant 0.000000e+00 : f32
    %broadcast_in_dim3A_1 = vector.broadcast %broadcast_in_dim3A : f32 to vector<16xf32>
    %scan3A = arith.constant 0 : i32
    %scan3A_2 = arith.constant 0 : i32
    %scan3A_3 = arith.constant 128 : i32
    %scan3A_4 = arith.addi %scan3A_2, %scan3A_3 : i32
    %scan3A_5 = arith.constant 1 : i32
    scf.for %scan3A_190 = %scan3A_2 to %scan3A_4 step %scan3A_5  : i32 {
      %swap3A = arith.constant 0 : i32
      %swap3A_191 = arith.index_cast %swap3A : i32 to index
      %swap3A_192 = arith.index_cast %scan3A_190 : i32 to index
      %swap3A_193 = arith.constant 0 : index
      %swap3A_194 = tpu.vector_load %arg7[%swap3A_191, %swap3A_192, %swap3A_193] {strides = array<i32>} : memref<2x512x64xf32, #tpu.memory_space<vmem>>, vector<1x1x16xf32>,
      %swap3A_195 = vector.shape_cast %swap3A_194 : vector<1x1x16xf32> to vector<16xf32>
      %swap3A_196 = vector.shape_cast %broadcast_in_dim3A_1 : vector<16xf32> to vector<1x1x16xf32>
      tpu.vector_store %arg7[%swap3A_191, %swap3A_192, %swap3A_193], %swap3A_196 {strides = array<i32>} : memref<2x512x64xf32, #tpu.memory_space<vmem>>, vector<1x1x16xf32>,
      %swap3A_197 = arith.constant 0 : i32
      %swap3A_198 = arith.index_cast %swap3A_197 : i32 to index
      %swap3A_199 = arith.index_cast %scan3A_190 : i32 to index
      %swap3A_200 = arith.constant 16 : index
      %swap3A_201 = tpu.vector_load %arg7[%swap3A_198, %swap3A_199, %swap3A_200] {strides = array<i32>} : memref<2x512x64xf32, #tpu.memory_space<vmem>>, vector<1x1x16xf32>,
      %swap3A_202 = vector.shape_cast %swap3A_201 : vector<1x1x16xf32> to vector<16xf32>
      %swap3A_203 = vector.shape_cast %broadcast_in_dim3A_1 : vector<16xf32> to vector<1x1x16xf32>
      tpu.vector_store %arg7[%swap3A_198, %swap3A_199, %swap3A_200], %swap3A_203 {strides = array<i32>} : memref<2x512x64xf32, #tpu.memory_space<vmem>>, vector<1x1x16xf32>,
      %swap3A_204 = arith.constant 0 : i32
      %swap3A_205 = arith.index_cast %swap3A_204 : i32 to index
      %swap3A_206 = arith.index_cast %scan3A_190 : i32 to index
      %swap3A_207 = arith.constant 32 : index
      %swap3A_208 = tpu.vector_load %arg7[%swap3A_205, %swap3A_206, %swap3A_207] {strides = array<i32>} : memref<2x512x64xf32, #tpu.memory_space<vmem>>, vector<1x1x16xf32>,
      %swap3A_209 = vector.shape_cast %swap3A_208 : vector<1x1x16xf32> to vector<16xf32>
      %swap3A_210 = vector.shape_cast %broadcast_in_dim3A_1 : vector<16xf32> to vector<1x1x16xf32>
      tpu.vector_store %arg7[%swap3A_205, %swap3A_206, %swap3A_207], %swap3A_210 {strides = array<i32>} : memref<2x512x64xf32, #tpu.memory_space<vmem>>, vector<1x1x16xf32>,
      %swap3A_211 = arith.constant 0 : i32
      %swap3A_212 = arith.index_cast %swap3A_211 : i32 to index
      %swap3A_213 = arith.index_cast %scan3A_190 : i32 to index
      %swap3A_214 = arith.constant 48 : index
      %swap3A_215 = tpu.vector_load %arg7[%swap3A_212, %swap3A_213, %swap3A_214] {strides = array<i32>} : memref<2x512x64xf32, #tpu.memory_space<vmem>>, vector<1x1x16xf32>,
      %swap3A_216 = vector.shape_cast %swap3A_215 : vector<1x1x16xf32> to vector<16xf32>
      %swap3A_217 = vector.shape_cast %broadcast_in_dim3A_1 : vector<16xf32> to vector<1x1x16xf32>
      tpu.vector_store %arg7[%swap3A_212, %swap3A_213, %swap3A_214], %swap3A_217 {strides = array<i32>} : memref<2x512x64xf32, #tpu.memory_space<vmem>>, vector<1x1x16xf32>,
    }
    %scan3A_6 = arith.constant 128 : i32
    %mul3A_7 = arith.constant 640 : i32
    %mul3A_8 = arith.muli %arg1, %mul3A_7 : i32
    %add3A_9 = arith.constant 0 : i32
    %add3A_10 = arith.addi %mul3A_8, %add3A_9 : i32
    %run_scoped3A = arith.constant 0 : i32
    "tpu.region"() ({
      %run_scoped3A_190 = tpu.sem_alloc : memref<!tpu.dma_semaphore, #tpu.memory_space<semaphore_mem>>
      %dma_start3A_191 = arith.constant 0 : i32
      %dma_start3A_192 = arith.constant 0 : i32
      %dma_start3A_193 = tpu.memref_slice %arg7[%run_scoped3A, %dma_start3A_191, %dma_start3A_192] : memref<2x512x64xf32, #tpu.memory_space<vmem>> -> memref<1x512x64xf32, #tpu.memory_space<vmem>>
      %dma_start3A_194 = tpu.memref_squeeze %dma_start3A_193 : memref<1x512x64xf32, #tpu.memory_space<vmem>> -> memref<512x64xf32, #tpu.memory_space<vmem>>
      %dma_start3A_195 = arith.constant 0 : i32
      %dma_start3A_196 = arith.constant 0 : i32
      %dma_start3A_197 = tpu.memref_slice %dma_start3A_194[%dma_start3A_195, %dma_start3A_196] : memref<512x64xf32, #tpu.memory_space<vmem>> -> memref<128x64xf32, #tpu.memory_space<vmem>>
      %dma_start3A_198 = arith.constant 0 : i32
      %dma_start3A_199 = tpu.memref_slice %arg10[%add3A_10, %dma_start3A_198] : memref<10240x64xf32, #tpu.memory_space<vmem_shared>> -> memref<128x64xf32, #tpu.memory_space<vmem_shared>>
      %dma_start3A_200 = arith.constant 0 : i32
      %dma_start3A_201 = tpu.memref_slice %arg10[%add3A_10, %dma_start3A_200] : memref<10240x64xf32, #tpu.memory_space<vmem_shared>> -> memref<128x64xf32, #tpu.memory_space<vmem_shared>>
      %dma_start3A_202 = arith.constant 0 : i32
      %dma_start3A_203 = arith.constant 0 : i32
      %dma_start3A_204 = tpu.memref_slice %arg7[%run_scoped3A, %dma_start3A_202, %dma_start3A_203] : memref<2x512x64xf32, #tpu.memory_space<vmem>> -> memref<1x512x64xf32, #tpu.memory_space<vmem>>
      %dma_start3A_205 = tpu.memref_squeeze %dma_start3A_204 : memref<1x512x64xf32, #tpu.memory_space<vmem>> -> memref<512x64xf32, #tpu.memory_space<vmem>>
      %dma_start3A_206 = arith.constant 0 : i32
      %dma_start3A_207 = arith.constant 0 : i32
      %dma_start3A_208 = tpu.memref_slice %dma_start3A_205[%dma_start3A_206, %dma_start3A_207] : memref<512x64xf32, #tpu.memory_space<vmem>> -> memref<128x64xf32, #tpu.memory_space<vmem>>
      tpu.enqueue_dma source(%dma_start3A_208 : memref<128x64xf32, #tpu.memory_space<vmem>>) target(%dma_start3A_201 : memref<128x64xf32, #tpu.memory_space<vmem_shared>>) target_semaphore(%run_scoped3A_190 : memref<!tpu.dma_semaphore, #tpu.memory_space<semaphore_mem>>)
      %dma_wait3A_209 = arith.constant 0 : i32
      %dma_wait3A_210 = arith.constant 0 : i32
      %dma_wait3A_211 = tpu.memref_slice %arg7[%run_scoped3A, %dma_wait3A_209, %dma_wait3A_210] : memref<2x512x64xf32, #tpu.memory_space<vmem>> -> memref<1x512x64xf32, #tpu.memory_space<vmem>>
      %dma_wait3A_212 = tpu.memref_squeeze %dma_wait3A_211 : memref<1x512x64xf32, #tpu.memory_space<vmem>> -> memref<512x64xf32, #tpu.memory_space<vmem>>
      %dma_wait3A_213 = arith.constant 0 : i32
      %dma_wait3A_214 = arith.constant 0 : i32
      %dma_wait3A_215 = tpu.memref_slice %dma_wait3A_212[%dma_wait3A_213, %dma_wait3A_214] : memref<512x64xf32, #tpu.memory_space<vmem>> -> memref<128x64xf32, #tpu.memory_space<vmem>>
      %dma_wait3A_216 = arith.constant 0 : i32
      %dma_wait3A_217 = tpu.memref_slice %arg10[%add3A_10, %dma_wait3A_216] : memref<10240x64xf32, #tpu.memory_space<vmem_shared>> -> memref<128x64xf32, #tpu.memory_space<vmem_shared>>
      %dma_wait3A_218 = arith.constant 0 : i32
      %dma_wait3A_219 = tpu.memref_slice %arg10[%add3A_10, %dma_wait3A_218] : memref<10240x64xf32, #tpu.memory_space<vmem_shared>> -> memref<128x64xf32, #tpu.memory_space<vmem_shared>>
      %dma_wait3A_220 = arith.constant 0 : i32
      %dma_wait3A_221 = arith.constant 0 : i32
      %dma_wait3A_222 = tpu.memref_slice %arg7[%run_scoped3A, %dma_wait3A_220, %dma_wait3A_221] : memref<2x512x64xf32, #tpu.memory_space<vmem>> -> memref<1x512x64xf32, #tpu.memory_space<vmem>>
      %dma_wait3A_223 = tpu.memref_squeeze %dma_wait3A_222 : memref<1x512x64xf32, #tpu.memory_space<vmem>> -> memref<512x64xf32, #tpu.memory_space<vmem>>
      %dma_wait3A_224 = arith.constant 0 : i32
      %dma_wait3A_225 = arith.constant 0 : i32
      %dma_wait3A_226 = tpu.memref_slice %dma_wait3A_223[%dma_wait3A_224, %dma_wait3A_225] : memref<512x64xf32, #tpu.memory_space<vmem>> -> memref<128x64xf32, #tpu.memory_space<vmem>>
      tpu.wait_dma2 semaphore(%run_scoped3A_190 : memref<!tpu.dma_semaphore, #tpu.memory_space<semaphore_mem>>) src(%dma_wait3A_226 : memref<128x64xf32, #tpu.memory_space<vmem>>) dst(%dma_wait3A_219 : memref<128x64xf32, #tpu.memory_space<vmem_shared>>)
      tpu.yield
    }) : () -> ()
    %mul3A_11 = arith.constant 640 : i32
    %mul3A_12 = arith.muli %arg1, %mul3A_11 : i32
    %add3A_13 = arith.constant 128 : i32
    %add3A_14 = arith.addi %mul3A_12, %add3A_13 : i32
    %run_scoped3A_15 = arith.constant 0 : i32
    "tpu.region"() ({
      %run_scoped3A_190 = tpu.sem_alloc : memref<!tpu.dma_semaphore, #tpu.memory_space<semaphore_mem>>
      %dma_start3A_191 = arith.constant 0 : i32
      %dma_start3A_192 = arith.constant 0 : i32
      %dma_start3A_193 = tpu.memref_slice %arg7[%run_scoped3A_15, %dma_start3A_191, %dma_start3A_192] : memref<2x512x64xf32, #tpu.memory_space<vmem>> -> memref<1x512x64xf32, #tpu.memory_space<vmem>>
      %dma_start3A_194 = tpu.memref_squeeze %dma_start3A_193 : memref<1x512x64xf32, #tpu.memory_space<vmem>> -> memref<512x64xf32, #tpu.memory_space<vmem>>
      %dma_start3A_195 = arith.constant 0 : i32
      %dma_start3A_196 = arith.constant 0 : i32
      %dma_start3A_197 = tpu.memref_slice %dma_start3A_194[%dma_start3A_195, %dma_start3A_196] : memref<512x64xf32, #tpu.memory_space<vmem>> -> memref<128x64xf32, #tpu.memory_space<vmem>>
      %dma_start3A_198 = arith.constant 0 : i32
      %dma_start3A_199 = tpu.memref_slice %arg10[%add3A_14, %dma_start3A_198] : memref<10240x64xf32, #tpu.memory_space<vmem_shared>> -> memref<128x64xf32, #tpu.memory_space<vmem_shared>>
      %dma_start3A_200 = arith.constant 0 : i32
      %dma_start3A_201 = tpu.memref_slice %arg10[%add3A_14, %dma_start3A_200] : memref<10240x64xf32, #tpu.memory_space<vmem_shared>> -> memref<128x64xf32, #tpu.memory_space<vmem_shared>>
      %dma_start3A_202 = arith.constant 0 : i32
      %dma_start3A_203 = arith.constant 0 : i32
      %dma_start3A_204 = tpu.memref_slice %arg7[%run_scoped3A_15, %dma_start3A_202, %dma_start3A_203] : memref<2x512x64xf32, #tpu.memory_space<vmem>> -> memref<1x512x64xf32, #tpu.memory_space<vmem>>
      %dma_start3A_205 = tpu.memref_squeeze %dma_start3A_204 : memref<1x512x64xf32, #tpu.memory_space<vmem>> -> memref<512x64xf32, #tpu.memory_space<vmem>>
      %dma_start3A_206 = arith.constant 0 : i32
      %dma_start3A_207 = arith.constant 0 : i32
      %dma_start3A_208 = tpu.memref_slice %dma_start3A_205[%dma_start3A_206, %dma_start3A_207] : memref<512x64xf32, #tpu.memory_space<vmem>> -> memref<128x64xf32, #tpu.memory_space<vmem>>
      tpu.enqueue_dma source(%dma_start3A_208 : memref<128x64xf32, #tpu.memory_space<vmem>>) target(%dma_start3A_201 : memref<128x64xf32, #tpu.memory_space<vmem_shared>>) target_semaphore(%run_scoped3A_190 : memref<!tpu.dma_semaphore, #tpu.memory_space<semaphore_mem>>)
      %dma_wait3A_209 = arith.constant 0 : i32
      %dma_wait3A_210 = arith.constant 0 : i32
      %dma_wait3A_211 = tpu.memref_slice %arg7[%run_scoped3A_15, %dma_wait3A_209, %dma_wait3A_210] : memref<2x512x64xf32, #tpu.memory_space<vmem>> -> memref<1x512x64xf32, #tpu.memory_space<vmem>>
      %dma_wait3A_212 = tpu.memref_squeeze %dma_wait3A_211 : memref<1x512x64xf32, #tpu.memory_space<vmem>> -> memref<512x64xf32, #tpu.memory_space<vmem>>
      %dma_wait3A_213 = arith.constant 0 : i32
      %dma_wait3A_214 = arith.constant 0 : i32
      %dma_wait3A_215 = tpu.memref_slice %dma_wait3A_212[%dma_wait3A_213, %dma_wait3A_214] : memref<512x64xf32, #tpu.memory_space<vmem>> -> memref<128x64xf32, #tpu.memory_space<vmem>>
      %dma_wait3A_216 = arith.constant 0 : i32
      %dma_wait3A_217 = tpu.memref_slice %arg10[%add3A_14, %dma_wait3A_216] : memref<10240x64xf32, #tpu.memory_space<vmem_shared>> -> memref<128x64xf32, #tpu.memory_space<vmem_shared>>
      %dma_wait3A_218 = arith.constant 0 : i32
      %dma_wait3A_219 = tpu.memref_slice %arg10[%add3A_14, %dma_wait3A_218] : memref<10240x64xf32, #tpu.memory_space<vmem_shared>> -> memref<128x64xf32, #tpu.memory_space<vmem_shared>>
      %dma_wait3A_220 = arith.constant 0 : i32
      %dma_wait3A_221 = arith.constant 0 : i32
      %dma_wait3A_222 = tpu.memref_slice %arg7[%run_scoped3A_15, %dma_wait3A_220, %dma_wait3A_221] : memref<2x512x64xf32, #tpu.memory_space<vmem>> -> memref<1x512x64xf32, #tpu.memory_space<vmem>>
      %dma_wait3A_223 = tpu.memref_squeeze %dma_wait3A_222 : memref<1x512x64xf32, #tpu.memory_space<vmem>> -> memref<512x64xf32, #tpu.memory_space<vmem>>
      %dma_wait3A_224 = arith.constant 0 : i32
      %dma_wait3A_225 = arith.constant 0 : i32
      %dma_wait3A_226 = tpu.memref_slice %dma_wait3A_223[%dma_wait3A_224, %dma_wait3A_225] : memref<512x64xf32, #tpu.memory_space<vmem>> -> memref<128x64xf32, #tpu.memory_space<vmem>>
      tpu.wait_dma2 semaphore(%run_scoped3A_190 : memref<!tpu.dma_semaphore, #tpu.memory_space<semaphore_mem>>) src(%dma_wait3A_226 : memref<128x64xf32, #tpu.memory_space<vmem>>) dst(%dma_wait3A_219 : memref<128x64xf32, #tpu.memory_space<vmem_shared>>)
      tpu.yield
    }) : () -> ()
    %mul3A_16 = arith.constant 640 : i32
    %mul3A_17 = arith.muli %arg1, %mul3A_16 : i32
    %add3A_18 = arith.constant 256 : i32
    %add3A_19 = arith.addi %mul3A_17, %add3A_18 : i32
    %run_scoped3A_20 = arith.constant 0 : i32
    "tpu.region"() ({
      %run_scoped3A_190 = tpu.sem_alloc : memref<!tpu.dma_semaphore, #tpu.memory_space<semaphore_mem>>
      %dma_start3A_191 = arith.constant 0 : i32
      %dma_start3A_192 = arith.constant 0 : i32
      %dma_start3A_193 = tpu.memref_slice %arg7[%run_scoped3A_20, %dma_start3A_191, %dma_start3A_192] : memref<2x512x64xf32, #tpu.memory_space<vmem>> -> memref<1x512x64xf32, #tpu.memory_space<vmem>>
      %dma_start3A_194 = tpu.memref_squeeze %dma_start3A_193 : memref<1x512x64xf32, #tpu.memory_space<vmem>> -> memref<512x64xf32, #tpu.memory_space<vmem>>
      %dma_start3A_195 = arith.constant 0 : i32
      %dma_start3A_196 = arith.constant 0 : i32
      %dma_start3A_197 = tpu.memref_slice %dma_start3A_194[%dma_start3A_195, %dma_start3A_196] : memref<512x64xf32, #tpu.memory_space<vmem>> -> memref<128x64xf32, #tpu.memory_space<vmem>>
      %dma_start3A_198 = arith.constant 0 : i32
      %dma_start3A_199 = tpu.memref_slice %arg10[%add3A_19, %dma_start3A_198] : memref<10240x64xf32, #tpu.memory_space<vmem_shared>> -> memref<128x64xf32, #tpu.memory_space<vmem_shared>>
      %dma_start3A_200 = arith.constant 0 : i32
      %dma_start3A_201 = tpu.memref_slice %arg10[%add3A_19, %dma_start3A_200] : memref<10240x64xf32, #tpu.memory_space<vmem_shared>> -> memref<128x64xf32, #tpu.memory_space<vmem_shared>>
      %dma_start3A_202 = arith.constant 0 : i32
      %dma_start3A_203 = arith.constant 0 : i32
      %dma_start3A_204 = tpu.memref_slice %arg7[%run_scoped3A_20, %dma_start3A_202, %dma_start3A_203] : memref<2x512x64xf32, #tpu.memory_space<vmem>> -> memref<1x512x64xf32, #tpu.memory_space<vmem>>
      %dma_start3A_205 = tpu.memref_squeeze %dma_start3A_204 : memref<1x512x64xf32, #tpu.memory_space<vmem>> -> memref<512x64xf32, #tpu.memory_space<vmem>>
      %dma_start3A_206 = arith.constant 0 : i32
      %dma_start3A_207 = arith.constant 0 : i32
      %dma_start3A_208 = tpu.memref_slice %dma_start3A_205[%dma_start3A_206, %dma_start3A_207] : memref<512x64xf32, #tpu.memory_space<vmem>> -> memref<128x64xf32, #tpu.memory_space<vmem>>
      tpu.enqueue_dma source(%dma_start3A_208 : memref<128x64xf32, #tpu.memory_space<vmem>>) target(%dma_start3A_201 : memref<128x64xf32, #tpu.memory_space<vmem_shared>>) target_semaphore(%run_scoped3A_190 : memref<!tpu.dma_semaphore, #tpu.memory_space<semaphore_mem>>)
      %dma_wait3A_209 = arith.constant 0 : i32
      %dma_wait3A_210 = arith.constant 0 : i32
      %dma_wait3A_211 = tpu.memref_slice %arg7[%run_scoped3A_20, %dma_wait3A_209, %dma_wait3A_210] : memref<2x512x64xf32, #tpu.memory_space<vmem>> -> memref<1x512x64xf32, #tpu.memory_space<vmem>>
      %dma_wait3A_212 = tpu.memref_squeeze %dma_wait3A_211 : memref<1x512x64xf32, #tpu.memory_space<vmem>> -> memref<512x64xf32, #tpu.memory_space<vmem>>
      %dma_wait3A_213 = arith.constant 0 : i32
      %dma_wait3A_214 = arith.constant 0 : i32
      %dma_wait3A_215 = tpu.memref_slice %dma_wait3A_212[%dma_wait3A_213, %dma_wait3A_214] : memref<512x64xf32, #tpu.memory_space<vmem>> -> memref<128x64xf32, #tpu.memory_space<vmem>>
      %dma_wait3A_216 = arith.constant 0 : i32
      %dma_wait3A_217 = tpu.memref_slice %arg10[%add3A_19, %dma_wait3A_216] : memref<10240x64xf32, #tpu.memory_space<vmem_shared>> -> memref<128x64xf32, #tpu.memory_space<vmem_shared>>
      %dma_wait3A_218 = arith.constant 0 : i32
      %dma_wait3A_219 = tpu.memref_slice %arg10[%add3A_19, %dma_wait3A_218] : memref<10240x64xf32, #tpu.memory_space<vmem_shared>> -> memref<128x64xf32, #tpu.memory_space<vmem_shared>>
      %dma_wait3A_220 = arith.constant 0 : i32
      %dma_wait3A_221 = arith.constant 0 : i32
      %dma_wait3A_222 = tpu.memref_slice %arg7[%run_scoped3A_20, %dma_wait3A_220, %dma_wait3A_221] : memref<2x512x64xf32, #tpu.memory_space<vmem>> -> memref<1x512x64xf32, #tpu.memory_space<vmem>>
      %dma_wait3A_223 = tpu.memref_squeeze %dma_wait3A_222 : memref<1x512x64xf32, #tpu.memory_space<vmem>> -> memref<512x64xf32, #tpu.memory_space<vmem>>
      %dma_wait3A_224 = arith.constant 0 : i32
      %dma_wait3A_225 = arith.constant 0 : i32
      %dma_wait3A_226 = tpu.memref_slice %dma_wait3A_223[%dma_wait3A_224, %dma_wait3A_225] : memref<512x64xf32, #tpu.memory_space<vmem>> -> memref<128x64xf32, #tpu.memory_space<vmem>>
      tpu.wait_dma2 semaphore(%run_scoped3A_190 : memref<!tpu.dma_semaphore, #tpu.memory_space<semaphore_mem>>) src(%dma_wait3A_226 : memref<128x64xf32, #tpu.memory_space<vmem>>) dst(%dma_wait3A_219 : memref<128x64xf32, #tpu.memory_space<vmem_shared>>)
      tpu.yield
    }) : () -> ()
    %mul3A_21 = arith.constant 640 : i32
    %mul3A_22 = arith.muli %arg1, %mul3A_21 : i32
    %add3A_23 = arith.constant 384 : i32
    %add3A_24 = arith.addi %mul3A_22, %add3A_23 : i32
    %run_scoped3A_25 = arith.constant 0 : i32
    "tpu.region"() ({
      %run_scoped3A_190 = tpu.sem_alloc : memref<!tpu.dma_semaphore, #tpu.memory_space<semaphore_mem>>
      %dma_start3A_191 = arith.constant 0 : i32
      %dma_start3A_192 = arith.constant 0 : i32
      %dma_start3A_193 = tpu.memref_slice %arg7[%run_scoped3A_25, %dma_start3A_191, %dma_start3A_192] : memref<2x512x64xf32, #tpu.memory_space<vmem>> -> memref<1x512x64xf32, #tpu.memory_space<vmem>>
      %dma_start3A_194 = tpu.memref_squeeze %dma_start3A_193 : memref<1x512x64xf32, #tpu.memory_space<vmem>> -> memref<512x64xf32, #tpu.memory_space<vmem>>
      %dma_start3A_195 = arith.constant 0 : i32
      %dma_start3A_196 = arith.constant 0 : i32
      %dma_start3A_197 = tpu.memref_slice %dma_start3A_194[%dma_start3A_195, %dma_start3A_196] : memref<512x64xf32, #tpu.memory_space<vmem>> -> memref<128x64xf32, #tpu.memory_space<vmem>>
      %dma_start3A_198 = arith.constant 0 : i32
      %dma_start3A_199 = tpu.memref_slice %arg10[%add3A_24, %dma_start3A_198] : memref<10240x64xf32, #tpu.memory_space<vmem_shared>> -> memref<128x64xf32, #tpu.memory_space<vmem_shared>>
      %dma_start3A_200 = arith.constant 0 : i32
      %dma_start3A_201 = tpu.memref_slice %arg10[%add3A_24, %dma_start3A_200] : memref<10240x64xf32, #tpu.memory_space<vmem_shared>> -> memref<128x64xf32, #tpu.memory_space<vmem_shared>>
      %dma_start3A_202 = arith.constant 0 : i32
      %dma_start3A_203 = arith.constant 0 : i32
      %dma_start3A_204 = tpu.memref_slice %arg7[%run_scoped3A_25, %dma_start3A_202, %dma_start3A_203] : memref<2x512x64xf32, #tpu.memory_space<vmem>> -> memref<1x512x64xf32, #tpu.memory_space<vmem>>
      %dma_start3A_205 = tpu.memref_squeeze %dma_start3A_204 : memref<1x512x64xf32, #tpu.memory_space<vmem>> -> memref<512x64xf32, #tpu.memory_space<vmem>>
      %dma_start3A_206 = arith.constant 0 : i32
      %dma_start3A_207 = arith.constant 0 : i32
      %dma_start3A_208 = tpu.memref_slice %dma_start3A_205[%dma_start3A_206, %dma_start3A_207] : memref<512x64xf32, #tpu.memory_space<vmem>> -> memref<128x64xf32, #tpu.memory_space<vmem>>
      tpu.enqueue_dma source(%dma_start3A_208 : memref<128x64xf32, #tpu.memory_space<vmem>>) target(%dma_start3A_201 : memref<128x64xf32, #tpu.memory_space<vmem_shared>>) target_semaphore(%run_scoped3A_190 : memref<!tpu.dma_semaphore, #tpu.memory_space<semaphore_mem>>)
      %dma_wait3A_209 = arith.constant 0 : i32
      %dma_wait3A_210 = arith.constant 0 : i32
      %dma_wait3A_211 = tpu.memref_slice %arg7[%run_scoped3A_25, %dma_wait3A_209, %dma_wait3A_210] : memref<2x512x64xf32, #tpu.memory_space<vmem>> -> memref<1x512x64xf32, #tpu.memory_space<vmem>>
      %dma_wait3A_212 = tpu.memref_squeeze %dma_wait3A_211 : memref<1x512x64xf32, #tpu.memory_space<vmem>> -> memref<512x64xf32, #tpu.memory_space<vmem>>
      %dma_wait3A_213 = arith.constant 0 : i32
      %dma_wait3A_214 = arith.constant 0 : i32
      %dma_wait3A_215 = tpu.memref_slice %dma_wait3A_212[%dma_wait3A_213, %dma_wait3A_214] : memref<512x64xf32, #tpu.memory_space<vmem>> -> memref<128x64xf32, #tpu.memory_space<vmem>>
      %dma_wait3A_216 = arith.constant 0 : i32
      %dma_wait3A_217 = tpu.memref_slice %arg10[%add3A_24, %dma_wait3A_216] : memref<10240x64xf32, #tpu.memory_space<vmem_shared>> -> memref<128x64xf32, #tpu.memory_space<vmem_shared>>
      %dma_wait3A_218 = arith.constant 0 : i32
      %dma_wait3A_219 = tpu.memref_slice %arg10[%add3A_24, %dma_wait3A_218] : memref<10240x64xf32, #tpu.memory_space<vmem_shared>> -> memref<128x64xf32, #tpu.memory_space<vmem_shared>>
      %dma_wait3A_220 = arith.constant 0 : i32
      %dma_wait3A_221 = arith.constant 0 : i32
      %dma_wait3A_222 = tpu.memref_slice %arg7[%run_scoped3A_25, %dma_wait3A_220, %dma_wait3A_221] : memref<2x512x64xf32, #tpu.memory_space<vmem>> -> memref<1x512x64xf32, #tpu.memory_space<vmem>>
      %dma_wait3A_223 = tpu.memref_squeeze %dma_wait3A_222 : memref<1x512x64xf32, #tpu.memory_space<vmem>> -> memref<512x64xf32, #tpu.memory_space<vmem>>
      %dma_wait3A_224 = arith.constant 0 : i32
      %dma_wait3A_225 = arith.constant 0 : i32
      %dma_wait3A_226 = tpu.memref_slice %dma_wait3A_223[%dma_wait3A_224, %dma_wait3A_225] : memref<512x64xf32, #tpu.memory_space<vmem>> -> memref<128x64xf32, #tpu.memory_space<vmem>>
      tpu.wait_dma2 semaphore(%run_scoped3A_190 : memref<!tpu.dma_semaphore, #tpu.memory_space<semaphore_mem>>) src(%dma_wait3A_226 : memref<128x64xf32, #tpu.memory_space<vmem>>) dst(%dma_wait3A_219 : memref<128x64xf32, #tpu.memory_space<vmem_shared>>)
      tpu.yield
    }) : () -> ()
    %mul3A_26 = arith.constant 640 : i32
    %mul3A_27 = arith.muli %arg1, %mul3A_26 : i32
    %add3A_28 = arith.constant 512 : i32
    %add3A_29 = arith.addi %mul3A_27, %add3A_28 : i32
    %run_scoped3A_30 = arith.constant 0 : i32
    "tpu.region"() ({
      %run_scoped3A_190 = tpu.sem_alloc : memref<!tpu.dma_semaphore, #tpu.memory_space<semaphore_mem>>
      %dma_start3A_191 = arith.constant 0 : i32
      %dma_start3A_192 = arith.constant 0 : i32
      %dma_start3A_193 = tpu.memref_slice %arg7[%run_scoped3A_30, %dma_start3A_191, %dma_start3A_192] : memref<2x512x64xf32, #tpu.memory_space<vmem>> -> memref<1x512x64xf32, #tpu.memory_space<vmem>>
      %dma_start3A_194 = tpu.memref_squeeze %dma_start3A_193 : memref<1x512x64xf32, #tpu.memory_space<vmem>> -> memref<512x64xf32, #tpu.memory_space<vmem>>
      %dma_start3A_195 = arith.constant 0 : i32
      %dma_start3A_196 = arith.constant 0 : i32
      %dma_start3A_197 = tpu.memref_slice %dma_start3A_194[%dma_start3A_195, %dma_start3A_196] : memref<512x64xf32, #tpu.memory_space<vmem>> -> memref<128x64xf32, #tpu.memory_space<vmem>>
      %dma_start3A_198 = arith.constant 0 : i32
      %dma_start3A_199 = tpu.memref_slice %arg10[%add3A_29, %dma_start3A_198] : memref<10240x64xf32, #tpu.memory_space<vmem_shared>> -> memref<128x64xf32, #tpu.memory_space<vmem_shared>>
      %dma_start3A_200 = arith.constant 0 : i32
      %dma_start3A_201 = tpu.memref_slice %arg10[%add3A_29, %dma_start3A_200] : memref<10240x64xf32, #tpu.memory_space<vmem_shared>> -> memref<128x64xf32, #tpu.memory_space<vmem_shared>>
      %dma_start3A_202 = arith.constant 0 : i32
      %dma_start3A_203 = arith.constant 0 : i32
      %dma_start3A_204 = tpu.memref_slice %arg7[%run_scoped3A_30, %dma_start3A_202, %dma_start3A_203] : memref<2x512x64xf32, #tpu.memory_space<vmem>> -> memref<1x512x64xf32, #tpu.memory_space<vmem>>
      %dma_start3A_205 = tpu.memref_squeeze %dma_start3A_204 : memref<1x512x64xf32, #tpu.memory_space<vmem>> -> memref<512x64xf32, #tpu.memory_space<vmem>>
      %dma_start3A_206 = arith.constant 0 : i32
      %dma_start3A_207 = arith.constant 0 : i32
      %dma_start3A_208 = tpu.memref_slice %dma_start3A_205[%dma_start3A_206, %dma_start3A_207] : memref<512x64xf32, #tpu.memory_space<vmem>> -> memref<128x64xf32, #tpu.memory_space<vmem>>
      tpu.enqueue_dma source(%dma_start3A_208 : memref<128x64xf32, #tpu.memory_space<vmem>>) target(%dma_start3A_201 : memref<128x64xf32, #tpu.memory_space<vmem_shared>>) target_semaphore(%run_scoped3A_190 : memref<!tpu.dma_semaphore, #tpu.memory_space<semaphore_mem>>)
      %dma_wait3A_209 = arith.constant 0 : i32
      %dma_wait3A_210 = arith.constant 0 : i32
      %dma_wait3A_211 = tpu.memref_slice %arg7[%run_scoped3A_30, %dma_wait3A_209, %dma_wait3A_210] : memref<2x512x64xf32, #tpu.memory_space<vmem>> -> memref<1x512x64xf32, #tpu.memory_space<vmem>>
      %dma_wait3A_212 = tpu.memref_squeeze %dma_wait3A_211 : memref<1x512x64xf32, #tpu.memory_space<vmem>> -> memref<512x64xf32, #tpu.memory_space<vmem>>
      %dma_wait3A_213 = arith.constant 0 : i32
      %dma_wait3A_214 = arith.constant 0 : i32
      %dma_wait3A_215 = tpu.memref_slice %dma_wait3A_212[%dma_wait3A_213, %dma_wait3A_214] : memref<512x64xf32, #tpu.memory_space<vmem>> -> memref<128x64xf32, #tpu.memory_space<vmem>>
      %dma_wait3A_216 = arith.constant 0 : i32
      %dma_wait3A_217 = tpu.memref_slice %arg10[%add3A_29, %dma_wait3A_216] : memref<10240x64xf32, #tpu.memory_space<vmem_shared>> -> memref<128x64xf32, #tpu.memory_space<vmem_shared>>
      %dma_wait3A_218 = arith.constant 0 : i32
      %dma_wait3A_219 = tpu.memref_slice %arg10[%add3A_29, %dma_wait3A_218] : memref<10240x64xf32, #tpu.memory_space<vmem_shared>> -> memref<128x64xf32, #tpu.memory_space<vmem_shared>>
      %dma_wait3A_220 = arith.constant 0 : i32
      %dma_wait3A_221 = arith.constant 0 : i32
      %dma_wait3A_222 = tpu.memref_slice %arg7[%run_scoped3A_30, %dma_wait3A_220, %dma_wait3A_221] : memref<2x512x64xf32, #tpu.memory_space<vmem>> -> memref<1x512x64xf32, #tpu.memory_space<vmem>>
      %dma_wait3A_223 = tpu.memref_squeeze %dma_wait3A_222 : memref<1x512x64xf32, #tpu.memory_space<vmem>> -> memref<512x64xf32, #tpu.memory_space<vmem>>
      %dma_wait3A_224 = arith.constant 0 : i32
      %dma_wait3A_225 = arith.constant 0 : i32
      %dma_wait3A_226 = tpu.memref_slice %dma_wait3A_223[%dma_wait3A_224, %dma_wait3A_225] : memref<512x64xf32, #tpu.memory_space<vmem>> -> memref<128x64xf32, #tpu.memory_space<vmem>>
      tpu.wait_dma2 semaphore(%run_scoped3A_190 : memref<!tpu.dma_semaphore, #tpu.memory_space<semaphore_mem>>) src(%dma_wait3A_226 : memref<128x64xf32, #tpu.memory_space<vmem>>) dst(%dma_wait3A_219 : memref<128x64xf32, #tpu.memory_space<vmem_shared>>)
      tpu.yield
    }) : () -> ()
    %mul3A_31 = arith.constant 80 : i32
    %mul3A_32 = arith.muli %add3A, %mul3A_31 : i32
    %run_scoped3A_33 = arith.constant 0 : i32
    "tpu.region"() ({
      %run_scoped3A_190 = tpu.sem_alloc : memref<!tpu.dma_semaphore, #tpu.memory_space<semaphore_mem>>
      %dma_start3A_191 = arith.constant 0 : i32
      %dma_start3A_192 = arith.constant 0 : i32
      %dma_start3A_193 = tpu.memref_slice %arg3[%run_scoped3A_33, %dma_start3A_191, %dma_start3A_192] : memref<2x2560x128xi32, #tpu.memory_space<hbm>> -> memref<1x2560x128xi32, #tpu.memory_space<hbm>>
      %dma_start3A_194 = tpu.memref_squeeze %dma_start3A_193 : memref<1x2560x128xi32, #tpu.memory_space<hbm>> -> memref<2560x128xi32, #tpu.memory_space<hbm>>
      %dma_start3A_195 = arith.constant 0 : i32
      %dma_start3A_196 = tpu.memref_slice %dma_start3A_194[%mul3A_32, %dma_start3A_195] : memref<2560x128xi32, #tpu.memory_space<hbm>> -> memref<80x128xi32, #tpu.memory_space<hbm>>
      %dma_start3A_197 = arith.constant 0 : i32
      %dma_start3A_198 = arith.constant 0 : i32
      %dma_start3A_199 = tpu.memref_slice %arg3[%run_scoped3A_33, %dma_start3A_197, %dma_start3A_198] : memref<2x2560x128xi32, #tpu.memory_space<hbm>> -> memref<1x2560x128xi32, #tpu.memory_space<hbm>>
      %dma_start3A_200 = tpu.memref_squeeze %dma_start3A_199 : memref<1x2560x128xi32, #tpu.memory_space<hbm>> -> memref<2560x128xi32, #tpu.memory_space<hbm>>
      %dma_start3A_201 = arith.constant 0 : i32
      %dma_start3A_202 = tpu.memref_slice %dma_start3A_200[%mul3A_32, %dma_start3A_201] : memref<2560x128xi32, #tpu.memory_space<hbm>> -> memref<80x128xi32, #tpu.memory_space<hbm>>
      tpu.enqueue_dma source(%dma_start3A_202 : memref<80x128xi32, #tpu.memory_space<hbm>>) target(%arg5 : memref<80x128xi32, #tpu.memory_space<vmem>>) target_semaphore(%run_scoped3A_190 : memref<!tpu.dma_semaphore, #tpu.memory_space<semaphore_mem>>)
      %dma_wait3A_203 = arith.constant 0 : i32
      %dma_wait3A_204 = arith.constant 0 : i32
      %dma_wait3A_205 = tpu.memref_slice %arg3[%run_scoped3A_33, %dma_wait3A_203, %dma_wait3A_204] : memref<2x2560x128xi32, #tpu.memory_space<hbm>> -> memref<1x2560x128xi32, #tpu.memory_space<hbm>>
      %dma_wait3A_206 = tpu.memref_squeeze %dma_wait3A_205 : memref<1x2560x128xi32, #tpu.memory_space<hbm>> -> memref<2560x128xi32, #tpu.memory_space<hbm>>
      %dma_wait3A_207 = arith.constant 0 : i32
      %dma_wait3A_208 = tpu.memref_slice %dma_wait3A_206[%mul3A_32, %dma_wait3A_207] : memref<2560x128xi32, #tpu.memory_space<hbm>> -> memref<80x128xi32, #tpu.memory_space<hbm>>
      %dma_wait3A_209 = arith.constant 0 : i32
      %dma_wait3A_210 = arith.constant 0 : i32
      %dma_wait3A_211 = tpu.memref_slice %arg3[%run_scoped3A_33, %dma_wait3A_209, %dma_wait3A_210] : memref<2x2560x128xi32, #tpu.memory_space<hbm>> -> memref<1x2560x128xi32, #tpu.memory_space<hbm>>
      %dma_wait3A_212 = tpu.memref_squeeze %dma_wait3A_211 : memref<1x2560x128xi32, #tpu.memory_space<hbm>> -> memref<2560x128xi32, #tpu.memory_space<hbm>>
      %dma_wait3A_213 = arith.constant 0 : i32
      %dma_wait3A_214 = tpu.memref_slice %dma_wait3A_212[%mul3A_32, %dma_wait3A_213] : memref<2560x128xi32, #tpu.memory_space<hbm>> -> memref<80x128xi32, #tpu.memory_space<hbm>>
      tpu.wait_dma2 semaphore(%run_scoped3A_190 : memref<!tpu.dma_semaphore, #tpu.memory_space<semaphore_mem>>) src(%dma_wait3A_214 : memref<80x128xi32, #tpu.memory_space<hbm>>) dst(%arg5 : memref<80x128xi32, #tpu.memory_space<vmem>>)
      tpu.yield
    }) : () -> ()
    %mul3A_34 = arith.constant 80 : i32
    %mul3A_35 = arith.muli %add3A, %mul3A_34 : i32
    %run_scoped3A_36 = arith.constant 1 : i32
    "tpu.region"() ({
      %run_scoped3A_190 = tpu.sem_alloc : memref<!tpu.dma_semaphore, #tpu.memory_space<semaphore_mem>>
      %dma_start3A_191 = arith.constant 0 : i32
      %dma_start3A_192 = arith.constant 0 : i32
      %dma_start3A_193 = tpu.memref_slice %arg3[%run_scoped3A_36, %dma_start3A_191, %dma_start3A_192] : memref<2x2560x128xi32, #tpu.memory_space<hbm>> -> memref<1x2560x128xi32, #tpu.memory_space<hbm>>
      %dma_start3A_194 = tpu.memref_squeeze %dma_start3A_193 : memref<1x2560x128xi32, #tpu.memory_space<hbm>> -> memref<2560x128xi32, #tpu.memory_space<hbm>>
      %dma_start3A_195 = arith.constant 0 : i32
      %dma_start3A_196 = tpu.memref_slice %dma_start3A_194[%mul3A_35, %dma_start3A_195] : memref<2560x128xi32, #tpu.memory_space<hbm>> -> memref<80x128xi32, #tpu.memory_space<hbm>>
      %dma_start3A_197 = arith.constant 0 : i32
      %dma_start3A_198 = arith.constant 0 : i32
      %dma_start3A_199 = tpu.memref_slice %arg3[%run_scoped3A_36, %dma_start3A_197, %dma_start3A_198] : memref<2x2560x128xi32, #tpu.memory_space<hbm>> -> memref<1x2560x128xi32, #tpu.memory_space<hbm>>
      %dma_start3A_200 = tpu.memref_squeeze %dma_start3A_199 : memref<1x2560x128xi32, #tpu.memory_space<hbm>> -> memref<2560x128xi32, #tpu.memory_space<hbm>>
      %dma_start3A_201 = arith.constant 0 : i32
      %dma_start3A_202 = tpu.memref_slice %dma_start3A_200[%mul3A_35, %dma_start3A_201] : memref<2560x128xi32, #tpu.memory_space<hbm>> -> memref<80x128xi32, #tpu.memory_space<hbm>>
      tpu.enqueue_dma source(%dma_start3A_202 : memref<80x128xi32, #tpu.memory_space<hbm>>) target(%arg6 : memref<80x128xi32, #tpu.memory_space<vmem>>) target_semaphore(%run_scoped3A_190 : memref<!tpu.dma_semaphore, #tpu.memory_space<semaphore_mem>>)
      %dma_wait3A_203 = arith.constant 0 : i32
      %dma_wait3A_204 = arith.constant 0 : i32
      %dma_wait3A_205 = tpu.memref_slice %arg3[%run_scoped3A_36, %dma_wait3A_203, %dma_wait3A_204] : memref<2x2560x128xi32, #tpu.memory_space<hbm>> -> memref<1x2560x128xi32, #tpu.memory_space<hbm>>
      %dma_wait3A_206 = tpu.memref_squeeze %dma_wait3A_205 : memref<1x2560x128xi32, #tpu.memory_space<hbm>> -> memref<2560x128xi32, #tpu.memory_space<hbm>>
      %dma_wait3A_207 = arith.constant 0 : i32
      %dma_wait3A_208 = tpu.memref_slice %dma_wait3A_206[%mul3A_35, %dma_wait3A_207] : memref<2560x128xi32, #tpu.memory_space<hbm>> -> memref<80x128xi32, #tpu.memory_space<hbm>>
      %dma_wait3A_209 = arith.constant 0 : i32
      %dma_wait3A_210 = arith.constant 0 : i32
      %dma_wait3A_211 = tpu.memref_slice %arg3[%run_scoped3A_36, %dma_wait3A_209, %dma_wait3A_210] : memref<2x2560x128xi32, #tpu.memory_space<hbm>> -> memref<1x2560x128xi32, #tpu.memory_space<hbm>>
      %dma_wait3A_212 = tpu.memref_squeeze %dma_wait3A_211 : memref<1x2560x128xi32, #tpu.memory_space<hbm>> -> memref<2560x128xi32, #tpu.memory_space<hbm>>
      %dma_wait3A_213 = arith.constant 0 : i32
      %dma_wait3A_214 = tpu.memref_slice %dma_wait3A_212[%mul3A_35, %dma_wait3A_213] : memref<2560x128xi32, #tpu.memory_space<hbm>> -> memref<80x128xi32, #tpu.memory_space<hbm>>
      tpu.wait_dma2 semaphore(%run_scoped3A_190 : memref<!tpu.dma_semaphore, #tpu.memory_space<semaphore_mem>>) src(%dma_wait3A_214 : memref<80x128xi32, #tpu.memory_space<hbm>>) dst(%arg6 : memref<80x128xi32, #tpu.memory_space<vmem>>)
      tpu.yield
    }) : () -> ()
    %barrier3A = arith.constant 0 : index
    tpu.barrier barrier_id(%barrier3A)
    %dma_start3A = arith.constant 0 : i32
    %dma_start3A_37 = arith.constant 0 : i32
    %dma_start3A_38 = arith.constant 0 : i32
    %dma_start3A_39 = arith.constant 0 : i32
    %dma_start3A_40 = tpu.memref_slice %arg7[%dma_start3A_37, %dma_start3A_38, %dma_start3A_39] : memref<2x512x64xf32, #tpu.memory_space<vmem>> -> memref<1x512x64xf32, #tpu.memory_space<vmem>>
    %dma_start3A_41 = tpu.memref_squeeze %dma_start3A_40 : memref<1x512x64xf32, #tpu.memory_space<vmem>> -> memref<512x64xf32, #tpu.memory_space<vmem>>
    %dma_start3A_42 = arith.constant 0 : i32
    %dma_start3A_43 = arith.constant 0 : i32
    %dma_start3A_44 = tpu.memref_slice %dma_start3A_41[%dma_start3A_42, %dma_start3A_43] : memref<512x64xf32, #tpu.memory_space<vmem>> -> memref<128x64xf32, #tpu.memory_space<vmem>>
    %dma_start3A_45 = arith.constant 0 : i32
    %dma_start3A_46 = tpu.memref_slice %arg5[%dma_start3A, %dma_start3A_45] : memref<80x128xi32, #tpu.memory_space<vmem>> -> memref<1x128xi32, #tpu.memory_space<vmem>>
    %dma_start3A_47 = tpu.memref_squeeze %dma_start3A_46 : memref<1x128xi32, #tpu.memory_space<vmem>> -> memref<128xi32, #tpu.memory_space<vmem>>
    %dma_start3A_48 = arith.constant 0 : i32
    %dma_start3A_49 = arith.constant 0 : i32
    %dma_start3A_50 = tpu.memref_slice %arg2[%dma_start3A_48, %dma_start3A_49] : memref<10000x64xf32, #tpu.memory_space<hbm>> -> memref<10000x64xf32, #tpu.memory_space<hbm>>
    tpu.enqueue_indirect_dma source(%dma_start3A_50 : memref<10000x64xf32, #tpu.memory_space<hbm>>) target(%dma_start3A_44 : memref<128x64xf32, #tpu.memory_space<vmem>>) offsets(%dma_start3A_47 : memref<128xi32, #tpu.memory_space<vmem>>) semaphore(%arg8 : memref<!tpu.dma_semaphore, #tpu.memory_space<semaphore_mem>>)
    %dma_start3A_51 = arith.constant 1 : i32
    %dma_start3A_52 = arith.constant 0 : i32
    %dma_start3A_53 = arith.constant 0 : i32
    %dma_start3A_54 = arith.constant 0 : i32
    %dma_start3A_55 = tpu.memref_slice %arg7[%dma_start3A_52, %dma_start3A_53, %dma_start3A_54] : memref<2x512x64xf32, #tpu.memory_space<vmem>> -> memref<1x512x64xf32, #tpu.memory_space<vmem>>
    %dma_start3A_56 = tpu.memref_squeeze %dma_start3A_55 : memref<1x512x64xf32, #tpu.memory_space<vmem>> -> memref<512x64xf32, #tpu.memory_space<vmem>>
    %dma_start3A_57 = arith.constant 128 : i32
    %dma_start3A_58 = arith.constant 0 : i32
    %dma_start3A_59 = tpu.memref_slice %dma_start3A_56[%dma_start3A_57, %dma_start3A_58] : memref<512x64xf32, #tpu.memory_space<vmem>> -> memref<128x64xf32, #tpu.memory_space<vmem>>
    %dma_start3A_60 = arith.constant 0 : i32
    %dma_start3A_61 = tpu.memref_slice %arg5[%dma_start3A_51, %dma_start3A_60] : memref<80x128xi32, #tpu.memory_space<vmem>> -> memref<1x128xi32, #tpu.memory_space<vmem>>
    %dma_start3A_62 = tpu.memref_squeeze %dma_start3A_61 : memref<1x128xi32, #tpu.memory_space<vmem>> -> memref<128xi32, #tpu.memory_space<vmem>>
    %dma_start3A_63 = arith.constant 0 : i32
    %dma_start3A_64 = arith.constant 0 : i32
    %dma_start3A_65 = tpu.memref_slice %arg2[%dma_start3A_63, %dma_start3A_64] : memref<10000x64xf32, #tpu.memory_space<hbm>> -> memref<10000x64xf32, #tpu.memory_space<hbm>>
    tpu.enqueue_indirect_dma source(%dma_start3A_65 : memref<10000x64xf32, #tpu.memory_space<hbm>>) target(%dma_start3A_59 : memref<128x64xf32, #tpu.memory_space<vmem>>) offsets(%dma_start3A_62 : memref<128xi32, #tpu.memory_space<vmem>>) semaphore(%arg8 : memref<!tpu.dma_semaphore, #tpu.memory_space<semaphore_mem>>)
    %dma_start3A_66 = arith.constant 2 : i32
    %dma_start3A_67 = arith.constant 0 : i32
    %dma_start3A_68 = arith.constant 0 : i32
    %dma_start3A_69 = arith.constant 0 : i32
    %dma_start3A_70 = tpu.memref_slice %arg7[%dma_start3A_67, %dma_start3A_68, %dma_start3A_69] : memref<2x512x64xf32, #tpu.memory_space<vmem>> -> memref<1x512x64xf32, #tpu.memory_space<vmem>>
    %dma_start3A_71 = tpu.memref_squeeze %dma_start3A_70 : memref<1x512x64xf32, #tpu.memory_space<vmem>> -> memref<512x64xf32, #tpu.memory_space<vmem>>
    %dma_start3A_72 = arith.constant 256 : i32
    %dma_start3A_73 = arith.constant 0 : i32
    %dma_start3A_74 = tpu.memref_slice %dma_start3A_71[%dma_start3A_72, %dma_start3A_73] : memref<512x64xf32, #tpu.memory_space<vmem>> -> memref<128x64xf32, #tpu.memory_space<vmem>>
    %dma_start3A_75 = arith.constant 0 : i32
    %dma_start3A_76 = tpu.memref_slice %arg5[%dma_start3A_66, %dma_start3A_75] : memref<80x128xi32, #tpu.memory_space<vmem>> -> memref<1x128xi32, #tpu.memory_space<vmem>>
    %dma_start3A_77 = tpu.memref_squeeze %dma_start3A_76 : memref<1x128xi32, #tpu.memory_space<vmem>> -> memref<128xi32, #tpu.memory_space<vmem>>
    %dma_start3A_78 = arith.constant 0 : i32
    %dma_start3A_79 = arith.constant 0 : i32
    %dma_start3A_80 = tpu.memref_slice %arg2[%dma_start3A_78, %dma_start3A_79] : memref<10000x64xf32, #tpu.memory_space<hbm>> -> memref<10000x64xf32, #tpu.memory_space<hbm>>
    tpu.enqueue_indirect_dma source(%dma_start3A_80 : memref<10000x64xf32, #tpu.memory_space<hbm>>) target(%dma_start3A_74 : memref<128x64xf32, #tpu.memory_space<vmem>>) offsets(%dma_start3A_77 : memref<128xi32, #tpu.memory_space<vmem>>) semaphore(%arg8 : memref<!tpu.dma_semaphore, #tpu.memory_space<semaphore_mem>>)
    %dma_start3A_81 = arith.constant 3 : i32
    %dma_start3A_82 = arith.constant 0 : i32
    %dma_start3A_83 = arith.constant 0 : i32
    %dma_start3A_84 = arith.constant 0 : i32
    %dma_start3A_85 = tpu.memref_slice %arg7[%dma_start3A_82, %dma_start3A_83, %dma_start3A_84] : memref<2x512x64xf32, #tpu.memory_space<vmem>> -> memref<1x512x64xf32, #tpu.memory_space<vmem>>
    %dma_start3A_86 = tpu.memref_squeeze %dma_start3A_85 : memref<1x512x64xf32, #tpu.memory_space<vmem>> -> memref<512x64xf32, #tpu.memory_space<vmem>>
    %dma_start3A_87 = arith.constant 384 : i32
    %dma_start3A_88 = arith.constant 0 : i32
    %dma_start3A_89 = tpu.memref_slice %dma_start3A_86[%dma_start3A_87, %dma_start3A_88] : memref<512x64xf32, #tpu.memory_space<vmem>> -> memref<128x64xf32, #tpu.memory_space<vmem>>
    %dma_start3A_90 = arith.constant 0 : i32
    %dma_start3A_91 = tpu.memref_slice %arg5[%dma_start3A_81, %dma_start3A_90] : memref<80x128xi32, #tpu.memory_space<vmem>> -> memref<1x128xi32, #tpu.memory_space<vmem>>
    %dma_start3A_92 = tpu.memref_squeeze %dma_start3A_91 : memref<1x128xi32, #tpu.memory_space<vmem>> -> memref<128xi32, #tpu.memory_space<vmem>>
    %dma_start3A_93 = arith.constant 0 : i32
    %dma_start3A_94 = arith.constant 0 : i32
    %dma_start3A_95 = tpu.memref_slice %arg2[%dma_start3A_93, %dma_start3A_94] : memref<10000x64xf32, #tpu.memory_space<hbm>> -> memref<10000x64xf32, #tpu.memory_space<hbm>>
    tpu.enqueue_indirect_dma source(%dma_start3A_95 : memref<10000x64xf32, #tpu.memory_space<hbm>>) target(%dma_start3A_89 : memref<128x64xf32, #tpu.memory_space<vmem>>) offsets(%dma_start3A_92 : memref<128xi32, #tpu.memory_space<vmem>>) semaphore(%arg8 : memref<!tpu.dma_semaphore, #tpu.memory_space<semaphore_mem>>)
    %scan3A_96 = arith.constant 0 : i32
    %scan3A_97 = arith.constant 0 : i32
    %scan3A_98 = arith.constant 20 : i32
    %scan3A_99 = arith.addi %scan3A_97, %scan3A_98 : i32
    %scan3A_100 = arith.constant 1 : i32
    scf.for %scan3A_190 = %scan3A_97 to %scan3A_99 step %scan3A_100  : i32 {
      %rem3A = arith.constant 2 : i32
      %rem3A_191 = arith.remsi %scan3A_190, %rem3A : i32
      %sub3A = arith.constant 1 : i32
      %sub3A_192 = arith.subi %sub3A, %rem3A_191 : i32
      %dma_wait3A_193 = arith.constant 0 : i32
      %dma_wait3A_194 = arith.constant 0 : i32
      %dma_wait3A_195 = arith.constant 0 : i32
      %dma_wait3A_196 = tpu.memref_slice %arg7[%dma_wait3A_193, %dma_wait3A_194, %dma_wait3A_195] : memref<2x512x64xf32, #tpu.memory_space<vmem>> -> memref<1x512x64xf32, #tpu.memory_space<vmem>>
      %dma_wait3A_197 = tpu.memref_squeeze %dma_wait3A_196 : memref<1x512x64xf32, #tpu.memory_space<vmem>> -> memref<512x64xf32, #tpu.memory_space<vmem>>
      %dma_wait3A_198 = arith.constant 0 : i32
      %dma_wait3A_199 = arith.constant 0 : i32
      %dma_wait3A_200 = tpu.memref_slice %dma_wait3A_197[%dma_wait3A_198, %dma_wait3A_199] : memref<512x64xf32, #tpu.memory_space<vmem>> -> memref<128x64xf32, #tpu.memory_space<vmem>>
      %dma_wait3A_201 = arith.constant 0 : i32
      %dma_wait3A_202 = arith.constant 0 : i32
      %dma_wait3A_203 = tpu.memref_slice %arg2[%dma_wait3A_201, %dma_wait3A_202] : memref<10000x64xf32, #tpu.memory_space<hbm>> -> memref<128x64xf32, #tpu.memory_space<hbm>>
      %dma_wait3A_204 = arith.constant 0 : i32
      %dma_wait3A_205 = arith.constant 0 : i32
      %dma_wait3A_206 = tpu.memref_slice %arg7[%dma_wait3A_193, %dma_wait3A_204, %dma_wait3A_205] : memref<2x512x64xf32, #tpu.memory_space<vmem>> -> memref<1x512x64xf32, #tpu.memory_space<vmem>>
      %dma_wait3A_207 = tpu.memref_squeeze %dma_wait3A_206 : memref<1x512x64xf32, #tpu.memory_space<vmem>> -> memref<512x64xf32, #tpu.memory_space<vmem>>
      %dma_wait3A_208 = arith.constant 0 : i32
      %dma_wait3A_209 = arith.constant 0 : i32
      %dma_wait3A_210 = tpu.memref_slice %dma_wait3A_207[%dma_wait3A_208, %dma_wait3A_209] : memref<512x64xf32, #tpu.memory_space<vmem>> -> memref<128x64xf32, #tpu.memory_space<vmem>>
      %dma_wait3A_211 = arith.constant 0 : i32
      %dma_wait3A_212 = arith.constant 0 : i32
      %dma_wait3A_213 = tpu.memref_slice %arg2[%dma_wait3A_211, %dma_wait3A_212] : memref<10000x64xf32, #tpu.memory_space<hbm>> -> memref<128x64xf32, #tpu.memory_space<hbm>>
      tpu.wait_dma2 semaphore(%arg8 : memref<!tpu.dma_semaphore, #tpu.memory_space<semaphore_mem>>) src(%dma_wait3A_213 : memref<128x64xf32, #tpu.memory_space<hbm>>) dst(%dma_wait3A_210 : memref<128x64xf32, #tpu.memory_space<vmem>>)
      %dma_wait3A_214 = arith.constant 0 : i32
      %dma_wait3A_215 = arith.constant 0 : i32
      %dma_wait3A_216 = arith.constant 0 : i32
      %dma_wait3A_217 = tpu.memref_slice %arg7[%dma_wait3A_214, %dma_wait3A_215, %dma_wait3A_216] : memref<2x512x64xf32, #tpu.memory_space<vmem>> -> memref<1x512x64xf32, #tpu.memory_space<vmem>>
      %dma_wait3A_218 = tpu.memref_squeeze %dma_wait3A_217 : memref<1x512x64xf32, #tpu.memory_space<vmem>> -> memref<512x64xf32, #tpu.memory_space<vmem>>
      %dma_wait3A_219 = arith.constant 0 : i32
      %dma_wait3A_220 = arith.constant 0 : i32
      %dma_wait3A_221 = tpu.memref_slice %dma_wait3A_218[%dma_wait3A_219, %dma_wait3A_220] : memref<512x64xf32, #tpu.memory_space<vmem>> -> memref<128x64xf32, #tpu.memory_space<vmem>>
      %dma_wait3A_222 = arith.constant 0 : i32
      %dma_wait3A_223 = arith.constant 0 : i32
      %dma_wait3A_224 = tpu.memref_slice %arg2[%dma_wait3A_222, %dma_wait3A_223] : memref<10000x64xf32, #tpu.memory_space<hbm>> -> memref<128x64xf32, #tpu.memory_space<hbm>>
      %dma_wait3A_225 = arith.constant 0 : i32
      %dma_wait3A_226 = arith.constant 0 : i32
      %dma_wait3A_227 = tpu.memref_slice %arg7[%dma_wait3A_214, %dma_wait3A_225, %dma_wait3A_226] : memref<2x512x64xf32, #tpu.memory_space<vmem>> -> memref<1x512x64xf32, #tpu.memory_space<vmem>>
      %dma_wait3A_228 = tpu.memref_squeeze %dma_wait3A_227 : memref<1x512x64xf32, #tpu.memory_space<vmem>> -> memref<512x64xf32, #tpu.memory_space<vmem>>
      %dma_wait3A_229 = arith.constant 0 : i32
      %dma_wait3A_230 = arith.constant 0 : i32
      %dma_wait3A_231 = tpu.memref_slice %dma_wait3A_228[%dma_wait3A_229, %dma_wait3A_230] : memref<512x64xf32, #tpu.memory_space<vmem>> -> memref<128x64xf32, #tpu.memory_space<vmem>>
      %dma_wait3A_232 = arith.constant 0 : i32
      %dma_wait3A_233 = arith.constant 0 : i32
      %dma_wait3A_234 = tpu.memref_slice %arg2[%dma_wait3A_232, %dma_wait3A_233] : memref<10000x64xf32, #tpu.memory_space<hbm>> -> memref<128x64xf32, #tpu.memory_space<hbm>>
      tpu.wait_dma2 semaphore(%arg8 : memref<!tpu.dma_semaphore, #tpu.memory_space<semaphore_mem>>) src(%dma_wait3A_234 : memref<128x64xf32, #tpu.memory_space<hbm>>) dst(%dma_wait3A_231 : memref<128x64xf32, #tpu.memory_space<vmem>>)
      %dma_wait3A_235 = arith.constant 0 : i32
      %dma_wait3A_236 = arith.constant 0 : i32
      %dma_wait3A_237 = arith.constant 0 : i32
      %dma_wait3A_238 = tpu.memref_slice %arg7[%dma_wait3A_235, %dma_wait3A_236, %dma_wait3A_237] : memref<2x512x64xf32, #tpu.memory_space<vmem>> -> memref<1x512x64xf32, #tpu.memory_space<vmem>>
      %dma_wait3A_239 = tpu.memref_squeeze %dma_wait3A_238 : memref<1x512x64xf32, #tpu.memory_space<vmem>> -> memref<512x64xf32, #tpu.memory_space<vmem>>
      %dma_wait3A_240 = arith.constant 0 : i32
      %dma_wait3A_241 = arith.constant 0 : i32
      %dma_wait3A_242 = tpu.memref_slice %dma_wait3A_239[%dma_wait3A_240, %dma_wait3A_241] : memref<512x64xf32, #tpu.memory_space<vmem>> -> memref<128x64xf32, #tpu.memory_space<vmem>>
      %dma_wait3A_243 = arith.constant 0 : i32
      %dma_wait3A_244 = arith.constant 0 : i32
      %dma_wait3A_245 = tpu.memref_slice %arg2[%dma_wait3A_243, %dma_wait3A_244] : memref<10000x64xf32, #tpu.memory_space<hbm>> -> memref<128x64xf32, #tpu.memory_space<hbm>>
      %dma_wait3A_246 = arith.constant 0 : i32
      %dma_wait3A_247 = arith.constant 0 : i32
      %dma_wait3A_248 = tpu.memref_slice %arg7[%dma_wait3A_235, %dma_wait3A_246, %dma_wait3A_247] : memref<2x512x64xf32, #tpu.memory_space<vmem>> -> memref<1x512x64xf32, #tpu.memory_space<vmem>>
      %dma_wait3A_249 = tpu.memref_squeeze %dma_wait3A_248 : memref<1x512x64xf32, #tpu.memory_space<vmem>> -> memref<512x64xf32, #tpu.memory_space<vmem>>
      %dma_wait3A_250 = arith.constant 0 : i32
      %dma_wait3A_251 = arith.constant 0 : i32
      %dma_wait3A_252 = tpu.memref_slice %dma_wait3A_249[%dma_wait3A_250, %dma_wait3A_251] : memref<512x64xf32, #tpu.memory_space<vmem>> -> memref<128x64xf32, #tpu.memory_space<vmem>>
      %dma_wait3A_253 = arith.constant 0 : i32
      %dma_wait3A_254 = arith.constant 0 : i32
      %dma_wait3A_255 = tpu.memref_slice %arg2[%dma_wait3A_253, %dma_wait3A_254] : memref<10000x64xf32, #tpu.memory_space<hbm>> -> memref<128x64xf32, #tpu.memory_space<hbm>>
      tpu.wait_dma2 semaphore(%arg8 : memref<!tpu.dma_semaphore, #tpu.memory_space<semaphore_mem>>) src(%dma_wait3A_255 : memref<128x64xf32, #tpu.memory_space<hbm>>) dst(%dma_wait3A_252 : memref<128x64xf32, #tpu.memory_space<vmem>>)
      %dma_wait3A_256 = arith.constant 0 : i32
      %dma_wait3A_257 = arith.constant 0 : i32
      %dma_wait3A_258 = arith.constant 0 : i32
      %dma_wait3A_259 = tpu.memref_slice %arg7[%dma_wait3A_256, %dma_wait3A_257, %dma_wait3A_258] : memref<2x512x64xf32, #tpu.memory_space<vmem>> -> memref<1x512x64xf32, #tpu.memory_space<vmem>>
      %dma_wait3A_260 = tpu.memref_squeeze %dma_wait3A_259 : memref<1x512x64xf32, #tpu.memory_space<vmem>> -> memref<512x64xf32, #tpu.memory_space<vmem>>
      %dma_wait3A_261 = arith.constant 0 : i32
      %dma_wait3A_262 = arith.constant 0 : i32
      %dma_wait3A_263 = tpu.memref_slice %dma_wait3A_260[%dma_wait3A_261, %dma_wait3A_262] : memref<512x64xf32, #tpu.memory_space<vmem>> -> memref<128x64xf32, #tpu.memory_space<vmem>>
      %dma_wait3A_264 = arith.constant 0 : i32
      %dma_wait3A_265 = arith.constant 0 : i32
      %dma_wait3A_266 = tpu.memref_slice %arg2[%dma_wait3A_264, %dma_wait3A_265] : memref<10000x64xf32, #tpu.memory_space<hbm>> -> memref<128x64xf32, #tpu.memory_space<hbm>>
      %dma_wait3A_267 = arith.constant 0 : i32
      %dma_wait3A_268 = arith.constant 0 : i32
      %dma_wait3A_269 = tpu.memref_slice %arg7[%dma_wait3A_256, %dma_wait3A_267, %dma_wait3A_268] : memref<2x512x64xf32, #tpu.memory_space<vmem>> -> memref<1x512x64xf32, #tpu.memory_space<vmem>>
      %dma_wait3A_270 = tpu.memref_squeeze %dma_wait3A_269 : memref<1x512x64xf32, #tpu.memory_space<vmem>> -> memref<512x64xf32, #tpu.memory_space<vmem>>
      %dma_wait3A_271 = arith.constant 0 : i32
      %dma_wait3A_272 = arith.constant 0 : i32
      %dma_wait3A_273 = tpu.memref_slice %dma_wait3A_270[%dma_wait3A_271, %dma_wait3A_272] : memref<512x64xf32, #tpu.memory_space<vmem>> -> memref<128x64xf32, #tpu.memory_space<vmem>>
      %dma_wait3A_274 = arith.constant 0 : i32
      %dma_wait3A_275 = arith.constant 0 : i32
      %dma_wait3A_276 = tpu.memref_slice %arg2[%dma_wait3A_274, %dma_wait3A_275] : memref<10000x64xf32, #tpu.memory_space<hbm>> -> memref<128x64xf32, #tpu.memory_space<hbm>>
      tpu.wait_dma2 semaphore(%arg8 : memref<!tpu.dma_semaphore, #tpu.memory_space<semaphore_mem>>) src(%dma_wait3A_276 : memref<128x64xf32, #tpu.memory_space<hbm>>) dst(%dma_wait3A_273 : memref<128x64xf32, #tpu.memory_space<vmem>>)
      %mul3A_277 = arith.constant 4 : i32
      %mul3A_278 = arith.muli %scan3A_190, %mul3A_277 : i32
      %add3A_279 = arith.constant 0 : i32
      %add3A_280 = arith.addi %mul3A_278, %add3A_279 : i32
      %dma_start3A_281 = arith.constant 0 : i32
      %dma_start3A_282 = arith.constant 0 : i32
      %dma_start3A_283 = tpu.memref_slice %arg7[%rem3A_191, %dma_start3A_281, %dma_start3A_282] : memref<2x512x64xf32, #tpu.memory_space<vmem>> -> memref<1x512x64xf32, #tpu.memory_space<vmem>>
      %dma_start3A_284 = tpu.memref_squeeze %dma_start3A_283 : memref<1x512x64xf32, #tpu.memory_space<vmem>> -> memref<512x64xf32, #tpu.memory_space<vmem>>
      %dma_start3A_285 = arith.constant 0 : i32
      %dma_start3A_286 = arith.constant 0 : i32
      %dma_start3A_287 = tpu.memref_slice %dma_start3A_284[%dma_start3A_285, %dma_start3A_286] : memref<512x64xf32, #tpu.memory_space<vmem>> -> memref<128x64xf32, #tpu.memory_space<vmem>>
      %dma_start3A_288 = arith.constant 0 : i32
      %dma_start3A_289 = tpu.memref_slice %arg6[%add3A_280, %dma_start3A_288] : memref<80x128xi32, #tpu.memory_space<vmem>> -> memref<1x128xi32, #tpu.memory_space<vmem>>
      %dma_start3A_290 = tpu.memref_squeeze %dma_start3A_289 : memref<1x128xi32, #tpu.memory_space<vmem>> -> memref<128xi32, #tpu.memory_space<vmem>>
      %dma_start3A_291 = arith.constant 0 : i32
      %dma_start3A_292 = arith.constant 0 : i32
      %dma_start3A_293 = tpu.memref_slice %arg10[%dma_start3A_291, %dma_start3A_292] : memref<10240x64xf32, #tpu.memory_space<vmem_shared>> -> memref<10240x64xf32, #tpu.memory_space<vmem_shared>>
      tpu.enqueue_indirect_dma source(%dma_start3A_287 : memref<128x64xf32, #tpu.memory_space<vmem>>) target(%dma_start3A_293 : memref<10240x64xf32, #tpu.memory_space<vmem_shared>>) offsets(%dma_start3A_290 : memref<128xi32, #tpu.memory_space<vmem>>) semaphore(%arg9 : memref<!tpu.dma_semaphore, #tpu.memory_space<semaphore_mem>>) {add = true}
      %mul3A_294 = arith.constant 4 : i32
      %mul3A_295 = arith.muli %scan3A_190, %mul3A_294 : i32
      %add3A_296 = arith.constant 1 : i32
      %add3A_297 = arith.addi %mul3A_295, %add3A_296 : i32
      %dma_start3A_298 = arith.constant 0 : i32
      %dma_start3A_299 = arith.constant 0 : i32
      %dma_start3A_300 = tpu.memref_slice %arg7[%rem3A_191, %dma_start3A_298, %dma_start3A_299] : memref<2x512x64xf32, #tpu.memory_space<vmem>> -> memref<1x512x64xf32, #tpu.memory_space<vmem>>
      %dma_start3A_301 = tpu.memref_squeeze %dma_start3A_300 : memref<1x512x64xf32, #tpu.memory_space<vmem>> -> memref<512x64xf32, #tpu.memory_space<vmem>>
      %dma_start3A_302 = arith.constant 128 : i32
      %dma_start3A_303 = arith.constant 0 : i32
      %dma_start3A_304 = tpu.memref_slice %dma_start3A_301[%dma_start3A_302, %dma_start3A_303] : memref<512x64xf32, #tpu.memory_space<vmem>> -> memref<128x64xf32, #tpu.memory_space<vmem>>
      %dma_start3A_305 = arith.constant 0 : i32
      %dma_start3A_306 = tpu.memref_slice %arg6[%add3A_297, %dma_start3A_305] : memref<80x128xi32, #tpu.memory_space<vmem>> -> memref<1x128xi32, #tpu.memory_space<vmem>>
      %dma_start3A_307 = tpu.memref_squeeze %dma_start3A_306 : memref<1x128xi32, #tpu.memory_space<vmem>> -> memref<128xi32, #tpu.memory_space<vmem>>
      %dma_start3A_308 = arith.constant 0 : i32
      %dma_start3A_309 = arith.constant 0 : i32
      %dma_start3A_310 = tpu.memref_slice %arg10[%dma_start3A_308, %dma_start3A_309] : memref<10240x64xf32, #tpu.memory_space<vmem_shared>> -> memref<10240x64xf32, #tpu.memory_space<vmem_shared>>
      tpu.enqueue_indirect_dma source(%dma_start3A_304 : memref<128x64xf32, #tpu.memory_space<vmem>>) target(%dma_start3A_310 : memref<10240x64xf32, #tpu.memory_space<vmem_shared>>) offsets(%dma_start3A_307 : memref<128xi32, #tpu.memory_space<vmem>>) semaphore(%arg9 : memref<!tpu.dma_semaphore, #tpu.memory_space<semaphore_mem>>) {add = true}
      %mul3A_311 = arith.constant 4 : i32
      %mul3A_312 = arith.muli %scan3A_190, %mul3A_311 : i32
      %add3A_313 = arith.constant 2 : i32
      %add3A_314 = arith.addi %mul3A_312, %add3A_313 : i32
      %dma_start3A_315 = arith.constant 0 : i32
      %dma_start3A_316 = arith.constant 0 : i32
      %dma_start3A_317 = tpu.memref_slice %arg7[%rem3A_191, %dma_start3A_315, %dma_start3A_316] : memref<2x512x64xf32, #tpu.memory_space<vmem>> -> memref<1x512x64xf32, #tpu.memory_space<vmem>>
      %dma_start3A_318 = tpu.memref_squeeze %dma_start3A_317 : memref<1x512x64xf32, #tpu.memory_space<vmem>> -> memref<512x64xf32, #tpu.memory_space<vmem>>
      %dma_start3A_319 = arith.constant 256 : i32
      %dma_start3A_320 = arith.constant 0 : i32
      %dma_start3A_321 = tpu.memref_slice %dma_start3A_318[%dma_start3A_319, %dma_start3A_320] : memref<512x64xf32, #tpu.memory_space<vmem>> -> memref<128x64xf32, #tpu.memory_space<vmem>>
      %dma_start3A_322 = arith.constant 0 : i32
      %dma_start3A_323 = tpu.memref_slice %arg6[%add3A_314, %dma_start3A_322] : memref<80x128xi32, #tpu.memory_space<vmem>> -> memref<1x128xi32, #tpu.memory_space<vmem>>
      %dma_start3A_324 = tpu.memref_squeeze %dma_start3A_323 : memref<1x128xi32, #tpu.memory_space<vmem>> -> memref<128xi32, #tpu.memory_space<vmem>>
      %dma_start3A_325 = arith.constant 0 : i32
      %dma_start3A_326 = arith.constant 0 : i32
      %dma_start3A_327 = tpu.memref_slice %arg10[%dma_start3A_325, %dma_start3A_326] : memref<10240x64xf32, #tpu.memory_space<vmem_shared>> -> memref<10240x64xf32, #tpu.memory_space<vmem_shared>>
      tpu.enqueue_indirect_dma source(%dma_start3A_321 : memref<128x64xf32, #tpu.memory_space<vmem>>) target(%dma_start3A_327 : memref<10240x64xf32, #tpu.memory_space<vmem_shared>>) offsets(%dma_start3A_324 : memref<128xi32, #tpu.memory_space<vmem>>) semaphore(%arg9 : memref<!tpu.dma_semaphore, #tpu.memory_space<semaphore_mem>>) {add = true}
      %mul3A_328 = arith.constant 4 : i32
      %mul3A_329 = arith.muli %scan3A_190, %mul3A_328 : i32
      %add3A_330 = arith.constant 3 : i32
      %add3A_331 = arith.addi %mul3A_329, %add3A_330 : i32
      %dma_start3A_332 = arith.constant 0 : i32
      %dma_start3A_333 = arith.constant 0 : i32
      %dma_start3A_334 = tpu.memref_slice %arg7[%rem3A_191, %dma_start3A_332, %dma_start3A_333] : memref<2x512x64xf32, #tpu.memory_space<vmem>> -> memref<1x512x64xf32, #tpu.memory_space<vmem>>
      %dma_start3A_335 = tpu.memref_squeeze %dma_start3A_334 : memref<1x512x64xf32, #tpu.memory_space<vmem>> -> memref<512x64xf32, #tpu.memory_space<vmem>>
      %dma_start3A_336 = arith.constant 384 : i32
      %dma_start3A_337 = arith.constant 0 : i32
      %dma_start3A_338 = tpu.memref_slice %dma_start3A_335[%dma_start3A_336, %dma_start3A_337] : memref<512x64xf32, #tpu.memory_space<vmem>> -> memref<128x64xf32, #tpu.memory_space<vmem>>
      %dma_start3A_339 = arith.constant 0 : i32
      %dma_start3A_340 = tpu.memref_slice %arg6[%add3A_331, %dma_start3A_339] : memref<80x128xi32, #tpu.memory_space<vmem>> -> memref<1x128xi32, #tpu.memory_space<vmem>>
      %dma_start3A_341 = tpu.memref_squeeze %dma_start3A_340 : memref<1x128xi32, #tpu.memory_space<vmem>> -> memref<128xi32, #tpu.memory_space<vmem>>
      %dma_start3A_342 = arith.constant 0 : i32
      %dma_start3A_343 = arith.constant 0 : i32
      %dma_start3A_344 = tpu.memref_slice %arg10[%dma_start3A_342, %dma_start3A_343] : memref<10240x64xf32, #tpu.memory_space<vmem_shared>> -> memref<10240x64xf32, #tpu.memory_space<vmem_shared>>
      tpu.enqueue_indirect_dma source(%dma_start3A_338 : memref<128x64xf32, #tpu.memory_space<vmem>>) target(%dma_start3A_344 : memref<10240x64xf32, #tpu.memory_space<vmem_shared>>) offsets(%dma_start3A_341 : memref<128xi32, #tpu.memory_space<vmem>>) semaphore(%arg9 : memref<!tpu.dma_semaphore, #tpu.memory_space<semaphore_mem>>) {add = true}
      %add3A_345 = arith.constant 1 : i32
      %add3A_346 = arith.addi %scan3A_190, %add3A_345 : i32
      %min3A = arith.constant 19 : i32
      %min3A_347 = arith.minsi %add3A_346, %min3A : i32
      %mul3A_348 = arith.constant 4 : i32
      %mul3A_349 = arith.muli %min3A_347, %mul3A_348 : i32
      %add3A_350 = arith.constant 0 : i32
      %add3A_351 = arith.addi %mul3A_349, %add3A_350 : i32
      %dma_start3A_352 = arith.constant 0 : i32
      %dma_start3A_353 = arith.constant 0 : i32
      %dma_start3A_354 = tpu.memref_slice %arg7[%sub3A_192, %dma_start3A_352, %dma_start3A_353] : memref<2x512x64xf32, #tpu.memory_space<vmem>> -> memref<1x512x64xf32, #tpu.memory_space<vmem>>
      %dma_start3A_355 = tpu.memref_squeeze %dma_start3A_354 : memref<1x512x64xf32, #tpu.memory_space<vmem>> -> memref<512x64xf32, #tpu.memory_space<vmem>>
      %dma_start3A_356 = arith.constant 0 : i32
      %dma_start3A_357 = arith.constant 0 : i32
      %dma_start3A_358 = tpu.memref_slice %dma_start3A_355[%dma_start3A_356, %dma_start3A_357] : memref<512x64xf32, #tpu.memory_space<vmem>> -> memref<128x64xf32, #tpu.memory_space<vmem>>
      %dma_start3A_359 = arith.constant 0 : i32
      %dma_start3A_360 = tpu.memref_slice %arg5[%add3A_351, %dma_start3A_359] : memref<80x128xi32, #tpu.memory_space<vmem>> -> memref<1x128xi32, #tpu.memory_space<vmem>>
      %dma_start3A_361 = tpu.memref_squeeze %dma_start3A_360 : memref<1x128xi32, #tpu.memory_space<vmem>> -> memref<128xi32, #tpu.memory_space<vmem>>
      %dma_start3A_362 = arith.constant 0 : i32
      %dma_start3A_363 = arith.constant 0 : i32
      %dma_start3A_364 = tpu.memref_slice %arg2[%dma_start3A_362, %dma_start3A_363] : memref<10000x64xf32, #tpu.memory_space<hbm>> -> memref<10000x64xf32, #tpu.memory_space<hbm>>
      tpu.enqueue_indirect_dma source(%dma_start3A_364 : memref<10000x64xf32, #tpu.memory_space<hbm>>) target(%dma_start3A_358 : memref<128x64xf32, #tpu.memory_space<vmem>>) offsets(%dma_start3A_361 : memref<128xi32, #tpu.memory_space<vmem>>) semaphore(%arg8 : memref<!tpu.dma_semaphore, #tpu.memory_space<semaphore_mem>>)
      %mul3A_365 = arith.constant 4 : i32
      %mul3A_366 = arith.muli %min3A_347, %mul3A_365 : i32
      %add3A_367 = arith.constant 1 : i32
      %add3A_368 = arith.addi %mul3A_366, %add3A_367 : i32
      %dma_start3A_369 = arith.constant 0 : i32
      %dma_start3A_370 = arith.constant 0 : i32
      %dma_start3A_371 = tpu.memref_slice %arg7[%sub3A_192, %dma_start3A_369, %dma_start3A_370] : memref<2x512x64xf32, #tpu.memory_space<vmem>> -> memref<1x512x64xf32, #tpu.memory_space<vmem>>
      %dma_start3A_372 = tpu.memref_squeeze %dma_start3A_371 : memref<1x512x64xf32, #tpu.memory_space<vmem>> -> memref<512x64xf32, #tpu.memory_space<vmem>>
      %dma_start3A_373 = arith.constant 128 : i32
      %dma_start3A_374 = arith.constant 0 : i32
      %dma_start3A_375 = tpu.memref_slice %dma_start3A_372[%dma_start3A_373, %dma_start3A_374] : memref<512x64xf32, #tpu.memory_space<vmem>> -> memref<128x64xf32, #tpu.memory_space<vmem>>
      %dma_start3A_376 = arith.constant 0 : i32
      %dma_start3A_377 = tpu.memref_slice %arg5[%add3A_368, %dma_start3A_376] : memref<80x128xi32, #tpu.memory_space<vmem>> -> memref<1x128xi32, #tpu.memory_space<vmem>>
      %dma_start3A_378 = tpu.memref_squeeze %dma_start3A_377 : memref<1x128xi32, #tpu.memory_space<vmem>> -> memref<128xi32, #tpu.memory_space<vmem>>
      %dma_start3A_379 = arith.constant 0 : i32
      %dma_start3A_380 = arith.constant 0 : i32
      %dma_start3A_381 = tpu.memref_slice %arg2[%dma_start3A_379, %dma_start3A_380] : memref<10000x64xf32, #tpu.memory_space<hbm>> -> memref<10000x64xf32, #tpu.memory_space<hbm>>
      tpu.enqueue_indirect_dma source(%dma_start3A_381 : memref<10000x64xf32, #tpu.memory_space<hbm>>) target(%dma_start3A_375 : memref<128x64xf32, #tpu.memory_space<vmem>>) offsets(%dma_start3A_378 : memref<128xi32, #tpu.memory_space<vmem>>) semaphore(%arg8 : memref<!tpu.dma_semaphore, #tpu.memory_space<semaphore_mem>>)
      %mul3A_382 = arith.constant 4 : i32
      %mul3A_383 = arith.muli %min3A_347, %mul3A_382 : i32
      %add3A_384 = arith.constant 2 : i32
      %add3A_385 = arith.addi %mul3A_383, %add3A_384 : i32
      %dma_start3A_386 = arith.constant 0 : i32
      %dma_start3A_387 = arith.constant 0 : i32
      %dma_start3A_388 = tpu.memref_slice %arg7[%sub3A_192, %dma_start3A_386, %dma_start3A_387] : memref<2x512x64xf32, #tpu.memory_space<vmem>> -> memref<1x512x64xf32, #tpu.memory_space<vmem>>
      %dma_start3A_389 = tpu.memref_squeeze %dma_start3A_388 : memref<1x512x64xf32, #tpu.memory_space<vmem>> -> memref<512x64xf32, #tpu.memory_space<vmem>>
      %dma_start3A_390 = arith.constant 256 : i32
      %dma_start3A_391 = arith.constant 0 : i32
      %dma_start3A_392 = tpu.memref_slice %dma_start3A_389[%dma_start3A_390, %dma_start3A_391] : memref<512x64xf32, #tpu.memory_space<vmem>> -> memref<128x64xf32, #tpu.memory_space<vmem>>
      %dma_start3A_393 = arith.constant 0 : i32
      %dma_start3A_394 = tpu.memref_slice %arg5[%add3A_385, %dma_start3A_393] : memref<80x128xi32, #tpu.memory_space<vmem>> -> memref<1x128xi32, #tpu.memory_space<vmem>>
      %dma_start3A_395 = tpu.memref_squeeze %dma_start3A_394 : memref<1x128xi32, #tpu.memory_space<vmem>> -> memref<128xi32, #tpu.memory_space<vmem>>
      %dma_start3A_396 = arith.constant 0 : i32
      %dma_start3A_397 = arith.constant 0 : i32
      %dma_start3A_398 = tpu.memref_slice %arg2[%dma_start3A_396, %dma_start3A_397] : memref<10000x64xf32, #tpu.memory_space<hbm>> -> memref<10000x64xf32, #tpu.memory_space<hbm>>
      tpu.enqueue_indirect_dma source(%dma_start3A_398 : memref<10000x64xf32, #tpu.memory_space<hbm>>) target(%dma_start3A_392 : memref<128x64xf32, #tpu.memory_space<vmem>>) offsets(%dma_start3A_395 : memref<128xi32, #tpu.memory_space<vmem>>) semaphore(%arg8 : memref<!tpu.dma_semaphore, #tpu.memory_space<semaphore_mem>>)
      %mul3A_399 = arith.constant 4 : i32
      %mul3A_400 = arith.muli %min3A_347, %mul3A_399 : i32
      %add3A_401 = arith.constant 3 : i32
      %add3A_402 = arith.addi %mul3A_400, %add3A_401 : i32
      %dma_start3A_403 = arith.constant 0 : i32
      %dma_start3A_404 = arith.constant 0 : i32
      %dma_start3A_405 = tpu.memref_slice %arg7[%sub3A_192, %dma_start3A_403, %dma_start3A_404] : memref<2x512x64xf32, #tpu.memory_space<vmem>> -> memref<1x512x64xf32, #tpu.memory_space<vmem>>
      %dma_start3A_406 = tpu.memref_squeeze %dma_start3A_405 : memref<1x512x64xf32, #tpu.memory_space<vmem>> -> memref<512x64xf32, #tpu.memory_space<vmem>>
      %dma_start3A_407 = arith.constant 384 : i32
      %dma_start3A_408 = arith.constant 0 : i32
      %dma_start3A_409 = tpu.memref_slice %dma_start3A_406[%dma_start3A_407, %dma_start3A_408] : memref<512x64xf32, #tpu.memory_space<vmem>> -> memref<128x64xf32, #tpu.memory_space<vmem>>
      %dma_start3A_410 = arith.constant 0 : i32
      %dma_start3A_411 = tpu.memref_slice %arg5[%add3A_402, %dma_start3A_410] : memref<80x128xi32, #tpu.memory_space<vmem>> -> memref<1x128xi32, #tpu.memory_space<vmem>>
      %dma_start3A_412 = tpu.memref_squeeze %dma_start3A_411 : memref<1x128xi32, #tpu.memory_space<vmem>> -> memref<128xi32, #tpu.memory_space<vmem>>
      %dma_start3A_413 = arith.constant 0 : i32
      %dma_start3A_414 = arith.constant 0 : i32
      %dma_start3A_415 = tpu.memref_slice %arg2[%dma_start3A_413, %dma_start3A_414] : memref<10000x64xf32, #tpu.memory_space<hbm>> -> memref<10000x64xf32, #tpu.memory_space<hbm>>
      tpu.enqueue_indirect_dma source(%dma_start3A_415 : memref<10000x64xf32, #tpu.memory_space<hbm>>) target(%dma_start3A_409 : memref<128x64xf32, #tpu.memory_space<vmem>>) offsets(%dma_start3A_412 : memref<128xi32, #tpu.memory_space<vmem>>) semaphore(%arg8 : memref<!tpu.dma_semaphore, #tpu.memory_space<semaphore_mem>>)
      %dma_wait3A_416 = arith.constant 0 : i32
      %dma_wait3A_417 = arith.constant 0 : i32
      %dma_wait3A_418 = arith.constant 0 : i32
      %dma_wait3A_419 = tpu.memref_slice %arg7[%dma_wait3A_416, %dma_wait3A_417, %dma_wait3A_418] : memref<2x512x64xf32, #tpu.memory_space<vmem>> -> memref<1x512x64xf32, #tpu.memory_space<vmem>>
      %dma_wait3A_420 = tpu.memref_squeeze %dma_wait3A_419 : memref<1x512x64xf32, #tpu.memory_space<vmem>> -> memref<512x64xf32, #tpu.memory_space<vmem>>
      %dma_wait3A_421 = arith.constant 0 : i32
      %dma_wait3A_422 = arith.constant 0 : i32
      %dma_wait3A_423 = tpu.memref_slice %dma_wait3A_420[%dma_wait3A_421, %dma_wait3A_422] : memref<512x64xf32, #tpu.memory_space<vmem>> -> memref<128x64xf32, #tpu.memory_space<vmem>>
      %dma_wait3A_424 = arith.constant 0 : i32
      %dma_wait3A_425 = arith.constant 0 : i32
      %dma_wait3A_426 = tpu.memref_slice %arg2[%dma_wait3A_424, %dma_wait3A_425] : memref<10000x64xf32, #tpu.memory_space<hbm>> -> memref<128x64xf32, #tpu.memory_space<hbm>>
      %dma_wait3A_427 = arith.constant 0 : i32
      %dma_wait3A_428 = arith.constant 0 : i32
      %dma_wait3A_429 = tpu.memref_slice %arg7[%dma_wait3A_416, %dma_wait3A_427, %dma_wait3A_428] : memref<2x512x64xf32, #tpu.memory_space<vmem>> -> memref<1x512x64xf32, #tpu.memory_space<vmem>>
      %dma_wait3A_430 = tpu.memref_squeeze %dma_wait3A_429 : memref<1x512x64xf32, #tpu.memory_space<vmem>> -> memref<512x64xf32, #tpu.memory_space<vmem>>
      %dma_wait3A_431 = arith.constant 0 : i32
      %dma_wait3A_432 = arith.constant 0 : i32
      %dma_wait3A_433 = tpu.memref_slice %dma_wait3A_430[%dma_wait3A_431, %dma_wait3A_432] : memref<512x64xf32, #tpu.memory_space<vmem>> -> memref<128x64xf32, #tpu.memory_space<vmem>>
      %dma_wait3A_434 = arith.constant 0 : i32
      %dma_wait3A_435 = arith.constant 0 : i32
      %dma_wait3A_436 = tpu.memref_slice %arg2[%dma_wait3A_434, %dma_wait3A_435] : memref<10000x64xf32, #tpu.memory_space<hbm>> -> memref<128x64xf32, #tpu.memory_space<hbm>>
      tpu.wait_dma2 semaphore(%arg9 : memref<!tpu.dma_semaphore, #tpu.memory_space<semaphore_mem>>) src(%dma_wait3A_436 : memref<128x64xf32, #tpu.memory_space<hbm>>) dst(%dma_wait3A_433 : memref<128x64xf32, #tpu.memory_space<vmem>>)
      %dma_wait3A_437 = arith.constant 0 : i32
      %dma_wait3A_438 = arith.constant 0 : i32
      %dma_wait3A_439 = arith.constant 0 : i32
      %dma_wait3A_440 = tpu.memref_slice %arg7[%dma_wait3A_437, %dma_wait3A_438, %dma_wait3A_439] : memref<2x512x64xf32, #tpu.memory_space<vmem>> -> memref<1x512x64xf32, #tpu.memory_space<vmem>>
      %dma_wait3A_441 = tpu.memref_squeeze %dma_wait3A_440 : memref<1x512x64xf32, #tpu.memory_space<vmem>> -> memref<512x64xf32, #tpu.memory_space<vmem>>
      %dma_wait3A_442 = arith.constant 0 : i32
      %dma_wait3A_443 = arith.constant 0 : i32
      %dma_wait3A_444 = tpu.memref_slice %dma_wait3A_441[%dma_wait3A_442, %dma_wait3A_443] : memref<512x64xf32, #tpu.memory_space<vmem>> -> memref<128x64xf32, #tpu.memory_space<vmem>>
      %dma_wait3A_445 = arith.constant 0 : i32
      %dma_wait3A_446 = arith.constant 0 : i32
      %dma_wait3A_447 = tpu.memref_slice %arg2[%dma_wait3A_445, %dma_wait3A_446] : memref<10000x64xf32, #tpu.memory_space<hbm>> -> memref<128x64xf32, #tpu.memory_space<hbm>>
      %dma_wait3A_448 = arith.constant 0 : i32
      %dma_wait3A_449 = arith.constant 0 : i32
      %dma_wait3A_450 = tpu.memref_slice %arg7[%dma_wait3A_437, %dma_wait3A_448, %dma_wait3A_449] : memref<2x512x64xf32, #tpu.memory_space<vmem>> -> memref<1x512x64xf32, #tpu.memory_space<vmem>>
      %dma_wait3A_451 = tpu.memref_squeeze %dma_wait3A_450 : memref<1x512x64xf32, #tpu.memory_space<vmem>> -> memref<512x64xf32, #tpu.memory_space<vmem>>
      %dma_wait3A_452 = arith.constant 0 : i32
      %dma_wait3A_453 = arith.constant 0 : i32
      %dma_wait3A_454 = tpu.memref_slice %dma_wait3A_451[%dma_wait3A_452, %dma_wait3A_453] : memref<512x64xf32, #tpu.memory_space<vmem>> -> memref<128x64xf32, #tpu.memory_space<vmem>>
      %dma_wait3A_455 = arith.constant 0 : i32
      %dma_wait3A_456 = arith.constant 0 : i32
      %dma_wait3A_457 = tpu.memref_slice %arg2[%dma_wait3A_455, %dma_wait3A_456] : memref<10000x64xf32, #tpu.memory_space<hbm>> -> memref<128x64xf32, #tpu.memory_space<hbm>>
      tpu.wait_dma2 semaphore(%arg9 : memref<!tpu.dma_semaphore, #tpu.memory_space<semaphore_mem>>) src(%dma_wait3A_457 : memref<128x64xf32, #tpu.memory_space<hbm>>) dst(%dma_wait3A_454 : memref<128x64xf32, #tpu.memory_space<vmem>>)
      %dma_wait3A_458 = arith.constant 0 : i32
      %dma_wait3A_459 = arith.constant 0 : i32
      %dma_wait3A_460 = arith.constant 0 : i32
      %dma_wait3A_461 = tpu.memref_slice %arg7[%dma_wait3A_458, %dma_wait3A_459, %dma_wait3A_460] : memref<2x512x64xf32, #tpu.memory_space<vmem>> -> memref<1x512x64xf32, #tpu.memory_space<vmem>>
      %dma_wait3A_462 = tpu.memref_squeeze %dma_wait3A_461 : memref<1x512x64xf32, #tpu.memory_space<vmem>> -> memref<512x64xf32, #tpu.memory_space<vmem>>
      %dma_wait3A_463 = arith.constant 0 : i32
      %dma_wait3A_464 = arith.constant 0 : i32
      %dma_wait3A_465 = tpu.memref_slice %dma_wait3A_462[%dma_wait3A_463, %dma_wait3A_464] : memref<512x64xf32, #tpu.memory_space<vmem>> -> memref<128x64xf32, #tpu.memory_space<vmem>>
      %dma_wait3A_466 = arith.constant 0 : i32
      %dma_wait3A_467 = arith.constant 0 : i32
      %dma_wait3A_468 = tpu.memref_slice %arg2[%dma_wait3A_466, %dma_wait3A_467] : memref<10000x64xf32, #tpu.memory_space<hbm>> -> memref<128x64xf32, #tpu.memory_space<hbm>>
      %dma_wait3A_469 = arith.constant 0 : i32
      %dma_wait3A_470 = arith.constant 0 : i32
      %dma_wait3A_471 = tpu.memref_slice %arg7[%dma_wait3A_458, %dma_wait3A_469, %dma_wait3A_470] : memref<2x512x64xf32, #tpu.memory_space<vmem>> -> memref<1x512x64xf32, #tpu.memory_space<vmem>>
      %dma_wait3A_472 = tpu.memref_squeeze %dma_wait3A_471 : memref<1x512x64xf32, #tpu.memory_space<vmem>> -> memref<512x64xf32, #tpu.memory_space<vmem>>
      %dma_wait3A_473 = arith.constant 0 : i32
      %dma_wait3A_474 = arith.constant 0 : i32
      %dma_wait3A_475 = tpu.memref_slice %dma_wait3A_472[%dma_wait3A_473, %dma_wait3A_474] : memref<512x64xf32, #tpu.memory_space<vmem>> -> memref<128x64xf32, #tpu.memory_space<vmem>>
      %dma_wait3A_476 = arith.constant 0 : i32
      %dma_wait3A_477 = arith.constant 0 : i32
      %dma_wait3A_478 = tpu.memref_slice %arg2[%dma_wait3A_476, %dma_wait3A_477] : memref<10000x64xf32, #tpu.memory_space<hbm>> -> memref<128x64xf32, #tpu.memory_space<hbm>>
      tpu.wait_dma2 semaphore(%arg9 : memref<!tpu.dma_semaphore, #tpu.memory_space<semaphore_mem>>) src(%dma_wait3A_478 : memref<128x64xf32, #tpu.memory_space<hbm>>) dst(%dma_wait3A_475 : memref<128x64xf32, #tpu.memory_space<vmem>>)
      %dma_wait3A_479 = arith.constant 0 : i32
      %dma_wait3A_480 = arith.constant 0 : i32
      %dma_wait3A_481 = arith.constant 0 : i32
      %dma_wait3A_482 = tpu.memref_slice %arg7[%dma_wait3A_479, %dma_wait3A_480, %dma_wait3A_481] : memref<2x512x64xf32, #tpu.memory_space<vmem>> -> memref<1x512x64xf32, #tpu.memory_space<vmem>>
      %dma_wait3A_483 = tpu.memref_squeeze %dma_wait3A_482 : memref<1x512x64xf32, #tpu.memory_space<vmem>> -> memref<512x64xf32, #tpu.memory_space<vmem>>
      %dma_wait3A_484 = arith.constant 0 : i32
      %dma_wait3A_485 = arith.constant 0 : i32
      %dma_wait3A_486 = tpu.memref_slice %dma_wait3A_483[%dma_wait3A_484, %dma_wait3A_485] : memref<512x64xf32, #tpu.memory_space<vmem>> -> memref<128x64xf32, #tpu.memory_space<vmem>>
      %dma_wait3A_487 = arith.constant 0 : i32
      %dma_wait3A_488 = arith.constant 0 : i32
      %dma_wait3A_489 = tpu.memref_slice %arg2[%dma_wait3A_487, %dma_wait3A_488] : memref<10000x64xf32, #tpu.memory_space<hbm>> -> memref<128x64xf32, #tpu.memory_space<hbm>>
      %dma_wait3A_490 = arith.constant 0 : i32
      %dma_wait3A_491 = arith.constant 0 : i32
      %dma_wait3A_492 = tpu.memref_slice %arg7[%dma_wait3A_479, %dma_wait3A_490, %dma_wait3A_491] : memref<2x512x64xf32, #tpu.memory_space<vmem>> -> memref<1x512x64xf32, #tpu.memory_space<vmem>>
      %dma_wait3A_493 = tpu.memref_squeeze %dma_wait3A_492 : memref<1x512x64xf32, #tpu.memory_space<vmem>> -> memref<512x64xf32, #tpu.memory_space<vmem>>
      %dma_wait3A_494 = arith.constant 0 : i32
      %dma_wait3A_495 = arith.constant 0 : i32
      %dma_wait3A_496 = tpu.memref_slice %dma_wait3A_493[%dma_wait3A_494, %dma_wait3A_495] : memref<512x64xf32, #tpu.memory_space<vmem>> -> memref<128x64xf32, #tpu.memory_space<vmem>>
      %dma_wait3A_497 = arith.constant 0 : i32
      %dma_wait3A_498 = arith.constant 0 : i32
      %dma_wait3A_499 = tpu.memref_slice %arg2[%dma_wait3A_497, %dma_wait3A_498] : memref<10000x64xf32, #tpu.memory_space<hbm>> -> memref<128x64xf32, #tpu.memory_space<hbm>>
      tpu.wait_dma2 semaphore(%arg9 : memref<!tpu.dma_semaphore, #tpu.memory_space<semaphore_mem>>) src(%dma_wait3A_499 : memref<128x64xf32, #tpu.memory_space<hbm>>) dst(%dma_wait3A_496 : memref<128x64xf32, #tpu.memory_space<vmem>>)
    }
    %scan3A_101 = arith.constant 20 : i32
    %dma_wait3A = arith.constant 0 : i32
    %dma_wait3A_102 = arith.constant 0 : i32
    %dma_wait3A_103 = arith.constant 0 : i32
    %dma_wait3A_104 = tpu.memref_slice %arg7[%dma_wait3A, %dma_wait3A_102, %dma_wait3A_103] : memref<2x512x64xf32, #tpu.memory_space<vmem>> -> memref<1x512x64xf32, #tpu.memory_space<vmem>>
    %dma_wait3A_105 = tpu.memref_squeeze %dma_wait3A_104 : memref<1x512x64xf32, #tpu.memory_space<vmem>> -> memref<512x64xf32, #tpu.memory_space<vmem>>
    %dma_wait3A_106 = arith.constant 0 : i32
    %dma_wait3A_107 = arith.constant 0 : i32
    %dma_wait3A_108 = tpu.memref_slice %dma_wait3A_105[%dma_wait3A_106, %dma_wait3A_107] : memref<512x64xf32, #tpu.memory_space<vmem>> -> memref<128x64xf32, #tpu.memory_space<vmem>>
    %dma_wait3A_109 = arith.constant 0 : i32
    %dma_wait3A_110 = arith.constant 0 : i32
    %dma_wait3A_111 = tpu.memref_slice %arg2[%dma_wait3A_109, %dma_wait3A_110] : memref<10000x64xf32, #tpu.memory_space<hbm>> -> memref<128x64xf32, #tpu.memory_space<hbm>>
    %dma_wait3A_112 = arith.constant 0 : i32
    %dma_wait3A_113 = arith.constant 0 : i32
    %dma_wait3A_114 = tpu.memref_slice %arg7[%dma_wait3A, %dma_wait3A_112, %dma_wait3A_113] : memref<2x512x64xf32, #tpu.memory_space<vmem>> -> memref<1x512x64xf32, #tpu.memory_space<vmem>>
    %dma_wait3A_115 = tpu.memref_squeeze %dma_wait3A_114 : memref<1x512x64xf32, #tpu.memory_space<vmem>> -> memref<512x64xf32, #tpu.memory_space<vmem>>
    %dma_wait3A_116 = arith.constant 0 : i32
    %dma_wait3A_117 = arith.constant 0 : i32
    %dma_wait3A_118 = tpu.memref_slice %dma_wait3A_115[%dma_wait3A_116, %dma_wait3A_117] : memref<512x64xf32, #tpu.memory_space<vmem>> -> memref<128x64xf32, #tpu.memory_space<vmem>>
    %dma_wait3A_119 = arith.constant 0 : i32
    %dma_wait3A_120 = arith.constant 0 : i32
    %dma_wait3A_121 = tpu.memref_slice %arg2[%dma_wait3A_119, %dma_wait3A_120] : memref<10000x64xf32, #tpu.memory_space<hbm>> -> memref<128x64xf32, #tpu.memory_space<hbm>>
    tpu.wait_dma2 semaphore(%arg8 : memref<!tpu.dma_semaphore, #tpu.memory_space<semaphore_mem>>) src(%dma_wait3A_121 : memref<128x64xf32, #tpu.memory_space<hbm>>) dst(%dma_wait3A_118 : memref<128x64xf32, #tpu.memory_space<vmem>>)
    %dma_wait3A_122 = arith.constant 0 : i32
    %dma_wait3A_123 = arith.constant 0 : i32
    %dma_wait3A_124 = arith.constant 0 : i32
    %dma_wait3A_125 = tpu.memref_slice %arg7[%dma_wait3A_122, %dma_wait3A_123, %dma_wait3A_124] : memref<2x512x64xf32, #tpu.memory_space<vmem>> -> memref<1x512x64xf32, #tpu.memory_space<vmem>>
    %dma_wait3A_126 = tpu.memref_squeeze %dma_wait3A_125 : memref<1x512x64xf32, #tpu.memory_space<vmem>> -> memref<512x64xf32, #tpu.memory_space<vmem>>
    %dma_wait3A_127 = arith.constant 0 : i32
    %dma_wait3A_128 = arith.constant 0 : i32
    %dma_wait3A_129 = tpu.memref_slice %dma_wait3A_126[%dma_wait3A_127, %dma_wait3A_128] : memref<512x64xf32, #tpu.memory_space<vmem>> -> memref<128x64xf32, #tpu.memory_space<vmem>>
    %dma_wait3A_130 = arith.constant 0 : i32
    %dma_wait3A_131 = arith.constant 0 : i32
    %dma_wait3A_132 = tpu.memref_slice %arg2[%dma_wait3A_130, %dma_wait3A_131] : memref<10000x64xf32, #tpu.memory_space<hbm>> -> memref<128x64xf32, #tpu.memory_space<hbm>>
    %dma_wait3A_133 = arith.constant 0 : i32
    %dma_wait3A_134 = arith.constant 0 : i32
    %dma_wait3A_135 = tpu.memref_slice %arg7[%dma_wait3A_122, %dma_wait3A_133, %dma_wait3A_134] : memref<2x512x64xf32, #tpu.memory_space<vmem>> -> memref<1x512x64xf32, #tpu.memory_space<vmem>>
    %dma_wait3A_136 = tpu.memref_squeeze %dma_wait3A_135 : memref<1x512x64xf32, #tpu.memory_space<vmem>> -> memref<512x64xf32, #tpu.memory_space<vmem>>
    %dma_wait3A_137 = arith.constant 0 : i32
    %dma_wait3A_138 = arith.constant 0 : i32
    %dma_wait3A_139 = tpu.memref_slice %dma_wait3A_136[%dma_wait3A_137, %dma_wait3A_138] : memref<512x64xf32, #tpu.memory_space<vmem>> -> memref<128x64xf32, #tpu.memory_space<vmem>>
    %dma_wait3A_140 = arith.constant 0 : i32
    %dma_wait3A_141 = arith.constant 0 : i32
    %dma_wait3A_142 = tpu.memref_slice %arg2[%dma_wait3A_140, %dma_wait3A_141] : memref<10000x64xf32, #tpu.memory_space<hbm>> -> memref<128x64xf32, #tpu.memory_space<hbm>>
    tpu.wait_dma2 semaphore(%arg8 : memref<!tpu.dma_semaphore, #tpu.memory_space<semaphore_mem>>) src(%dma_wait3A_142 : memref<128x64xf32, #tpu.memory_space<hbm>>) dst(%dma_wait3A_139 : memref<128x64xf32, #tpu.memory_space<vmem>>)
    %dma_wait3A_143 = arith.constant 0 : i32
    %dma_wait3A_144 = arith.constant 0 : i32
    %dma_wait3A_145 = arith.constant 0 : i32
    %dma_wait3A_146 = tpu.memref_slice %arg7[%dma_wait3A_143, %dma_wait3A_144, %dma_wait3A_145] : memref<2x512x64xf32, #tpu.memory_space<vmem>> -> memref<1x512x64xf32, #tpu.memory_space<vmem>>
    %dma_wait3A_147 = tpu.memref_squeeze %dma_wait3A_146 : memref<1x512x64xf32, #tpu.memory_space<vmem>> -> memref<512x64xf32, #tpu.memory_space<vmem>>
    %dma_wait3A_148 = arith.constant 0 : i32
    %dma_wait3A_149 = arith.constant 0 : i32
    %dma_wait3A_150 = tpu.memref_slice %dma_wait3A_147[%dma_wait3A_148, %dma_wait3A_149] : memref<512x64xf32, #tpu.memory_space<vmem>> -> memref<128x64xf32, #tpu.memory_space<vmem>>
    %dma_wait3A_151 = arith.constant 0 : i32
    %dma_wait3A_152 = arith.constant 0 : i32
    %dma_wait3A_153 = tpu.memref_slice %arg2[%dma_wait3A_151, %dma_wait3A_152] : memref<10000x64xf32, #tpu.memory_space<hbm>> -> memref<128x64xf32, #tpu.memory_space<hbm>>
    %dma_wait3A_154 = arith.constant 0 : i32
    %dma_wait3A_155 = arith.constant 0 : i32
    %dma_wait3A_156 = tpu.memref_slice %arg7[%dma_wait3A_143, %dma_wait3A_154, %dma_wait3A_155] : memref<2x512x64xf32, #tpu.memory_space<vmem>> -> memref<1x512x64xf32, #tpu.memory_space<vmem>>
    %dma_wait3A_157 = tpu.memref_squeeze %dma_wait3A_156 : memref<1x512x64xf32, #tpu.memory_space<vmem>> -> memref<512x64xf32, #tpu.memory_space<vmem>>
    %dma_wait3A_158 = arith.constant 0 : i32
    %dma_wait3A_159 = arith.constant 0 : i32
    %dma_wait3A_160 = tpu.memref_slice %dma_wait3A_157[%dma_wait3A_158, %dma_wait3A_159] : memref<512x64xf32, #tpu.memory_space<vmem>> -> memref<128x64xf32, #tpu.memory_space<vmem>>
    %dma_wait3A_161 = arith.constant 0 : i32
    %dma_wait3A_162 = arith.constant 0 : i32
    %dma_wait3A_163 = tpu.memref_slice %arg2[%dma_wait3A_161, %dma_wait3A_162] : memref<10000x64xf32, #tpu.memory_space<hbm>> -> memref<128x64xf32, #tpu.memory_space<hbm>>
    tpu.wait_dma2 semaphore(%arg8 : memref<!tpu.dma_semaphore, #tpu.memory_space<semaphore_mem>>) src(%dma_wait3A_163 : memref<128x64xf32, #tpu.memory_space<hbm>>) dst(%dma_wait3A_160 : memref<128x64xf32, #tpu.memory_space<vmem>>)
    %dma_wait3A_164 = arith.constant 0 : i32
    %dma_wait3A_165 = arith.constant 0 : i32
    %dma_wait3A_166 = arith.constant 0 : i32
    %dma_wait3A_167 = tpu.memref_slice %arg7[%dma_wait3A_164, %dma_wait3A_165, %dma_wait3A_166] : memref<2x512x64xf32, #tpu.memory_space<vmem>> -> memref<1x512x64xf32, #tpu.memory_space<vmem>>
    %dma_wait3A_168 = tpu.memref_squeeze %dma_wait3A_167 : memref<1x512x64xf32, #tpu.memory_space<vmem>> -> memref<512x64xf32, #tpu.memory_space<vmem>>
    %dma_wait3A_169 = arith.constant 0 : i32
    %dma_wait3A_170 = arith.constant 0 : i32
    %dma_wait3A_171 = tpu.memref_slice %dma_wait3A_168[%dma_wait3A_169, %dma_wait3A_170] : memref<512x64xf32, #tpu.memory_space<vmem>> -> memref<128x64xf32, #tpu.memory_space<vmem>>
    %dma_wait3A_172 = arith.constant 0 : i32
    %dma_wait3A_173 = arith.constant 0 : i32
    %dma_wait3A_174 = tpu.memref_slice %arg2[%dma_wait3A_172, %dma_wait3A_173] : memref<10000x64xf32, #tpu.memory_space<hbm>> -> memref<128x64xf32, #tpu.memory_space<hbm>>
    %dma_wait3A_175 = arith.constant 0 : i32
    %dma_wait3A_176 = arith.constant 0 : i32
    %dma_wait3A_177 = tpu.memref_slice %arg7[%dma_wait3A_164, %dma_wait3A_175, %dma_wait3A_176] : memref<2x512x64xf32, #tpu.memory_space<vmem>> -> memref<1x512x64xf32, #tpu.memory_space<vmem>>
    %dma_wait3A_178 = tpu.memref_squeeze %dma_wait3A_177 : memref<1x512x64xf32, #tpu.memory_space<vmem>> -> memref<512x64xf32, #tpu.memory_space<vmem>>
    %dma_wait3A_179 = arith.constant 0 : i32
    %dma_wait3A_180 = arith.constant 0 : i32
    %dma_wait3A_181 = tpu.memref_slice %dma_wait3A_178[%dma_wait3A_179, %dma_wait3A_180] : memref<512x64xf32, #tpu.memory_space<vmem>> -> memref<128x64xf32, #tpu.memory_space<vmem>>
    %dma_wait3A_182 = arith.constant 0 : i32
    %dma_wait3A_183 = arith.constant 0 : i32
    %dma_wait3A_184 = tpu.memref_slice %arg2[%dma_wait3A_182, %dma_wait3A_183] : memref<10000x64xf32, #tpu.memory_space<hbm>> -> memref<128x64xf32, #tpu.memory_space<hbm>>
    tpu.wait_dma2 semaphore(%arg8 : memref<!tpu.dma_semaphore, #tpu.memory_space<semaphore_mem>>) src(%dma_wait3A_184 : memref<128x64xf32, #tpu.memory_space<hbm>>) dst(%dma_wait3A_181 : memref<128x64xf32, #tpu.memory_space<vmem>>)
    %barrier3A_185 = arith.constant 0 : index
    tpu.barrier barrier_id(%barrier3A_185)
    %mul3A_186 = arith.constant 640 : i32
    %mul3A_187 = arith.muli %arg1, %mul3A_186 : i32
    %mul3A_188 = arith.constant 640 : i32
    %mul3A_189 = arith.muli %arg1, %mul3A_188 : i32
    "tpu.region"() ({
      %run_scoped3A_190 = tpu.sem_alloc : memref<!tpu.dma_semaphore, #tpu.memory_space<semaphore_mem>>
      %dma_start3A_191 = arith.constant 0 : i32
      %dma_start3A_192 = arith.constant 0 : i32
      %dma_start3A_193 = tpu.memref_slice %arg4[%arg0, %dma_start3A_191, %dma_start3A_192] : memref<2x10240x64xf32, #tpu.memory_space<hbm>> -> memref<1x10240x64xf32, #tpu.memory_space<hbm>>
      %dma_start3A_194 = tpu.memref_squeeze %dma_start3A_193 : memref<1x10240x64xf32, #tpu.memory_space<hbm>> -> memref<10240x64xf32, #tpu.memory_space<hbm>>
      %dma_start3A_195 = arith.constant 0 : i32
      %dma_start3A_196 = tpu.memref_slice %dma_start3A_194[%mul3A_189, %dma_start3A_195] : memref<10240x64xf32, #tpu.memory_space<hbm>> -> memref<640x64xf32, #tpu.memory_space<hbm>>
      %dma_start3A_197 = arith.constant 0 : i32
      %dma_start3A_198 = tpu.memref_slice %arg10[%mul3A_187, %dma_start3A_197] : memref<10240x64xf32, #tpu.memory_space<vmem_shared>> -> memref<640x64xf32, #tpu.memory_space<vmem_shared>>
      tpu.enqueue_dma source(%dma_start3A_198 : memref<640x64xf32, #tpu.memory_space<vmem_shared>>) target(%dma_start3A_196 : memref<640x64xf32, #tpu.memory_space<hbm>>) target_semaphore(%run_scoped3A_190 : memref<!tpu.dma_semaphore, #tpu.memory_space<semaphore_mem>>)
      %dma_wait3A_199 = arith.constant 0 : i32
      %dma_wait3A_200 = arith.constant 0 : i32
      %dma_wait3A_201 = tpu.memref_slice %arg4[%arg0, %dma_wait3A_199, %dma_wait3A_200] : memref<2x10240x64xf32, #tpu.memory_space<hbm>> -> memref<1x10240x64xf32, #tpu.memory_space<hbm>>
      %dma_wait3A_202 = tpu.memref_squeeze %dma_wait3A_201 : memref<1x10240x64xf32, #tpu.memory_space<hbm>> -> memref<10240x64xf32, #tpu.memory_space<hbm>>
      %dma_wait3A_203 = arith.constant 0 : i32
      %dma_wait3A_204 = tpu.memref_slice %dma_wait3A_202[%mul3A_189, %dma_wait3A_203] : memref<10240x64xf32, #tpu.memory_space<hbm>> -> memref<640x64xf32, #tpu.memory_space<hbm>>
      %dma_wait3A_205 = arith.constant 0 : i32
      %dma_wait3A_206 = tpu.memref_slice %arg10[%mul3A_187, %dma_wait3A_205] : memref<10240x64xf32, #tpu.memory_space<vmem_shared>> -> memref<640x64xf32, #tpu.memory_space<vmem_shared>>
      tpu.wait_dma2 semaphore(%run_scoped3A_190 : memref<!tpu.dma_semaphore, #tpu.memory_space<semaphore_mem>>) src(%dma_wait3A_206 : memref<640x64xf32, #tpu.memory_space<vmem_shared>>) dst(%dma_wait3A_204 : memref<640x64xf32, #tpu.memory_space<hbm>>)
      tpu.yield
    }) : () -> ()
    return
  }
}

module attributes {stable_mosaic.version = 14 : i64} {
  func.func @_tc_mm_body(%arg0: i32, %arg1: memref<2000x128xf32, #tpu.memory_space<vmem>>, %arg2: memref<128x64xf32, #tpu.memory_space<vmem>>, %arg3: memref<2000x64xf32, #tpu.memory_space<vmem>>) attributes {dimension_semantics = [#tpu.dimension_semantics<arbitrary>], iteration_bounds = array<i64: 5>, scalar_prefetch = 0 : i64, scratch_operands = 0 : i64, tpu.core_type = #tpu.core_type<tc>, window_params = [{transform_indices = @transform_0, window_bounds = array<i64: 2000, 128>}, {pipeline_mode = #tpu.pipeline_mode<synchronous>, transform_indices = @transform_1, window_bounds = array<i64: 128, 64>}, {transform_indices = @transform_2, window_bounds = array<i64: 2000, 64>}]} {
    %get3A = arith.constant 0 : index
    %get3A_0 = arith.constant 0 : index
    %get3A_1 = vector.load %arg1[%get3A, %get3A_0] : memref<2000x128xf32, #tpu.memory_space<vmem>>, vector<2000x128xf32>
    %get3A_2 = arith.constant 0 : index
    %get3A_3 = arith.constant 0 : index
    %get3A_4 = vector.load %arg2[%get3A_2, %get3A_3] : memref<128x64xf32, #tpu.memory_space<vmem>>, vector<128x64xf32>
    %dot_general3A = arith.constant dense<0.000000e+00> : vector<2000x64xf32>
    %dot_general3A_5 = tpu.matmul %get3A_1, %get3A_4, %dot_general3A {dimension_numbers = #tpu.dot_dimension_numbers<[1], [0], [0], [1], [0, 0, 1, 1], [], []>, transpose_lhs_hint = false} : vector<2000x128xf32>, vector<128x64xf32>, vector<2000x64xf32> -> vector<2000x64xf32>
    %swap3A = arith.constant 0 : index
    %swap3A_6 = arith.constant 0 : index
    %swap3A_7 = vector.load %arg3[%swap3A, %swap3A_6] : memref<2000x64xf32, #tpu.memory_space<vmem>>, vector<2000x64xf32>
    tpu.vector_store %arg3[%swap3A, %swap3A_6], %dot_general3A_5 {strides = array<i32>} : memref<2000x64xf32, #tpu.memory_space<vmem>>, vector<2000x64xf32>,
    return
  }
  func.func @transform_0(%arg0: i32) -> (i32, i32) {
    %c0_i32 = arith.constant 0 : i32
    %c0_i32_0 = arith.constant 0 : i32
    return %arg0, %c0_i32 : i32, i32
  }
  func.func @transform_1(%arg0: i32) -> (i32, i32) {
    %c0_i32 = arith.constant 0 : i32
    %c0_i32_0 = arith.constant 0 : i32
    %c0_i32_1 = arith.constant 0 : i32
    return %c0_i32, %c0_i32_0 : i32, i32
  }
  func.func @transform_2(%arg0: i32) -> (i32, i32) {
    %c0_i32 = arith.constant 0 : i32
    %c0_i32_0 = arith.constant 0 : i32
    return %arg0, %c0_i32 : i32, i32
  }
}

module attributes {stable_mosaic.version = 14 : i64} {
  func.func @_tc_scale_body(%arg0: i32, %arg1: memref<2000x64xf32, #tpu.memory_space<vmem>>, %arg2: memref<2x2000x16xf32, #tpu.memory_space<vmem>>, %arg3: memref<2000x64xf32, #tpu.memory_space<vmem>>) attributes {dimension_semantics = [#tpu.dimension_semantics<arbitrary>], iteration_bounds = array<i64: 5>, scalar_prefetch = 0 : i64, scratch_operands = 0 : i64, tpu.core_type = #tpu.core_type<tc>, window_params = [{transform_indices = @transform_0, window_bounds = array<i64: 2000, 64>}, {transform_indices = @transform_1, window_bounds = array<i64: 2, 2000, 16>}, {transform_indices = @transform_2, window_bounds = array<i64: 2000, 64>}]} {
    %get3A = arith.constant 0 : index
    %get3A_0 = arith.constant 0 : index
    %get3A_1 = vector.load %arg1[%get3A, %get3A_0] : memref<2000x64xf32, #tpu.memory_space<vmem>>, vector<2000x64xf32>
    %get3A_2 = arith.constant 0 : index
    %get3A_3 = arith.constant 0 : index
    %get3A_4 = arith.constant 0 : index
    %get3A_5 = vector.load %arg2[%get3A_2, %get3A_3, %get3A_4] : memref<2x2000x16xf32, #tpu.memory_space<vmem>>, vector<1x2000x16xf32>
    %get3A_6 = vector.shape_cast %get3A_5 : vector<1x2000x16xf32> to vector<2000x16xf32>
    %slice3A = vector.extract_strided_slice %get3A_6 {offsets = [0, 0], sizes = [2000, 1], strides = [1, 1]} : vector<2000x16xf32> to vector<2000x1xf32>
    %get3A_7 = arith.constant 1 : index
    %get3A_8 = arith.constant 0 : index
    %get3A_9 = arith.constant 0 : index
    %get3A_10 = vector.load %arg2[%get3A_7, %get3A_8, %get3A_9] : memref<2x2000x16xf32, #tpu.memory_space<vmem>>, vector<1x2000x16xf32>
    %get3A_11 = vector.shape_cast %get3A_10 : vector<1x2000x16xf32> to vector<2000x16xf32>
    %slice3A_12 = vector.extract_strided_slice %get3A_11 {offsets = [0, 0], sizes = [2000, 1], strides = [1, 1]} : vector<2000x16xf32> to vector<2000x1xf32>
    %add3A = arith.addf %slice3A, %slice3A_12 : vector<2000x1xf32>
    %add3A_13 = arith.constant 1.000000e+00 : f32
    %add3A_14 = vector.broadcast %add3A_13 : f32 to vector<2000x1xf32>
    %add3A_15 = arith.addf %add3A, %add3A_14 : vector<2000x1xf32>
    %rsqrt3A = math.rsqrt %add3A_15 : vector<2000x1xf32>
    %mul3A = vector.broadcast %rsqrt3A : vector<2000x1xf32> to vector<2000x64xf32>
    %mul3A_16 = arith.mulf %get3A_1, %mul3A : vector<2000x64xf32>
    %swap3A = arith.constant 0 : index
    %swap3A_17 = arith.constant 0 : index
    %swap3A_18 = vector.load %arg3[%swap3A, %swap3A_17] : memref<2000x64xf32, #tpu.memory_space<vmem>>, vector<2000x64xf32>
    tpu.vector_store %arg3[%swap3A, %swap3A_17], %mul3A_16 {strides = array<i32>} : memref<2000x64xf32, #tpu.memory_space<vmem>>, vector<2000x64xf32>,
    return
  }
  func.func @transform_0(%arg0: i32) -> (i32, i32) {
    %c0_i32 = arith.constant 0 : i32
    %c0_i32_0 = arith.constant 0 : i32
    return %arg0, %c0_i32 : i32, i32
  }
  func.func @transform_1(%arg0: i32) -> (i32, i32, i32) {
    %c0_i32 = arith.constant 0 : i32
    %c0_i32_0 = arith.constant 0 : i32
    %c0_i32_1 = arith.constant 0 : i32
    return %c0_i32, %arg0, %c0_i32_0 : i32, i32, i32
  }
  func.func @transform_2(%arg0: i32) -> (i32, i32) {
    %c0_i32 = arith.constant 0 : i32
    %c0_i32_0 = arith.constant 0 : i32
    return %arg0, %c0_i32 : i32, i32
  }
}

module attributes {stable_mosaic.version = 14 : i64} {
  func.func @_tc_relu_body(%arg0: i32, %arg1: memref<2x2000x64xf32, #tpu.memory_space<vmem>>, %arg2: memref<2x2000x16xf32, #tpu.memory_space<vmem>>, %arg3: memref<2000x64xf32, #tpu.memory_space<vmem>>, %arg4: memref<8x64xf32, #tpu.memory_space<vmem>>, %arg5: memref<2000x64xf32, #tpu.memory_space<vmem>>) attributes {dimension_semantics = [#tpu.dimension_semantics<arbitrary>], iteration_bounds = array<i64: 5>, scalar_prefetch = 0 : i64, scratch_operands = 0 : i64, tpu.core_type = #tpu.core_type<tc>, window_params = [{transform_indices = @transform_0, window_bounds = array<i64: 2, 2000, 64>}, {transform_indices = @transform_1, window_bounds = array<i64: 2, 2000, 16>}, {transform_indices = @transform_2, window_bounds = array<i64: 2000, 64>}, {pipeline_mode = #tpu.pipeline_mode<synchronous>, transform_indices = @transform_3, window_bounds = array<i64: 8, 64>}, {transform_indices = @transform_4, window_bounds = array<i64: 2000, 64>}]} {
    %get3A = arith.constant 0 : index
    %get3A_0 = arith.constant 0 : index
    %get3A_1 = arith.constant 0 : index
    %get3A_2 = vector.load %arg2[%get3A, %get3A_0, %get3A_1] : memref<2x2000x16xf32, #tpu.memory_space<vmem>>, vector<1x2000x16xf32>
    %get3A_3 = vector.shape_cast %get3A_2 : vector<1x2000x16xf32> to vector<2000x16xf32>
    %slice3A = vector.extract_strided_slice %get3A_3 {offsets = [0, 0], sizes = [2000, 1], strides = [1, 1]} : vector<2000x16xf32> to vector<2000x1xf32>
    %get3A_4 = arith.constant 1 : index
    %get3A_5 = arith.constant 0 : index
    %get3A_6 = arith.constant 0 : index
    %get3A_7 = vector.load %arg2[%get3A_4, %get3A_5, %get3A_6] : memref<2x2000x16xf32, #tpu.memory_space<vmem>>, vector<1x2000x16xf32>
    %get3A_8 = vector.shape_cast %get3A_7 : vector<1x2000x16xf32> to vector<2000x16xf32>
    %slice3A_9 = vector.extract_strided_slice %get3A_8 {offsets = [0, 0], sizes = [2000, 1], strides = [1, 1]} : vector<2000x16xf32> to vector<2000x1xf32>
    %add3A = arith.addf %slice3A, %slice3A_9 : vector<2000x1xf32>
    %add3A_10 = arith.constant 1.000000e+00 : f32
    %add3A_11 = vector.broadcast %add3A_10 : f32 to vector<2000x1xf32>
    %add3A_12 = arith.addf %add3A, %add3A_11 : vector<2000x1xf32>
    %rsqrt3A = math.rsqrt %add3A_12 : vector<2000x1xf32>
    %get3A_13 = arith.constant 0 : index
    %get3A_14 = arith.constant 0 : index
    %get3A_15 = arith.constant 0 : index
    %get3A_16 = vector.load %arg1[%get3A_13, %get3A_14, %get3A_15] : memref<2x2000x64xf32, #tpu.memory_space<vmem>>, vector<1x2000x64xf32>
    %get3A_17 = vector.shape_cast %get3A_16 : vector<1x2000x64xf32> to vector<2000x64xf32>
    %get3A_18 = arith.constant 1 : index
    %get3A_19 = arith.constant 0 : index
    %get3A_20 = arith.constant 0 : index
    %get3A_21 = vector.load %arg1[%get3A_18, %get3A_19, %get3A_20] : memref<2x2000x64xf32, #tpu.memory_space<vmem>>, vector<1x2000x64xf32>
    %get3A_22 = vector.shape_cast %get3A_21 : vector<1x2000x64xf32> to vector<2000x64xf32>
    %add3A_23 = arith.addf %get3A_17, %get3A_22 : vector<2000x64xf32>
    %get3A_24 = arith.constant 0 : index
    %get3A_25 = arith.constant 0 : index
    %get3A_26 = vector.load %arg3[%get3A_24, %get3A_25] : memref<2000x64xf32, #tpu.memory_space<vmem>>, vector<2000x64xf32>
    %add3A_27 = arith.addf %add3A_23, %get3A_26 : vector<2000x64xf32>
    %mul3A = vector.broadcast %rsqrt3A : vector<2000x1xf32> to vector<2000x64xf32>
    %mul3A_28 = arith.mulf %add3A_27, %mul3A : vector<2000x64xf32>
    %get3A_29 = arith.constant 0 : index
    %get3A_30 = arith.constant 0 : index
    %get3A_31 = vector.load %arg4[%get3A_29, %get3A_30] : memref<8x64xf32, #tpu.memory_space<vmem>>, vector<1x64xf32>
    %add3A_32 = vector.broadcast %get3A_31 : vector<1x64xf32> to vector<2000x64xf32>
    %add3A_33 = arith.addf %mul3A_28, %add3A_32 : vector<2000x64xf32>
    %max3A = arith.constant 0.000000e+00 : f32
    %max3A_34 = vector.broadcast %max3A : f32 to vector<2000x64xf32>
    %max3A_35 = arith.maximumf %add3A_33, %max3A_34 : vector<2000x64xf32>
    %mul3A_36 = vector.broadcast %rsqrt3A : vector<2000x1xf32> to vector<2000x64xf32>
    %mul3A_37 = arith.mulf %max3A_35, %mul3A_36 : vector<2000x64xf32>
    %swap3A = arith.constant 0 : index
    %swap3A_38 = arith.constant 0 : index
    %swap3A_39 = vector.load %arg5[%swap3A, %swap3A_38] : memref<2000x64xf32, #tpu.memory_space<vmem>>, vector<2000x64xf32>
    tpu.vector_store %arg5[%swap3A, %swap3A_38], %mul3A_37 {strides = array<i32>} : memref<2000x64xf32, #tpu.memory_space<vmem>>, vector<2000x64xf32>,
    return
  }
  func.func @transform_0(%arg0: i32) -> (i32, i32, i32) {
    %c0_i32 = arith.constant 0 : i32
    %c0_i32_0 = arith.constant 0 : i32
    %c0_i32_1 = arith.constant 0 : i32
    return %c0_i32, %arg0, %c0_i32_0 : i32, i32, i32
  }
  func.func @transform_1(%arg0: i32) -> (i32, i32, i32) {
    %c0_i32 = arith.constant 0 : i32
    %c0_i32_0 = arith.constant 0 : i32
    %c0_i32_1 = arith.constant 0 : i32
    return %c0_i32, %arg0, %c0_i32_0 : i32, i32, i32
  }
  func.func @transform_2(%arg0: i32) -> (i32, i32) {
    %c0_i32 = arith.constant 0 : i32
    %c0_i32_0 = arith.constant 0 : i32
    return %arg0, %c0_i32 : i32, i32
  }
  func.func @transform_3(%arg0: i32) -> (i32, i32) {
    %c0_i32 = arith.constant 0 : i32
    %c0_i32_0 = arith.constant 0 : i32
    %c0_i32_1 = arith.constant 0 : i32
    return %c0_i32, %c0_i32_0 : i32, i32
  }
  func.func @transform_4(%arg0: i32) -> (i32, i32) {
    %c0_i32 = arith.constant 0 : i32
    %c0_i32_0 = arith.constant 0 : i32
    return %arg0, %c0_i32 : i32, i32
  }
}

module attributes {stable_mosaic.version = 14 : i64} {
  func.func @_tc_out_body(%arg0: i32, %arg1: memref<2x2000x64xf32, #tpu.memory_space<vmem>>, %arg2: memref<2x2000x16xf32, #tpu.memory_space<vmem>>, %arg3: memref<2000x64xf32, #tpu.memory_space<vmem>>, %arg4: memref<64x3xf32, #tpu.memory_space<vmem>>, %arg5: memref<8x3xf32, #tpu.memory_space<vmem>>, %arg6: memref<2000x3xf32, #tpu.memory_space<vmem>>) attributes {dimension_semantics = [#tpu.dimension_semantics<arbitrary>], iteration_bounds = array<i64: 5>, scalar_prefetch = 0 : i64, scratch_operands = 0 : i64, tpu.core_type = #tpu.core_type<tc>, window_params = [{transform_indices = @transform_0, window_bounds = array<i64: 2, 2000, 64>}, {transform_indices = @transform_1, window_bounds = array<i64: 2, 2000, 16>}, {transform_indices = @transform_2, window_bounds = array<i64: 2000, 64>}, {pipeline_mode = #tpu.pipeline_mode<synchronous>, transform_indices = @transform_3, window_bounds = array<i64: 64, 3>}, {pipeline_mode = #tpu.pipeline_mode<synchronous>, transform_indices = @transform_4, window_bounds = array<i64: 8, 3>}, {transform_indices = @transform_5, window_bounds = array<i64: 2000, 3>}]} {
    %get3A = arith.constant 0 : index
    %get3A_0 = arith.constant 0 : index
    %get3A_1 = arith.constant 0 : index
    %get3A_2 = vector.load %arg2[%get3A, %get3A_0, %get3A_1] : memref<2x2000x16xf32, #tpu.memory_space<vmem>>, vector<1x2000x16xf32>
    %get3A_3 = vector.shape_cast %get3A_2 : vector<1x2000x16xf32> to vector<2000x16xf32>
    %slice3A = vector.extract_strided_slice %get3A_3 {offsets = [0, 0], sizes = [2000, 1], strides = [1, 1]} : vector<2000x16xf32> to vector<2000x1xf32>
    %get3A_4 = arith.constant 1 : index
    %get3A_5 = arith.constant 0 : index
    %get3A_6 = arith.constant 0 : index
    %get3A_7 = vector.load %arg2[%get3A_4, %get3A_5, %get3A_6] : memref<2x2000x16xf32, #tpu.memory_space<vmem>>, vector<1x2000x16xf32>
    %get3A_8 = vector.shape_cast %get3A_7 : vector<1x2000x16xf32> to vector<2000x16xf32>
    %slice3A_9 = vector.extract_strided_slice %get3A_8 {offsets = [0, 0], sizes = [2000, 1], strides = [1, 1]} : vector<2000x16xf32> to vector<2000x1xf32>
    %add3A = arith.addf %slice3A, %slice3A_9 : vector<2000x1xf32>
    %add3A_10 = arith.constant 1.000000e+00 : f32
    %add3A_11 = vector.broadcast %add3A_10 : f32 to vector<2000x1xf32>
    %add3A_12 = arith.addf %add3A, %add3A_11 : vector<2000x1xf32>
    %rsqrt3A = math.rsqrt %add3A_12 : vector<2000x1xf32>
    %get3A_13 = arith.constant 0 : index
    %get3A_14 = arith.constant 0 : index
    %get3A_15 = arith.constant 0 : index
    %get3A_16 = vector.load %arg1[%get3A_13, %get3A_14, %get3A_15] : memref<2x2000x64xf32, #tpu.memory_space<vmem>>, vector<1x2000x64xf32>
    %get3A_17 = vector.shape_cast %get3A_16 : vector<1x2000x64xf32> to vector<2000x64xf32>
    %get3A_18 = arith.constant 1 : index
    %get3A_19 = arith.constant 0 : index
    %get3A_20 = arith.constant 0 : index
    %get3A_21 = vector.load %arg1[%get3A_18, %get3A_19, %get3A_20] : memref<2x2000x64xf32, #tpu.memory_space<vmem>>, vector<1x2000x64xf32>
    %get3A_22 = vector.shape_cast %get3A_21 : vector<1x2000x64xf32> to vector<2000x64xf32>
    %add3A_23 = arith.addf %get3A_17, %get3A_22 : vector<2000x64xf32>
    %get3A_24 = arith.constant 0 : index
    %get3A_25 = arith.constant 0 : index
    %get3A_26 = vector.load %arg3[%get3A_24, %get3A_25] : memref<2000x64xf32, #tpu.memory_space<vmem>>, vector<2000x64xf32>
    %add3A_27 = arith.addf %add3A_23, %get3A_26 : vector<2000x64xf32>
    %mul3A = vector.broadcast %rsqrt3A : vector<2000x1xf32> to vector<2000x64xf32>
    %mul3A_28 = arith.mulf %add3A_27, %mul3A : vector<2000x64xf32>
    %get3A_29 = arith.constant 0 : index
    %get3A_30 = arith.constant 0 : index
    %get3A_31 = vector.load %arg4[%get3A_29, %get3A_30] : memref<64x3xf32, #tpu.memory_space<vmem>>, vector<64x3xf32>
    %dot_general3A = arith.constant dense<0.000000e+00> : vector<2000x3xf32>
    %dot_general3A_32 = tpu.matmul %mul3A_28, %get3A_31, %dot_general3A {dimension_numbers = #tpu.dot_dimension_numbers<[1], [0], [0], [1], [0, 0, 1, 1], [], []>, transpose_lhs_hint = false} : vector<2000x64xf32>, vector<64x3xf32>, vector<2000x3xf32> -> vector<2000x3xf32>
    %get3A_33 = arith.constant 0 : index
    %get3A_34 = arith.constant 0 : index
    %get3A_35 = vector.load %arg5[%get3A_33, %get3A_34] : memref<8x3xf32, #tpu.memory_space<vmem>>, vector<1x3xf32>
    %add3A_36 = vector.broadcast %get3A_35 : vector<1x3xf32> to vector<2000x3xf32>
    %add3A_37 = arith.addf %dot_general3A_32, %add3A_36 : vector<2000x3xf32>
    %reduce_max3A = arith.constant dense<0xFF800000> : vector<2000xf32>
    %reduce_max3A_38 = vector.multi_reduction <maximumf>, %add3A_37, %reduce_max3A [1] : vector<2000x3xf32> to vector<2000xf32>
    %broadcast_in_dim3A = vector.shape_cast %reduce_max3A_38 : vector<2000xf32> to vector<2000x1xf32>
    %sub3A = vector.broadcast %broadcast_in_dim3A : vector<2000x1xf32> to vector<2000x3xf32>
    %sub3A_39 = arith.subf %add3A_37, %sub3A : vector<2000x3xf32>
    %exp3A = math.exp %sub3A_39 : vector<2000x3xf32>
    %reduce_sum3A = arith.constant dense<0.000000e+00> : vector<2000xf32>
    %reduce_sum3A_40 = vector.multi_reduction <add>, %exp3A, %reduce_sum3A [1] : vector<2000x3xf32> to vector<2000xf32>
    %broadcast_in_dim3A_41 = vector.shape_cast %reduce_sum3A_40 : vector<2000xf32> to vector<2000x1xf32>
    %sub3A_42 = vector.broadcast %broadcast_in_dim3A : vector<2000x1xf32> to vector<2000x3xf32>
    %sub3A_43 = arith.subf %add3A_37, %sub3A_42 : vector<2000x3xf32>
    %log3A = math.log %broadcast_in_dim3A_41 : vector<2000x1xf32>
    %sub3A_44 = vector.broadcast %log3A : vector<2000x1xf32> to vector<2000x3xf32>
    %sub3A_45 = arith.subf %sub3A_43, %sub3A_44 : vector<2000x3xf32>
    %swap3A = arith.constant 0 : index
    %swap3A_46 = arith.constant 0 : index
    %swap3A_47 = vector.load %arg6[%swap3A, %swap3A_46] : memref<2000x3xf32, #tpu.memory_space<vmem>>, vector<2000x3xf32>
    tpu.vector_store %arg6[%swap3A, %swap3A_46], %sub3A_45 {strides = array<i32>} : memref<2000x3xf32, #tpu.memory_space<vmem>>, vector<2000x3xf32>,
    return
  }
  func.func @transform_0(%arg0: i32) -> (i32, i32, i32) {
    %c0_i32 = arith.constant 0 : i32
    %c0_i32_0 = arith.constant 0 : i32
    %c0_i32_1 = arith.constant 0 : i32
    return %c0_i32, %arg0, %c0_i32_0 : i32, i32, i32
  }
  func.func @transform_1(%arg0: i32) -> (i32, i32, i32) {
    %c0_i32 = arith.constant 0 : i32
    %c0_i32_0 = arith.constant 0 : i32
    %c0_i32_1 = arith.constant 0 : i32
    return %c0_i32, %arg0, %c0_i32_0 : i32, i32, i32
  }
  func.func @transform_2(%arg0: i32) -> (i32, i32) {
    %c0_i32 = arith.constant 0 : i32
    %c0_i32_0 = arith.constant 0 : i32
    return %arg0, %c0_i32 : i32, i32
  }
  func.func @transform_3(%arg0: i32) -> (i32, i32) {
    %c0_i32 = arith.constant 0 : i32
    %c0_i32_0 = arith.constant 0 : i32
    %c0_i32_1 = arith.constant 0 : i32
    return %c0_i32, %c0_i32_0 : i32, i32
  }
  func.func @transform_4(%arg0: i32) -> (i32, i32) {
    %c0_i32 = arith.constant 0 : i32
    %c0_i32_0 = arith.constant 0 : i32
    %c0_i32_1 = arith.constant 0 : i32
    return %c0_i32, %c0_i32_0 : i32, i32
  }
  func.func @transform_5(%arg0: i32) -> (i32, i32) {
    %c0_i32 = arith.constant 0 : i32
    %c0_i32_0 = arith.constant 0 : i32
    return %arg0, %c0_i32 : i32, i32
  }
}

</mosaic_0001>

<sc_bundles>
// kernel: kernel.12.cloned.1.call-start
scs
__scs_entry_jumppad:
0x0: {  	(pc) =	sbr.rel $0x88, $3  }
0x1: {  	(tag) =	ssettag $0x0;
	lr =	simm.s32 $0x1  }
0x2: {  	[smem:$0x3F9B] =	sst lr;
	_ =	strace $0xD0000000  }
0x3: {  	_ = 	snop  }
0x4: {  	_ = 	snop  }
0x5: {  	_ = 	snop  }
0x6: {  	_ = 	snop  }
0x7: {  	_ = 	snop  }
__scs_overlays_trampoline_lowered:
0x8: {  	[smem:$0x3FAA] =	sst s0  }
0x9: {  	[smem:$0x3FAB] =	sst s1  }
0xa: {  	[smem:$0x3FAC] =	sst s2  }
0xb: {  	[smem:$0x3FAD] =	sst s3  }
0xc: {  	[smem:$0x3FAE] =	sst s4  }
0xd: {  	[smem:$0x3FAF] =	sst s5  }
0xe: {  	[smem:$0x3FB0] =	sst s6  }
0xf: {  	[smem:$0x3FB1] =	sst s7  }
0x10: {  	[smem:$0x3FB2] =	sst s8  }
0x11: {  	[smem:$0x3FB3] =	sst s9;
	s0 =	simm.s32 @!p0 $0x0  }
0x12: {  	s1 =	sld [smem:$0x3F99];
	s0 =	simm.s32 @p0 $0x1  }
0x13: {  	[smem:$0x3FB4] =	sst s0;
	s0 =	simm.s32 @!p1 $0x0  }
0x14: {  	s2 =	sld [smem:$0x3F98];
	s0 =	simm.s32 @p1 $0x1  }
0x15: {  	[smem:$0x3FB5] =	sst s0;
	s0 =	simm.s32 @!p2 $0x0  }
0x16: {  	s3 =	sld [smem:$0x3FDB];
	s0 =	simm.s32 @p2 $0x1  }
0x17: {  	s4 =	simm.s32 $0x1BF5;
	[smem:$0x3FB7] =	sst s0  }
0x18: {  	s0 =	sld [smem:$0x3F9A];
	_ =	swait.ge [sflag:s4], $0x0  }
0x19: {  	s7 =	sld [smem:$0x3F9B]  }
0x1a: {  	s8 =	sadd.s32 $0xFFFFE003, lr  }
0x1b: {  	s9 =	sadd.s32 $0xFFFFFEF7, lr;
	s5 =	simm.s32 $0xFFFFFFFF;
	p2 =	slt.u32 s8, $0xFFFFF086  }
0x1c: {  	p1 =	slt.u32 s9, $0xF7A;
	s5 =	simm.s32 @!p2 $0x0  }
0x1d: {  	s5 =	simm.s32 @p1 $0x1;
	p0 =	seq.s32 s7, s2  }
0x1e: {  	s7 =	smul.u32 @!p0 $0xF7A, s2;
	p2 =	seq.s32 @!p0 s5, $0x0  }
0x1f: {  	s9 =	smul.u32 $0xF7A, s1;
	s8 =	simm.s32 @!p0 $0x1BF5;
	p2 =	por !p2, p0  }
0x20: {  	[sflag:s8] =	ssyncset.s32 @!p0 $0xFFFFF086;
	s6 =	sadd.s32 @!p0 s3, s7;
	s7 =	simm.s32 @!p0 $0x108  }
0x21: {  	s3 =	sadd.s32 s3, s9;
	s6 =	sadd.s32 @!p0 $0x88, s6;
	s7 =	simm.s32 @p2 $0x1082  }
0x22: {  	[simem:s7], [sflag:s8] =	dma.local @!p0 [hbm:s6], $0xF7A  }
0x23: {  	s9 =	sor.u32 $0xD0000000, s2;
	s6 =	simm.s32 $0x108;
	_ =	swait.ge @!p0 [sflag:s8], $0x0  }
0x24: {  	s3 =	sadd.s32 $0x88, s3;
	s6 =	simm.s32 @!p1 $0x1082;
	[sflag:s4] =	ssyncset.s32 $0xFFFFF086  }
0x25: {  	[simem:s6], [sflag:s4] =	dma.local [hbm:s3], $0xF7A  }
0x26: {  	[smem:$0x3F9B] =	sst s1;
	(tag) =	ssettag s2;
	_ =	strace s9  }
0x27: {  	s1 =	sld [smem:$0x3FAB]  }
0x28: {  	s2 =	sld [smem:$0x3FAC]  }
0x29: {  	s4 =	sld [smem:$0x3FAE]  }
0x2a: {  	p0 =	seq.s32 s5, $0x0;
	s5 =	sld [smem:$0x3FAF]  }
0x2b: {  	s6 =	sld [smem:$0x3FB0]  }
0x2c: {  	s7 =	sld [smem:$0x3FB1]  }
0x2d: {  	s3 =	simm.s32 $0x108;
	s8 =	sld [smem:$0x3FB2]  }
0x2e: {  	s3 =	simm.s32 @!p0 $0x1082;
	s9 =	sld [smem:$0x3FB3]  }
0x2f: {  	lr =	sadd.s32 s0, s3;
	s0 =	sld [smem:$0x3FAA]  }
0x30: {  	s3 =	sld [smem:$0x3FAD]  }
0x31: {  	[smem:$0x3FB6] =	sst s10  }
0x32: {  	s10 =	sld [smem:$0x3FB4];
	_ =	sdelay $0x3  }
0x33: {  	p0 =	seq.s32 s10, $0x1;
	s10 =	sld [smem:$0x3FB6];
	_ =	sdelay $0x3  }
0x34: {  	[smem:$0x3FB6] =	sst s10  }
0x35: {  	s10 =	sld [smem:$0x3FB5];
	_ =	sdelay $0x3  }
0x36: {  	p1 =	seq.s32 s10, $0x1;
	s10 =	sld [smem:$0x3FB6];
	_ =	sdelay $0x3  }
0x37: {  	[smem:$0x3FB6] =	sst s10  }
0x38: {  	s10 =	sld [smem:$0x3FB7]  }
0x39: {  	_ = 	snop;
	(pc) =	sbr.ind lr, $3  }
0x3a: {  	_ = 	snop  }
0x3b: {  	_ = 	snop  }
0x3c: {  	p2 =	seq.s32 s10, $0x1;
	s10 =	sld [smem:$0x3FB6]  }
0x3d: {  	_ =	shalt  }
0x3e: {  	_ =	shalt  }
0x3f: {  	_ =	shalt  }
0x40: {  	_ =	shalt  }
0x41: {  	_ =	shalt  }
0x42: {  	_ =	shalt  }
0x43: {  	_ =	shalt  }
0x44: {  	_ =	shalt  }
0x45: {  	_ =	shalt  }
0x46: {  	_ =	shalt  }
0x47: {  	_ =	shalt  }
0x48: {  	_ =	shalt  }
0x49: {  	_ =	shalt  }
0x4a: {  	_ =	shalt  }
0x4b: {  	_ =	shalt  }
0x4c: {  	_ =	shalt  }
0x4d: {  	_ =	shalt  }
0x4e: {  	_ =	shalt  }
0x4f: {  	_ =	shalt  }
0x50: {  	_ =	shalt  }
0x51: {  	_ =	shalt  }
0x52: {  	_ =	shalt  }
0x53: {  	_ =	shalt  }
0x54: {  	_ =	shalt  }
0x55: {  	_ =	shalt  }
0x56: {  	_ =	shalt  }
0x57: {  	_ =	shalt  }
0x58: {  	_ =	shalt  }
0x59: {  	_ =	shalt  }
0x5a: {  	_ =	shalt  }
0x5b: {  	_ =	shalt  }
0x5c: {  	_ =	shalt  }
0x5d: {  	_ =	shalt  }
0x5e: {  	_ =	shalt  }
0x5f: {  	_ =	shalt  }
0x60: {  	_ =	shalt  }
0x61: {  	_ =	shalt  }
0x62: {  	_ =	shalt  }
0x63: {  	_ =	shalt  }
0x64: {  	_ =	shalt  }
0x65: {  	_ =	shalt  }
0x66: {  	_ =	shalt  }
0x67: {  	_ =	shalt  }
0x68: {  	_ =	shalt  }
0x69: {  	_ =	shalt  }
0x6a: {  	_ =	shalt  }
0x6b: {  	_ =	shalt  }
0x6c: {  	_ =	shalt  }
0x6d: {  	_ =	shalt  }
0x6e: {  	_ =	shalt  }
0x6f: {  	_ =	shalt  }
0x70: {  	_ =	shalt  }
0x71: {  	_ =	shalt  }
0x72: {  	_ =	shalt  }
0x73: {  	_ =	shalt  }
0x74: {  	_ =	shalt  }
0x75: {  	_ =	shalt  }
0x76: {  	_ =	shalt  }
0x77: {  	_ =	shalt  }
0x78: {  	_ =	shalt  }
0x79: {  	_ =	shalt  }
0x7a: {  	_ =	shalt  }
0x7b: {  	_ =	shalt  }
0x7c: {  	_ =	shalt  }
0x7d: {  	_ =	shalt  }
0x7e: {  	_ =	shalt  }
0x7f: {  	_ =	shalt  }
0x80: {  	_ =	shalt  }
0x81: {  	_ =	shalt  }
0x82: {  	_ =	shalt  }
0x83: {  	_ =	shalt  }
0x84: {  	_ =	shalt  }
0x85: {  	_ =	shalt  }
0x86: {  	_ =	shalt  }
0x87: {  	_ =	shalt  }
.Lfunc_end0:
.L_simem_size_0:
called_computation.1_lowered:
.L_overlay_start_0:
0x88: {  	s2 =	sld [smem:$0x3FD9]  }
0x89: {  	s3 =	sld [smem:$0x3FFE];
	_ =	sdelay $0x1  }
0x8a: {  	s1 =	srdreg.scid  }
0x8b: {  	s0 =	sand.u32 $0x1, s1  }
0x8c: {  	s16 =	sshll.u32 s0, $0xA;
	s2 =	sadd.s32 s3, s2  }
0x8d: {  	s2 =	sadd.s32 s2, s16  }
0x8e: {  	[smem:$0x3FC2] =	sst s2  }
0x8f: {  	_ = 	snop  }
0x90: {  	(tm) =	ssettm $0x1  }
0x91: {  	s17 =	sld [smem:$0x3FFB];
	_ =	sdelay $0x3  }
0x92: {  	_ =	strace s17  }
0x93: {  	s2 =	sld [smem:$0x3FFC];
	_ =	sdelay $0x3  }
0x94: {  	_ =	strace s2  }
0x95: {  	s2 =	sld [smem:$0x3FFD];
	_ =	sdelay $0x3  }
0x96: {  	_ =	strace s2  }
0x97: {  	_ =	strace $0x8FFFFFFF  }
0x98: {  	s18 =	sld [smem:$0x3FDB];
	_ =	sdelay $0x1  }
0x99: {  	s19 =	simm.s32 $_scs_section_size  }
0x9a: {  	s4 =	simm.s32 $_size__tile_overlayer_lowered;
	s5 =	simm.s32 $_tile_overlayer_lowered  }
0x9b: {  	s22 =	simm.s32 $0x1BFF;
	s21 =	sshll.u32 s5, $0x1;
	s2 =	sadd.s32 s19, s18  }
0x9c: {  	s6 =	simm.s32 $0x0;
	s20 =	sshll.u32 s4, $0x1;
	s4 =	sadd.s32 s21, s2  }
0x9d: {  	[timem:s6], [sflag:s22] =	dma.local [hbm:s4], s20  }
0x9e: {  	_ =	swait.ge [sflag:s22], s20  }
0x9f: {  	s3 =	ssub.s32 $0x0, s20;
	[sflag:s22] =	ssyncset.done $0x0  }
0xa0: {  	[sflag:s22] =	ssyncadd.s32 s3;
	_ =	sdelay $0x1  }
0xa1: {  	s23 =	simm.s32 $0x1B8B  }
0xa2: {  	_ =	swait.ge [sflag:s23], $0x1  }
0xa3: {  	[sflag:s23] =	ssyncset.done $0x0  }
0xa4: {  	s25 =	simm.s32 $0x1B8E;
	s24 =	sld [smem:$0x3FFE];
	[sflag:s23] =	ssyncadd.s32 $0xFFFFFFFF  }
0xa5: {  	s26 =	simm.s32 $execute0_lowered;
	[smem:$0x3FD2] =	sst s25  }
0xa6: {  	s4 =	sshll.u32 s26, $0x1;
	_ =	strace $0x80000049;
	[dreg:$0x1] =	wrdreg $0xFFFFFFFF  }
0xa7: {  	s28 =	simm.s32 $_size_execute0_lowered;
	s2 =	sadd.s32 s2, s4;
	[dreg:$0x0] =	wrdreg $0x0  }
0xa8: {  	s4 =	sshll.u32 s28, $0x1;
	[dreg:$0x2] =	wrdreg s2  }
0xa9: {  	[dreg:$0x3] =	wrdreg s4  }
0xaa: {  	[dreg:$0x4] =	wrdreg $0xC0  }
0xab: {  	_ =	task [dreg:s6], $0x5FFFF  }
0xac: {  	[dreg:$0x1] =	wrdreg $0xFFFFFFFF  }
0xad: {  	[dreg:$0x0] =	wrdreg $0x60  }
0xae: {  	[dreg:$0x2] =	wrdreg s24  }
0xaf: {  	[dreg:$0x3] =	wrdreg $0x150000  }
0xb0: {  	[dreg:$0x4] =	wrdreg $0x9  }
0xb1: {  	_ =	task.clear_ibuf [dreg:s6], $0x5FFFF;
	_ =	strace $0x90000049  }
0xb2: {  	s29 =	simm.s32 $0x9;
	_ =	strace $0x8000004B  }
0xb3: {  	_ =	swait.ge [sflag:s29], $0x1  }
0xb4: {  	[sflag:s29] =	ssyncadd.s32 $0xFFFFFFFF  }
0xb5: {  	_ =	strace $0x9000004B  }
0xb6: {  	_ =	sfence  }
0xb7: {  	s30 =	sld [smem:$0x0];
	_ =	sdelay $0x2  }
0xb8: {  	s31 =	sshll.u32 s1, $0xD;
	s1 =	sshrl.u32 s1, $0x2  }
0xb9: {  	s3 =	sand.u32 $0x4000, s31;
	s1 =	sadd.s32 s1, s30  }
0xba: {  	s0 =	sor.u32 s3, s0;
	s1 =	sshll.u32 s1, $0x11  }
0xbb: {  	s0 =	sor.u32 s1, s0  }
0xbc: {  	s0 =	sadd.s32 $0x8F2B, s0  }
0xbd: {  	[sflag:s0] =	ssyncadd.remote.s32 $0x1  }
0xbe: {  	_ =	sfence.sel $0xFFFF  }
0xbf: {  	[dreg:$0x0] =	wrdreg $0xFFFFFFFF;
	(pc) =	sbr.abs _section_cstart, $3  }
0xc0: {  	[dreg:$0x1] =	wrdreg $0xFFFFFFFF  }
0xc1: {  	_ =	task.clear_ibuf [dreg:s6], $0x2FFFF;
	_ =	strace $0x9FFFFFFF  }
0xc2: {  	(tm) =	ssettm $0x7FFFFFFF  }
0xc3: {  	_ =	shalt  }
tec
execute0_lowered:
.L_overlay_start_1:
0x0: {  	(tag) =	ssettag $0x1  }
0x1: {  	s0 =	srdreg.scid;
	s11 =	rddreg [dreg:$0x0]  }
0x2: {  	s2 =	rddreg [dreg:$0x1];
	s1 =	stileid.u32  }
0x3: {  	s3 =	simm.s32 $0x0;
	s17 =	simm.s32 $0x7000;
	s18 =	simm.s32 $0x100  }
0x4: {  	s19 =	simm.s32 $0x9000;
	s20 =	simm.s32 $0x180;
	s21 =	simm.s32 $0xB000  }
0x5: {  	s22 =	simm.s32 $0x1;
	s5 =	sand.u32 $0x1, s0;
	s0 =	rddreg [dreg:$0x2]  }
0x6: {  	s23 =	simm.s32 $0x2;
	[smem:$0x7FF] =	sst s3;
	s6 =	smul.u32 $0x28000, s1  }
0x7: {  	s12 =	smul.u32 $0xA000, s1;
	s16 =	sadd.s32 $0xC000, s11;
	s4 =	sshll.u32 s5, $0x4  }
0x8: {  	_ =	strace $0x8000004A;
	s7 =	smul.u32 $0x14000, s5;
	s5 =	ssub.s32 $0x2, s5  }
0x9: {  	s4 =	sor.u32 s1, s4;
	s6 =	sshrl.u32 s6, $0x2;
	s31 =	sshrl.u32 s5, $0x1  }
0xa: {  	s25 =	sshrl.u32 s12, $0x3;
	s14 =	smul.u32 $0x500, s4;
	s4 =	sadd.s32 $0x66000, s11  }
0xb: {  	s13 =	sadd.s32 s7, s11;
	s9 =	sadd.s32 s6, s2;
	s15 =	ssub.s32 s5, s31  }
0xc: {  	s5 =	sadd.s32 s12, s2;
	s12 =	simm.s32 $0x5000;
	s6 =	sadd.s32 $0x2000, s9  }
0xd: {  	s7 =	sadd.s32 $0x4000, s9;
	s8 =	sadd.s32 $0x6000, s9;
	s9 =	sadd.s32 $0x8000, s9  }
0xe: {  	s24 =	sadd.s32 $0x79A00, s13;
	s13 =	simm.s32 $0x3;
	s10 =	sadd.s32 s14, s11  }
0xf: {  	s11 =	smax.u32 s15, $0x1;
	s14 =	sadd.s32 s14, s16;
	s15 =	simm.s32 $0x2800  }
0x10: {  	v0 =	vimm.f32 $0.0e+00;
	s16 =	simm.s32 $0x80;
	s24 =	sadd.s32 s25, s24;
	s10 =	sadd.s32 $0x2000, s10  }
.LBB2_1:
0x11: {  	s26 =	simm.s32 $0x100;
	s25 =	simm.s32 $0x0  }
.LBB2_2:
0x12: {  	p0 =	sne.s32 s26, $0x7F00;
	[tilespmem:s25+$0x5030] =	vst v0;
	s28 =	smov.u32 s26;
	s26 =	sadd.s32 $0x100, s26  }
.Ltmp0:
0x13: {  	[tilespmem:s25+$0x5020] =	vst v0;
	(pc) =	sbr.rel @p0 .LBB2_2-.Ltmp0, $3  }
0x14: {  	[tilespmem:s25+$0x5000] =	vst v0  }
0x15: {  	[tilespmem:s25+$0x5010] =	vst v0;
	_ =	sdelay $0x1  }
0x16: {  	s25 =	sshra.s32 s28, $0x2  }
0x17: {  	[tilespmem:s25+$0x5030] =	vst v0  }
0x18: {  	[tilespmem:s25+$0x5020] =	vst v0  }
0x19: {  	[tilespmem:s25+$0x5000] =	vst v0  }
0x1a: {  	[tilespmem:s25+$0x5010] =	vst v0  }
0x1b: {  	[spmem:s5] =	stream.linear.scatter [tilespmem:s12], [sflag:$0x3], $0x2000, $0x38;
	[tilespmem:$0x1F000] =	vst v63  }
0x1c: {  	_ =	swait.ge [sflag:s13], $0x2000  }
0x1d: {  	[sflag:s13] =	ssyncset.done $0x0  }
0x1e: {  	[sflag:s13] =	ssyncadd.s32 $0xFFFFE000  }
0x1f: {  	[spmem:s6] =	stream.linear.scatter [tilespmem:s12], [sflag:$0x3], $0x2000, $0x38;
	[tilespmem:$0x1F000] =	vst v63  }
0x20: {  	_ =	swait.ge [sflag:s13], $0x2000  }
0x21: {  	[sflag:s13] =	ssyncset.done $0x0  }
0x22: {  	[sflag:s13] =	ssyncadd.s32 $0xFFFFE000  }
0x23: {  	[spmem:s7] =	stream.linear.scatter [tilespmem:s12], [sflag:$0x3], $0x2000, $0x38;
	[tilespmem:$0x1F000] =	vst v63  }
0x24: {  	_ =	swait.ge [sflag:s13], $0x2000  }
0x25: {  	[sflag:s13] =	ssyncset.done $0x0  }
0x26: {  	[sflag:s13] =	ssyncadd.s32 $0xFFFFE000  }
0x27: {  	[spmem:s8] =	stream.linear.scatter [tilespmem:s12], [sflag:$0x3], $0x2000, $0x38;
	[tilespmem:$0x1F000] =	vst v63  }
0x28: {  	_ =	swait.ge [sflag:s13], $0x2000  }
0x29: {  	[sflag:s13] =	ssyncset.done $0x0  }
0x2a: {  	[sflag:s13] =	ssyncadd.s32 $0xFFFFE000  }
0x2b: {  	[spmem:s9] =	stream.linear.scatter [tilespmem:s12], [sflag:$0x3], $0x2000, $0x38;
	[tilespmem:$0x1F000] =	vst v63  }
0x2c: {  	_ =	swait.ge [sflag:s13], $0x2000  }
0x2d: {  	[sflag:s13] =	ssyncset.done $0x0  }
0x2e: {  	s29 =	simm.s32 $0x0;
	[sflag:s13] =	ssyncadd.s32 $0xFFFFE000  }
0x2f: {  	[tilespmem:s29], [sflag:$0x3] =	stream.linear.gather [hbm4b:s10+s29], $0x2800, $0x38;
	[tilespmem:$0x1F000] =	vst v63  }
0x30: {  	_ =	swait.ge [sflag:s13], $0x2800  }
0x31: {  	[sflag:s13] =	ssyncset.done $0x0  }
0x32: {  	[sflag:s13] =	ssyncadd.s32 $0xFFFFD800  }
0x33: {  	[tilespmem:s15], [sflag:$0x3] =	stream.linear.gather [hbm4b:s14+s29], $0x2800, $0x38;
	[tilespmem:$0x1F000] =	vst v63  }
0x34: {  	_ =	swait.ge [sflag:s13], $0x2800  }
0x35: {  	[sflag:s13] =	ssyncset.done $0x0  }
0x36: {  	[sflag:s13] =	ssyncadd.s32 $0xFFFFD800  }
0x37: {  	[bflag:$0x0] =	sbarrier.arrive $0xFFFF  }
0x38: {  	[tilespmem:s12], [sflag:$0x1] =	stream.indirect.gather [hbm4b:s4+s16], $0x40, s29, s16, $0xb8;
	[tilespmem:$0x1F000] =	vst v63  }
0x39: {  	_ = 	snop  }
0x3a: {  	[tilespmem:s17], [sflag:$0x1] =	stream.indirect.gather [hbm4b:s4+s16], $0x40, s16, s16, $0xb8;
	[tilespmem:$0x1F000] =	vst v63  }
0x3b: {  	_ = 	snop  }
0x3c: {  	[tilespmem:s19], [sflag:$0x1] =	stream.indirect.gather [hbm4b:s4+s16], $0x40, s18, s16, $0xb8;
	[tilespmem:$0x1F000] =	vst v63  }
0x3d: {  	_ = 	snop  }
0x3e: {  	[tilespmem:s21], [sflag:$0x1] =	stream.indirect.gather [hbm4b:s4+s16], $0x40, s20, s16, $0xb8;
	[tilespmem:$0x1F000] =	vst v63  }
0x3f: {  	_ =	swait.ge [sflag:s22], $0x2000  }
0x40: {  	[sflag:s22] =	ssyncset.done $0x0  }
0x41: {  	[sflag:s22] =	ssyncadd.s32 $0xFFFFE000  }
0x42: {  	_ =	swait.ge [sflag:s22], $0x2000  }
0x43: {  	[sflag:s22] =	ssyncset.done $0x0  }
0x44: {  	[sflag:s22] =	ssyncadd.s32 $0xFFFFE000  }
0x45: {  	_ =	swait.ge [sflag:s22], $0x2000  }
0x46: {  	[sflag:s22] =	ssyncset.done $0x0  }
0x47: {  	s30 =	simm.s32 $0x0;
	[sflag:s22] =	ssyncadd.s32 $0xFFFFE000  }
0x48: {  	s25 =	sand.u32 $0x1, s30;
	_ =	swait.ge [sflag:s22], $0x2000  }
0x49: {  	s26 =	sshll.u32 s25, $0xF;
	[sflag:s22] =	ssyncset.done $0x0  }
0x4a: {  	s28 =	simm.s32 $0x2800;
	s25 =	sor.u32 $0x5000, s26;
	[sflag:s22] =	ssyncadd.s32 $0xFFFFE000  }
0x4b: {  	[spmem:s2] =	stream.indirect.scatter.add.f32 [tilespmem:s25], [sflag:$0x2], $0x40, s28, s16, $0xb8;
	[tilespmem:$0x1F000] =	vst v63  }
0x4c: {  	s31 =	sor.u32 $0x7000, s26;
	s29 =	simm.s32 $0x2880  }
0x4d: {  	[spmem:s2] =	stream.indirect.scatter.add.f32 [tilespmem:s31], [sflag:$0x2], $0x40, s29, s16, $0xb8;
	[tilespmem:$0x1F000] =	vst v63  }
0x4e: {  	s30 =	sadd.s32 $0x9000, s26;
	s25 =	simm.s32 $0x1;
	s29 =	simm.s32 $0x2900  }
0x4f: {  	[spmem:s2] =	stream.indirect.scatter.add.f32 [tilespmem:s30], [sflag:$0x2], $0x40, s29, s16, $0xb8;
	[tilespmem:$0x1F000] =	vst v63  }
0x50: {  	s28 =	sadd.s32 $0xB000, s26;
	s31 =	simm.s32 $0x2980;
	s30 =	smin.u32 s25, $0x13  }
0x51: {  	[spmem:s2] =	stream.indirect.scatter.add.f32 [tilespmem:s28], [sflag:$0x2], $0x40, s31, s16, $0xb8;
	[tilespmem:$0x1F000] =	vst v63  }
0x52: {  	s29 =	sshll.u32 s30, $0x9;
	s31 =	sxor.u32 $0xD000, s26  }
0x53: {  	[tilespmem:s31], [sflag:$0x1] =	stream.indirect.gather [hbm4b:s4+s16], $0x40, s29, s16, $0xb8;
	[tilespmem:$0x1F000] =	vst v63  }
0x54: {  	s30 =	sor.u32 $0x80, s29;
	s31 =	sxor.u32 $0xF000, s26  }
0x55: {  	[tilespmem:s31], [sflag:$0x1] =	stream.indirect.gather [hbm4b:s4+s16], $0x40, s30, s16, $0xb8;
	[tilespmem:$0x1F000] =	vst v63  }
0x56: {  	s28 =	ssub.s32 $0x11000, s26;
	s31 =	sor.u32 $0x100, s29  }
0x57: {  	[tilespmem:s28], [sflag:$0x1] =	stream.indirect.gather [hbm4b:s4+s16], $0x40, s31, s16, $0xb8;
	[tilespmem:$0x1F000] =	vst v63  }
0x58: {  	s26 =	ssub.s32 $0x13000, s26;
	s31 =	sor.u32 $0x180, s29  }
0x59: {  	[tilespmem:s26], [sflag:$0x1] =	stream.indirect.gather [hbm4b:s4+s16], $0x40, s31, s16, $0xb8;
	[tilespmem:$0x1F000] =	vst v63  }
0x5a: {  	_ =	swait.ge [sflag:s23], $0x2000  }
0x5b: {  	[sflag:s23] =	ssyncset.done $0x0  }
0x5c: {  	[sflag:s23] =	ssyncadd.s32 $0xFFFFE000  }
0x5d: {  	_ =	swait.ge [sflag:s23], $0x2000  }
0x5e: {  	[sflag:s23] =	ssyncset.done $0x0  }
0x5f: {  	[sflag:s23] =	ssyncadd.s32 $0xFFFFE000  }
0x60: {  	_ =	swait.ge [sflag:s23], $0x2000  }
0x61: {  	[sflag:s23] =	ssyncset.done $0x0  }
0x62: {  	[sflag:s23] =	ssyncadd.s32 $0xFFFFE000  }
0x63: {  	_ =	swait.ge [sflag:s23], $0x2000  }
0x64: {  	s26 =	simm.s32 $0x800;
	[sflag:s23] =	ssyncset.done $0x0  }
.LBB2_4:
0x65: {  	p0 =	sne.s32 s26, $0x9800;
	[sflag:s23] =	ssyncadd.s32 $0xFFFFE000;
	s25 =	sadd.s32 $0x1, s25  }
0x66: {  	s28 =	smov.u32 s26;
	s26 =	sadd.s32 $0x800, s26;
	_ =	swait.ge [sflag:s22], $0x2000  }
0x67: {  	[sflag:s22] =	ssyncset.done $0x0  }
0x68: {  	[sflag:s22] =	ssyncadd.s32 $0xFFFFE000  }
0x69: {  	_ =	swait.ge [sflag:s22], $0x2000  }
0x6a: {  	[sflag:s22] =	ssyncset.done $0x0  }
0x6b: {  	[sflag:s22] =	ssyncadd.s32 $0xFFFFE000  }
0x6c: {  	_ =	swait.ge [sflag:s22], $0x2000  }
0x6d: {  	[sflag:s22] =	ssyncset.done $0x0  }
0x6e: {  	s29 =	sadd.s32 $0xFFFFFFFF, s25;
	[sflag:s22] =	ssyncadd.s32 $0xFFFFE000  }
0x6f: {  	s29 =	sand.u32 $0x1, s29;
	_ =	swait.ge [sflag:s22], $0x2000  }
0x70: {  	s28 =	sshra.s32 s28, $0x2;
	s29 =	sshll.u32 s29, $0xF;
	[sflag:s22] =	ssyncset.done $0x0  }
0x71: {  	s31 =	sadd.s32 $0x2800, s28;
	s30 =	sor.u32 $0x5000, s29;
	[sflag:s22] =	ssyncadd.s32 $0xFFFFE000  }
0x72: {  	[spmem:s2] =	stream.indirect.scatter.add.f32 [tilespmem:s30], [sflag:$0x2], $0x40, s31, s16, $0xb8;
	[tilespmem:$0x1F000] =	vst v63  }
0x73: {  	s30 =	sor.u32 $0x7000, s29;
	s31 =	sadd.s32 $0x2880, s28  }
0x74: {  	[spmem:s2] =	stream.indirect.scatter.add.f32 [tilespmem:s30], [sflag:$0x2], $0x40, s31, s16, $0xb8;
	[tilespmem:$0x1F000] =	vst v63  }
0x75: {  	s30 =	sadd.s32 $0x9000, s29;
	s31 =	sadd.s32 $0x2900, s28  }
0x76: {  	[spmem:s2] =	stream.indirect.scatter.add.f32 [tilespmem:s30], [sflag:$0x2], $0x40, s31, s16, $0xb8;
	[tilespmem:$0x1F000] =	vst v63  }
0x77: {  	s28 =	sadd.s32 $0x2980, s28;
	s30 =	sadd.s32 $0xB000, s29;
	s31 =	smin.u32 s25, $0x13  }
0x78: {  	[spmem:s2] =	stream.indirect.scatter.add.f32 [tilespmem:s30], [sflag:$0x2], $0x40, s28, s16, $0xb8;
	[tilespmem:$0x1F000] =	vst v63  }
0x79: {  	s28 =	sxor.u32 $0xD000, s29;
	s30 =	sshll.u32 s31, $0x9  }
0x7a: {  	[tilespmem:s28], [sflag:$0x1] =	stream.indirect.gather [hbm4b:s4+s16], $0x40, s30, s16, $0xb8;
	[tilespmem:$0x1F000] =	vst v63  }
0x7b: {  	s31 =	sor.u32 $0x80, s30;
	s28 =	sxor.u32 $0xF000, s29  }
0x7c: {  	[tilespmem:s28], [sflag:$0x1] =	stream.indirect.gather [hbm4b:s4+s16], $0x40, s31, s16, $0xb8;
	[tilespmem:$0x1F000] =	vst v63  }
0x7d: {  	s28 =	ssub.s32 $0x11000, s29;
	s31 =	sor.u32 $0x100, s30  }
0x7e: {  	[tilespmem:s28], [sflag:$0x1] =	stream.indirect.gather [hbm4b:s4+s16], $0x40, s31, s16, $0xb8;
	[tilespmem:$0x1F000] =	vst v63  }
0x7f: {  	s28 =	ssub.s32 $0x13000, s29;
	s29 =	sor.u32 $0x180, s30  }
0x80: {  	[tilespmem:s28], [sflag:$0x1] =	stream.indirect.gather [hbm4b:s4+s16], $0x40, s29, s16, $0xb8;
	[tilespmem:$0x1F000] =	vst v63  }
0x81: {  	_ =	swait.ge [sflag:s23], $0x2000  }
0x82: {  	[sflag:s23] =	ssyncset.done $0x0  }
0x83: {  	[sflag:s23] =	ssyncadd.s32 $0xFFFFE000  }
0x84: {  	_ =	swait.ge [sflag:s23], $0x2000  }
0x85: {  	[sflag:s23] =	ssyncset.done $0x0  }
0x86: {  	[sflag:s23] =	ssyncadd.s32 $0xFFFFE000  }
.Ltmp1:
0x87: {  	_ =	swait.ge [sflag:s23], $0x2000;
	(pc) =	sbr.rel @p0 .LBB2_4-.Ltmp1, $4  }
0x88: {  	[sflag:s23] =	ssyncset.done $0x0  }
0x89: {  	[sflag:s23] =	ssyncadd.s32 $0xFFFFE000  }
0x8a: {  	_ =	swait.ge [sflag:s23], $0x2000  }
0x8b: {  	[sflag:s23] =	ssyncset.done $0x0  }
0x8c: {  	[sflag:s23] =	ssyncadd.s32 $0xFFFFE000  }
0x8d: {  	_ =	swait.ge [sflag:s22], $0x2000  }
0x8e: {  	[sflag:s22] =	ssyncset.done $0x0  }
0x8f: {  	[sflag:s22] =	ssyncadd.s32 $0xFFFFE000  }
0x90: {  	_ =	swait.ge [sflag:s22], $0x2000  }
0x91: {  	[sflag:s22] =	ssyncset.done $0x0  }
0x92: {  	[sflag:s22] =	ssyncadd.s32 $0xFFFFE000  }
0x93: {  	_ =	swait.ge [sflag:s22], $0x2000  }
0x94: {  	[sflag:s22] =	ssyncset.done $0x0  }
0x95: {  	[sflag:s22] =	ssyncadd.s32 $0xFFFFE000  }
0x96: {  	_ =	swait.ge [sflag:s22], $0x2000  }
0x97: {  	s25 =	sshll.u32 s1, $0x6;
	s3 =	sadd.s32 $0x1, s3;
	[sflag:s22] =	ssyncset.done $0x0  }
0x98: {  	s26 =	sshrl.u32 s5, $0x3;
	p0 =	sne.s32 s3, s11;
	[sflag:s22] =	ssyncadd.s32 $0xFFFFE000  }
.Ltmp2:
0x99: {  	s25 =	sor.u32 $0x1C03, s25;
	[bflag:$0x0] =	sbarrier.arrive $0xFFFF;
	(pc) =	sbr.rel @p0 .LBB2_1-.Ltmp2, $4  }
0x9a: {  	[hbm:s24], [sflag:s25] =	dma.local [spmem:s26], $0x1400  }
0x9b: {  	_ =	swait.ge [sflag:s13], $0x1400  }
0x9c: {  	[sflag:s13] =	ssyncset.done $0x0  }
0x9d: {  	[sflag:s13] =	ssyncadd.s32 $0xFFFFEC00  }
0x9e: {  	_ =	sfence.sel $0x180000  }
0x9f: {  	[bflag:$0x0] =	sbarrier.arrive $0xFFFF  }
0xa0: {  	p0 =	sne.s32 s1, $0x0;
	_ =	strace $0x9000004A  }
0xa1: {  	s0 =	sadd.s32 @!p0 $0x100000, s0;
	[bflag:$0x2] =	sbarrier.arrive $0xFFFF  }
0xa2: {  	[sflag:s0] =	ssyncadd.tile.s32 @!p0 $0x1;
	_ =	shalt  }
.Lfunc_end2:
_tile_overlayer_lowered:
.L_overlay_start_2:
0xa3: {  	(tag) =	ssettag $0x2  }
0xa4: {  	s0 =	rddreg [dreg:$0x0];
	s2 =	stileid.u32  }
0xa5: {  	s1 =	rddreg [dreg:$0x1];
	p0 =	sne.s32 s2, $0x0  }
0xa6: {  	s3 =	rddreg [dreg:$0x2];
	[bflag:$0x3] =	sbarrier.arrive $0xFFFF;
	s2 =	simm.s32 @!p0 $0x1C03  }
0xa7: {  	[timem:s3], [sflag:s2] =	dma.local @!p0 [hbm:s0], s1  }
0xa8: {  	s0 =	simm.s32 @!p0 $0x3  }
0xa9: {  	_ =	swait.ge @!p0 [sflag:s0], s1  }
0xaa: {  	s1 =	ssub.s32 @!p0 $0x0, s1;
	[sflag:s0] =	ssyncset.done @!p0 $0x0  }
0xab: {  	[sflag:s0] =	ssyncadd.s32 @!p0 s1  }
0xac: {  	[bflag:$0x3] =	sbarrier.arrive $0xFFFF  }
0xad: {  	_ =	shalt  }

// kernel: kernel.15.cloned.1.call-start
scs
__scs_entry_jumppad:
0x0: {  	(pc) =	sbr.rel $0x88, $3  }
0x1: {  	(tag) =	ssettag $0x0;
	lr =	simm.s32 $0x1  }
0x2: {  	[smem:$0x3F9B] =	sst lr;
	_ =	strace $0xD0000000  }
0x3: {  	_ = 	snop  }
0x4: {  	_ = 	snop  }
0x5: {  	_ = 	snop  }
0x6: {  	_ = 	snop  }
0x7: {  	_ = 	snop  }
__scs_overlays_trampoline_lowered:
0x8: {  	[smem:$0x3FAA] =	sst s0  }
0x9: {  	[smem:$0x3FAB] =	sst s1  }
0xa: {  	[smem:$0x3FAC] =	sst s2  }
0xb: {  	[smem:$0x3FAD] =	sst s3  }
0xc: {  	[smem:$0x3FAE] =	sst s4  }
0xd: {  	[smem:$0x3FAF] =	sst s5  }
0xe: {  	[smem:$0x3FB0] =	sst s6  }
0xf: {  	[smem:$0x3FB1] =	sst s7  }
0x10: {  	[smem:$0x3FB2] =	sst s8  }
0x11: {  	[smem:$0x3FB3] =	sst s9;
	s0 =	simm.s32 @!p0 $0x0  }
0x12: {  	s1 =	sld [smem:$0x3F99];
	s0 =	simm.s32 @p0 $0x1  }
0x13: {  	[smem:$0x3FB4] =	sst s0;
	s0 =	simm.s32 @!p1 $0x0  }
0x14: {  	s2 =	sld [smem:$0x3F98];
	s0 =	simm.s32 @p1 $0x1  }
0x15: {  	[smem:$0x3FB5] =	sst s0;
	s0 =	simm.s32 @!p2 $0x0  }
0x16: {  	s3 =	sld [smem:$0x3FDB];
	s0 =	simm.s32 @p2 $0x1  }
0x17: {  	s4 =	simm.s32 $0x1BF5;
	[smem:$0x3FB7] =	sst s0  }
0x18: {  	s0 =	sld [smem:$0x3F9A];
	_ =	swait.ge [sflag:s4], $0x0  }
0x19: {  	s7 =	sld [smem:$0x3F9B]  }
0x1a: {  	s8 =	sadd.s32 $0xFFFFE003, lr  }
0x1b: {  	s9 =	sadd.s32 $0xFFFFFEF7, lr;
	s5 =	simm.s32 $0xFFFFFFFF;
	p2 =	slt.u32 s8, $0xFFFFF086  }
0x1c: {  	p1 =	slt.u32 s9, $0xF7A;
	s5 =	simm.s32 @!p2 $0x0  }
0x1d: {  	s5 =	simm.s32 @p1 $0x1;
	p0 =	seq.s32 s7, s2  }
0x1e: {  	s7 =	smul.u32 @!p0 $0xF7A, s2;
	p2 =	seq.s32 @!p0 s5, $0x0  }
0x1f: {  	s9 =	smul.u32 $0xF7A, s1;
	s8 =	simm.s32 @!p0 $0x1BF5;
	p2 =	por !p2, p0  }
0x20: {  	[sflag:s8] =	ssyncset.s32 @!p0 $0xFFFFF086;
	s6 =	sadd.s32 @!p0 s3, s7;
	s7 =	simm.s32 @!p0 $0x108  }
0x21: {  	s3 =	sadd.s32 s3, s9;
	s6 =	sadd.s32 @!p0 $0x88, s6;
	s7 =	simm.s32 @p2 $0x1082  }
0x22: {  	[simem:s7], [sflag:s8] =	dma.local @!p0 [hbm:s6], $0xF7A  }
0x23: {  	s9 =	sor.u32 $0xD0000000, s2;
	s6 =	simm.s32 $0x108;
	_ =	swait.ge @!p0 [sflag:s8], $0x0  }
0x24: {  	s3 =	sadd.s32 $0x88, s3;
	s6 =	simm.s32 @!p1 $0x1082;
	[sflag:s4] =	ssyncset.s32 $0xFFFFF086  }
0x25: {  	[simem:s6], [sflag:s4] =	dma.local [hbm:s3], $0xF7A  }
0x26: {  	[smem:$0x3F9B] =	sst s1;
	(tag) =	ssettag s2;
	_ =	strace s9  }
0x27: {  	s1 =	sld [smem:$0x3FAB]  }
0x28: {  	s2 =	sld [smem:$0x3FAC]  }
0x29: {  	s4 =	sld [smem:$0x3FAE]  }
0x2a: {  	p0 =	seq.s32 s5, $0x0;
	s5 =	sld [smem:$0x3FAF]  }
0x2b: {  	s6 =	sld [smem:$0x3FB0]  }
0x2c: {  	s7 =	sld [smem:$0x3FB1]  }
0x2d: {  	s3 =	simm.s32 $0x108;
	s8 =	sld [smem:$0x3FB2]  }
0x2e: {  	s3 =	simm.s32 @!p0 $0x1082;
	s9 =	sld [smem:$0x3FB3]  }
0x2f: {  	lr =	sadd.s32 s0, s3;
	s0 =	sld [smem:$0x3FAA]  }
0x30: {  	s3 =	sld [smem:$0x3FAD]  }
0x31: {  	[smem:$0x3FB6] =	sst s10  }
0x32: {  	s10 =	sld [smem:$0x3FB4];
	_ =	sdelay $0x3  }
0x33: {  	p0 =	seq.s32 s10, $0x1;
	s10 =	sld [smem:$0x3FB6];
	_ =	sdelay $0x3  }
0x34: {  	[smem:$0x3FB6] =	sst s10  }
0x35: {  	s10 =	sld [smem:$0x3FB5];
	_ =	sdelay $0x3  }
0x36: {  	p1 =	seq.s32 s10, $0x1;
	s10 =	sld [smem:$0x3FB6];
	_ =	sdelay $0x3  }
0x37: {  	[smem:$0x3FB6] =	sst s10  }
0x38: {  	s10 =	sld [smem:$0x3FB7]  }
0x39: {  	_ = 	snop;
	(pc) =	sbr.ind lr, $3  }
0x3a: {  	_ = 	snop  }
0x3b: {  	_ = 	snop  }
0x3c: {  	p2 =	seq.s32 s10, $0x1;
	s10 =	sld [smem:$0x3FB6]  }
0x3d: {  	_ =	shalt  }
0x3e: {  	_ =	shalt  }
0x3f: {  	_ =	shalt  }
0x40: {  	_ =	shalt  }
0x41: {  	_ =	shalt  }
0x42: {  	_ =	shalt  }
0x43: {  	_ =	shalt  }
0x44: {  	_ =	shalt  }
0x45: {  	_ =	shalt  }
0x46: {  	_ =	shalt  }
0x47: {  	_ =	shalt  }
0x48: {  	_ =	shalt  }
0x49: {  	_ =	shalt  }
0x4a: {  	_ =	shalt  }
0x4b: {  	_ =	shalt  }
0x4c: {  	_ =	shalt  }
0x4d: {  	_ =	shalt  }
0x4e: {  	_ =	shalt  }
0x4f: {  	_ =	shalt  }
0x50: {  	_ =	shalt  }
0x51: {  	_ =	shalt  }
0x52: {  	_ =	shalt  }
0x53: {  	_ =	shalt  }
0x54: {  	_ =	shalt  }
0x55: {  	_ =	shalt  }
0x56: {  	_ =	shalt  }
0x57: {  	_ =	shalt  }
0x58: {  	_ =	shalt  }
0x59: {  	_ =	shalt  }
0x5a: {  	_ =	shalt  }
0x5b: {  	_ =	shalt  }
0x5c: {  	_ =	shalt  }
0x5d: {  	_ =	shalt  }
0x5e: {  	_ =	shalt  }
0x5f: {  	_ =	shalt  }
0x60: {  	_ =	shalt  }
0x61: {  	_ =	shalt  }
0x62: {  	_ =	shalt  }
0x63: {  	_ =	shalt  }
0x64: {  	_ =	shalt  }
0x65: {  	_ =	shalt  }
0x66: {  	_ =	shalt  }
0x67: {  	_ =	shalt  }
0x68: {  	_ =	shalt  }
0x69: {  	_ =	shalt  }
0x6a: {  	_ =	shalt  }
0x6b: {  	_ =	shalt  }
0x6c: {  	_ =	shalt  }
0x6d: {  	_ =	shalt  }
0x6e: {  	_ =	shalt  }
0x6f: {  	_ =	shalt  }
0x70: {  	_ =	shalt  }
0x71: {  	_ =	shalt  }
0x72: {  	_ =	shalt  }
0x73: {  	_ =	shalt  }
0x74: {  	_ =	shalt  }
0x75: {  	_ =	shalt  }
0x76: {  	_ =	shalt  }
0x77: {  	_ =	shalt  }
0x78: {  	_ =	shalt  }
0x79: {  	_ =	shalt  }
0x7a: {  	_ =	shalt  }
0x7b: {  	_ =	shalt  }
0x7c: {  	_ =	shalt  }
0x7d: {  	_ =	shalt  }
0x7e: {  	_ =	shalt  }
0x7f: {  	_ =	shalt  }
0x80: {  	_ =	shalt  }
0x81: {  	_ =	shalt  }
0x82: {  	_ =	shalt  }
0x83: {  	_ =	shalt  }
0x84: {  	_ =	shalt  }
0x85: {  	_ =	shalt  }
0x86: {  	_ =	shalt  }
0x87: {  	_ =	shalt  }
.Lfunc_end0:
.L_simem_size_0:
called_computation.2_lowered:
.L_overlay_start_0:
0x88: {  	s2 =	sld [smem:$0x3FD9]  }
0x89: {  	s3 =	sld [smem:$0x3FFE];
	_ =	sdelay $0x1  }
0x8a: {  	s1 =	srdreg.scid  }
0x8b: {  	s0 =	sand.u32 $0x1, s1  }
0x8c: {  	s16 =	sshll.u32 s0, $0xA;
	s2 =	sadd.s32 s3, s2  }
0x8d: {  	s2 =	sadd.s32 s2, s16  }
0x8e: {  	[smem:$0x3FC2] =	sst s2  }
0x8f: {  	_ = 	snop  }
0x90: {  	(tm) =	ssettm $0x1  }
0x91: {  	s17 =	sld [smem:$0x3FFB];
	_ =	sdelay $0x3  }
0x92: {  	_ =	strace s17  }
0x93: {  	s2 =	sld [smem:$0x3FFC];
	_ =	sdelay $0x3  }
0x94: {  	_ =	strace s2  }
0x95: {  	s2 =	sld [smem:$0x3FFD];
	_ =	sdelay $0x3  }
0x96: {  	_ =	strace s2  }
0x97: {  	_ =	strace $0x8FFFFFFF  }
0x98: {  	s18 =	sld [smem:$0x3FDB];
	_ =	sdelay $0x1  }
0x99: {  	s19 =	simm.s32 $_scs_section_size  }
0x9a: {  	s4 =	simm.s32 $_size__tile_overlayer_lowered;
	s5 =	simm.s32 $_tile_overlayer_lowered  }
0x9b: {  	s22 =	simm.s32 $0x1BFF;
	s21 =	sshll.u32 s5, $0x1;
	s2 =	sadd.s32 s19, s18  }
0x9c: {  	s6 =	simm.s32 $0x0;
	s20 =	sshll.u32 s4, $0x1;
	s4 =	sadd.s32 s21, s2  }
0x9d: {  	[timem:s6], [sflag:s22] =	dma.local [hbm:s4], s20  }
0x9e: {  	_ =	swait.ge [sflag:s22], s20  }
0x9f: {  	s3 =	ssub.s32 $0x0, s20;
	[sflag:s22] =	ssyncset.done $0x0  }
0xa0: {  	[sflag:s22] =	ssyncadd.s32 s3;
	_ =	sdelay $0x1  }
0xa1: {  	s23 =	simm.s32 $0x1B8B  }
0xa2: {  	_ =	swait.ge [sflag:s23], $0x1  }
0xa3: {  	[sflag:s23] =	ssyncset.done $0x0  }
0xa4: {  	s25 =	simm.s32 $0x1B8E;
	s24 =	sld [smem:$0x3FFE];
	[sflag:s23] =	ssyncadd.s32 $0xFFFFFFFF  }
0xa5: {  	s26 =	simm.s32 $execute0_lowered;
	[smem:$0x3FD2] =	sst s25  }
0xa6: {  	s4 =	sshll.u32 s26, $0x1;
	_ =	strace $0x8000004C;
	[dreg:$0x1] =	wrdreg $0xFFFFFFFF  }
0xa7: {  	s28 =	simm.s32 $_size_execute0_lowered;
	s2 =	sadd.s32 s2, s4;
	[dreg:$0x0] =	wrdreg $0x0  }
0xa8: {  	s4 =	sshll.u32 s28, $0x1;
	[dreg:$0x2] =	wrdreg s2  }
0xa9: {  	[dreg:$0x3] =	wrdreg s4  }
0xaa: {  	[dreg:$0x4] =	wrdreg $0xC0  }
0xab: {  	_ =	task [dreg:s6], $0x5FFFF  }
0xac: {  	[dreg:$0x1] =	wrdreg $0xFFFFFFFF  }
0xad: {  	[dreg:$0x0] =	wrdreg $0x60  }
0xae: {  	[dreg:$0x2] =	wrdreg s24  }
0xaf: {  	[dreg:$0x3] =	wrdreg $0x150000  }
0xb0: {  	[dreg:$0x4] =	wrdreg $0x9  }
0xb1: {  	_ =	task.clear_ibuf [dreg:s6], $0x5FFFF;
	_ =	strace $0x9000004C  }
0xb2: {  	s29 =	simm.s32 $0x9;
	_ =	strace $0x8000004E  }
0xb3: {  	_ =	swait.ge [sflag:s29], $0x1  }
0xb4: {  	[sflag:s29] =	ssyncadd.s32 $0xFFFFFFFF  }
0xb5: {  	_ =	strace $0x9000004E  }
0xb6: {  	_ =	sfence  }
0xb7: {  	s30 =	sld [smem:$0x0];
	_ =	sdelay $0x2  }
0xb8: {  	s31 =	sshll.u32 s1, $0xD;
	s1 =	sshrl.u32 s1, $0x2  }
0xb9: {  	s3 =	sand.u32 $0x4000, s31;
	s1 =	sadd.s32 s1, s30  }
0xba: {  	s0 =	sor.u32 s3, s0;
	s1 =	sshll.u32 s1, $0x11  }
0xbb: {  	s0 =	sor.u32 s1, s0  }
0xbc: {  	s0 =	sadd.s32 $0x8F2B, s0  }
0xbd: {  	[sflag:s0] =	ssyncadd.remote.s32 $0x1  }
0xbe: {  	_ =	sfence.sel $0xFFFF  }
0xbf: {  	[dreg:$0x0] =	wrdreg $0xFFFFFFFF;
	(pc) =	sbr.abs _section_cstart, $3  }
0xc0: {  	[dreg:$0x1] =	wrdreg $0xFFFFFFFF  }
0xc1: {  	_ =	task.clear_ibuf [dreg:s6], $0x2FFFF;
	_ =	strace $0x9FFFFFFF  }
0xc2: {  	(tm) =	ssettm $0x7FFFFFFF  }
0xc3: {  	_ =	shalt  }
tec
execute0_lowered:
.L_overlay_start_1:
0x0: {  	(tag) =	ssettag $0x1  }
0x1: {  	s0 =	srdreg.scid;
	s11 =	rddreg [dreg:$0x0]  }
0x2: {  	s2 =	rddreg [dreg:$0x1];
	s1 =	stileid.u32  }
0x3: {  	s3 =	simm.s32 $0x0;
	s17 =	simm.s32 $0x7000;
	s18 =	simm.s32 $0x100  }
0x4: {  	s19 =	simm.s32 $0x9000;
	s20 =	simm.s32 $0x180;
	s21 =	simm.s32 $0xB000  }
0x5: {  	s22 =	simm.s32 $0x1;
	s5 =	sand.u32 $0x1, s0;
	s0 =	rddreg [dreg:$0x2]  }
0x6: {  	s23 =	simm.s32 $0x2;
	[smem:$0x7FF] =	sst s3;
	s6 =	smul.u32 $0x28000, s1  }
0x7: {  	s12 =	smul.u32 $0xA000, s1;
	s16 =	sadd.s32 $0xC000, s11;
	s4 =	sshll.u32 s5, $0x4  }
0x8: {  	_ =	strace $0x8000004D;
	s7 =	smul.u32 $0x14000, s5;
	s5 =	ssub.s32 $0x2, s5  }
0x9: {  	s4 =	sor.u32 s1, s4;
	s6 =	sshrl.u32 s6, $0x2;
	s31 =	sshrl.u32 s5, $0x1  }
0xa: {  	s25 =	sshrl.u32 s12, $0x3;
	s14 =	smul.u32 $0x500, s4;
	s4 =	sadd.s32 $0x66000, s11  }
0xb: {  	s13 =	sadd.s32 s7, s11;
	s9 =	sadd.s32 s6, s2;
	s15 =	ssub.s32 s5, s31  }
0xc: {  	s5 =	sadd.s32 s12, s2;
	s12 =	simm.s32 $0x5000;
	s6 =	sadd.s32 $0x2000, s9  }
0xd: {  	s7 =	sadd.s32 $0x4000, s9;
	s8 =	sadd.s32 $0x6000, s9;
	s9 =	sadd.s32 $0x8000, s9  }
0xe: {  	s24 =	sadd.s32 $0x79A00, s13;
	s13 =	simm.s32 $0x3;
	s10 =	sadd.s32 s14, s11  }
0xf: {  	s11 =	smax.u32 s15, $0x1;
	s14 =	sadd.s32 s14, s16;
	s15 =	simm.s32 $0x2800  }
0x10: {  	v0 =	vimm.f32 $0.0e+00;
	s16 =	simm.s32 $0x80;
	s24 =	sadd.s32 s25, s24;
	s10 =	sadd.s32 $0x2000, s10  }
.LBB2_1:
0x11: {  	s26 =	simm.s32 $0x100;
	s25 =	simm.s32 $0x0  }
.LBB2_2:
0x12: {  	p0 =	sne.s32 s26, $0x7F00;
	[tilespmem:s25+$0x5030] =	vst v0;
	s28 =	smov.u32 s26;
	s26 =	sadd.s32 $0x100, s26  }
.Ltmp0:
0x13: {  	[tilespmem:s25+$0x5020] =	vst v0;
	(pc) =	sbr.rel @p0 .LBB2_2-.Ltmp0, $3  }
0x14: {  	[tilespmem:s25+$0x5000] =	vst v0  }
0x15: {  	[tilespmem:s25+$0x5010] =	vst v0;
	_ =	sdelay $0x1  }
0x16: {  	s25 =	sshra.s32 s28, $0x2  }
0x17: {  	[tilespmem:s25+$0x5030] =	vst v0  }
0x18: {  	[tilespmem:s25+$0x5020] =	vst v0  }
0x19: {  	[tilespmem:s25+$0x5000] =	vst v0  }
0x1a: {  	[tilespmem:s25+$0x5010] =	vst v0  }
0x1b: {  	[spmem:s5] =	stream.linear.scatter [tilespmem:s12], [sflag:$0x3], $0x2000, $0x38;
	[tilespmem:$0x1F000] =	vst v63  }
0x1c: {  	_ =	swait.ge [sflag:s13], $0x2000  }
0x1d: {  	[sflag:s13] =	ssyncset.done $0x0  }
0x1e: {  	[sflag:s13] =	ssyncadd.s32 $0xFFFFE000  }
0x1f: {  	[spmem:s6] =	stream.linear.scatter [tilespmem:s12], [sflag:$0x3], $0x2000, $0x38;
	[tilespmem:$0x1F000] =	vst v63  }
0x20: {  	_ =	swait.ge [sflag:s13], $0x2000  }
0x21: {  	[sflag:s13] =	ssyncset.done $0x0  }
0x22: {  	[sflag:s13] =	ssyncadd.s32 $0xFFFFE000  }
0x23: {  	[spmem:s7] =	stream.linear.scatter [tilespmem:s12], [sflag:$0x3], $0x2000, $0x38;
	[tilespmem:$0x1F000] =	vst v63  }
0x24: {  	_ =	swait.ge [sflag:s13], $0x2000  }
0x25: {  	[sflag:s13] =	ssyncset.done $0x0  }
0x26: {  	[sflag:s13] =	ssyncadd.s32 $0xFFFFE000  }
0x27: {  	[spmem:s8] =	stream.linear.scatter [tilespmem:s12], [sflag:$0x3], $0x2000, $0x38;
	[tilespmem:$0x1F000] =	vst v63  }
0x28: {  	_ =	swait.ge [sflag:s13], $0x2000  }
0x29: {  	[sflag:s13] =	ssyncset.done $0x0  }
0x2a: {  	[sflag:s13] =	ssyncadd.s32 $0xFFFFE000  }
0x2b: {  	[spmem:s9] =	stream.linear.scatter [tilespmem:s12], [sflag:$0x3], $0x2000, $0x38;
	[tilespmem:$0x1F000] =	vst v63  }
0x2c: {  	_ =	swait.ge [sflag:s13], $0x2000  }
0x2d: {  	[sflag:s13] =	ssyncset.done $0x0  }
0x2e: {  	s29 =	simm.s32 $0x0;
	[sflag:s13] =	ssyncadd.s32 $0xFFFFE000  }
0x2f: {  	[tilespmem:s29], [sflag:$0x3] =	stream.linear.gather [hbm4b:s10+s29], $0x2800, $0x38;
	[tilespmem:$0x1F000] =	vst v63  }
0x30: {  	_ =	swait.ge [sflag:s13], $0x2800  }
0x31: {  	[sflag:s13] =	ssyncset.done $0x0  }
0x32: {  	[sflag:s13] =	ssyncadd.s32 $0xFFFFD800  }
0x33: {  	[tilespmem:s15], [sflag:$0x3] =	stream.linear.gather [hbm4b:s14+s29], $0x2800, $0x38;
	[tilespmem:$0x1F000] =	vst v63  }
0x34: {  	_ =	swait.ge [sflag:s13], $0x2800  }
0x35: {  	[sflag:s13] =	ssyncset.done $0x0  }
0x36: {  	[sflag:s13] =	ssyncadd.s32 $0xFFFFD800  }
0x37: {  	[bflag:$0x0] =	sbarrier.arrive $0xFFFF  }
0x38: {  	[tilespmem:s12], [sflag:$0x1] =	stream.indirect.gather [hbm4b:s4+s16], $0x40, s29, s16, $0xb8;
	[tilespmem:$0x1F000] =	vst v63  }
0x39: {  	_ = 	snop  }
0x3a: {  	[tilespmem:s17], [sflag:$0x1] =	stream.indirect.gather [hbm4b:s4+s16], $0x40, s16, s16, $0xb8;
	[tilespmem:$0x1F000] =	vst v63  }
0x3b: {  	_ = 	snop  }
0x3c: {  	[tilespmem:s19], [sflag:$0x1] =	stream.indirect.gather [hbm4b:s4+s16], $0x40, s18, s16, $0xb8;
	[tilespmem:$0x1F000] =	vst v63  }
0x3d: {  	_ = 	snop  }
0x3e: {  	[tilespmem:s21], [sflag:$0x1] =	stream.indirect.gather [hbm4b:s4+s16], $0x40, s20, s16, $0xb8;
	[tilespmem:$0x1F000] =	vst v63  }
0x3f: {  	_ =	swait.ge [sflag:s22], $0x2000  }
0x40: {  	[sflag:s22] =	ssyncset.done $0x0  }
0x41: {  	[sflag:s22] =	ssyncadd.s32 $0xFFFFE000  }
0x42: {  	_ =	swait.ge [sflag:s22], $0x2000  }
0x43: {  	[sflag:s22] =	ssyncset.done $0x0  }
0x44: {  	[sflag:s22] =	ssyncadd.s32 $0xFFFFE000  }
0x45: {  	_ =	swait.ge [sflag:s22], $0x2000  }
0x46: {  	[sflag:s22] =	ssyncset.done $0x0  }
0x47: {  	s30 =	simm.s32 $0x0;
	[sflag:s22] =	ssyncadd.s32 $0xFFFFE000  }
0x48: {  	s25 =	sand.u32 $0x1, s30;
	_ =	swait.ge [sflag:s22], $0x2000  }
0x49: {  	s26 =	sshll.u32 s25, $0xF;
	[sflag:s22] =	ssyncset.done $0x0  }
0x4a: {  	s28 =	simm.s32 $0x2800;
	s25 =	sor.u32 $0x5000, s26;
	[sflag:s22] =	ssyncadd.s32 $0xFFFFE000  }
0x4b: {  	[spmem:s2] =	stream.indirect.scatter.add.f32 [tilespmem:s25], [sflag:$0x2], $0x40, s28, s16, $0xb8;
	[tilespmem:$0x1F000] =	vst v63  }
0x4c: {  	s31 =	sor.u32 $0x7000, s26;
	s29 =	simm.s32 $0x2880  }
0x4d: {  	[spmem:s2] =	stream.indirect.scatter.add.f32 [tilespmem:s31], [sflag:$0x2], $0x40, s29, s16, $0xb8;
	[tilespmem:$0x1F000] =	vst v63  }
0x4e: {  	s30 =	sadd.s32 $0x9000, s26;
	s25 =	simm.s32 $0x1;
	s29 =	simm.s32 $0x2900  }
0x4f: {  	[spmem:s2] =	stream.indirect.scatter.add.f32 [tilespmem:s30], [sflag:$0x2], $0x40, s29, s16, $0xb8;
	[tilespmem:$0x1F000] =	vst v63  }
0x50: {  	s28 =	sadd.s32 $0xB000, s26;
	s31 =	simm.s32 $0x2980;
	s30 =	smin.u32 s25, $0x13  }
0x51: {  	[spmem:s2] =	stream.indirect.scatter.add.f32 [tilespmem:s28], [sflag:$0x2], $0x40, s31, s16, $0xb8;
	[tilespmem:$0x1F000] =	vst v63  }
0x52: {  	s29 =	sshll.u32 s30, $0x9;
	s31 =	sxor.u32 $0xD000, s26  }
0x53: {  	[tilespmem:s31], [sflag:$0x1] =	stream.indirect.gather [hbm4b:s4+s16], $0x40, s29, s16, $0xb8;
	[tilespmem:$0x1F000] =	vst v63  }
0x54: {  	s30 =	sor.u32 $0x80, s29;
	s31 =	sxor.u32 $0xF000, s26  }
0x55: {  	[tilespmem:s31], [sflag:$0x1] =	stream.indirect.gather [hbm4b:s4+s16], $0x40, s30, s16, $0xb8;
	[tilespmem:$0x1F000] =	vst v63  }
0x56: {  	s28 =	ssub.s32 $0x11000, s26;
	s31 =	sor.u32 $0x100, s29  }
0x57: {  	[tilespmem:s28], [sflag:$0x1] =	stream.indirect.gather [hbm4b:s4+s16], $0x40, s31, s16, $0xb8;
	[tilespmem:$0x1F000] =	vst v63  }
0x58: {  	s26 =	ssub.s32 $0x13000, s26;
	s31 =	sor.u32 $0x180, s29  }
0x59: {  	[tilespmem:s26], [sflag:$0x1] =	stream.indirect.gather [hbm4b:s4+s16], $0x40, s31, s16, $0xb8;
	[tilespmem:$0x1F000] =	vst v63  }
0x5a: {  	_ =	swait.ge [sflag:s23], $0x2000  }
0x5b: {  	[sflag:s23] =	ssyncset.done $0x0  }
0x5c: {  	[sflag:s23] =	ssyncadd.s32 $0xFFFFE000  }
0x5d: {  	_ =	swait.ge [sflag:s23], $0x2000  }
0x5e: {  	[sflag:s23] =	ssyncset.done $0x0  }
0x5f: {  	[sflag:s23] =	ssyncadd.s32 $0xFFFFE000  }
0x60: {  	_ =	swait.ge [sflag:s23], $0x2000  }
0x61: {  	[sflag:s23] =	ssyncset.done $0x0  }
0x62: {  	[sflag:s23] =	ssyncadd.s32 $0xFFFFE000  }
0x63: {  	_ =	swait.ge [sflag:s23], $0x2000  }
0x64: {  	s26 =	simm.s32 $0x800;
	[sflag:s23] =	ssyncset.done $0x0  }
.LBB2_4:
0x65: {  	p0 =	sne.s32 s26, $0x9800;
	[sflag:s23] =	ssyncadd.s32 $0xFFFFE000;
	s25 =	sadd.s32 $0x1, s25  }
0x66: {  	s28 =	smov.u32 s26;
	s26 =	sadd.s32 $0x800, s26;
	_ =	swait.ge [sflag:s22], $0x2000  }
0x67: {  	[sflag:s22] =	ssyncset.done $0x0  }
0x68: {  	[sflag:s22] =	ssyncadd.s32 $0xFFFFE000  }
0x69: {  	_ =	swait.ge [sflag:s22], $0x2000  }
0x6a: {  	[sflag:s22] =	ssyncset.done $0x0  }
0x6b: {  	[sflag:s22] =	ssyncadd.s32 $0xFFFFE000  }
0x6c: {  	_ =	swait.ge [sflag:s22], $0x2000  }
0x6d: {  	[sflag:s22] =	ssyncset.done $0x0  }
0x6e: {  	s29 =	sadd.s32 $0xFFFFFFFF, s25;
	[sflag:s22] =	ssyncadd.s32 $0xFFFFE000  }
0x6f: {  	s29 =	sand.u32 $0x1, s29;
	_ =	swait.ge [sflag:s22], $0x2000  }
0x70: {  	s28 =	sshra.s32 s28, $0x2;
	s29 =	sshll.u32 s29, $0xF;
	[sflag:s22] =	ssyncset.done $0x0  }
0x71: {  	s31 =	sadd.s32 $0x2800, s28;
	s30 =	sor.u32 $0x5000, s29;
	[sflag:s22] =	ssyncadd.s32 $0xFFFFE000  }
0x72: {  	[spmem:s2] =	stream.indirect.scatter.add.f32 [tilespmem:s30], [sflag:$0x2], $0x40, s31, s16, $0xb8;
	[tilespmem:$0x1F000] =	vst v63  }
0x73: {  	s30 =	sor.u32 $0x7000, s29;
	s31 =	sadd.s32 $0x2880, s28  }
0x74: {  	[spmem:s2] =	stream.indirect.scatter.add.f32 [tilespmem:s30], [sflag:$0x2], $0x40, s31, s16, $0xb8;
	[tilespmem:$0x1F000] =	vst v63  }
0x75: {  	s30 =	sadd.s32 $0x9000, s29;
	s31 =	sadd.s32 $0x2900, s28  }
0x76: {  	[spmem:s2] =	stream.indirect.scatter.add.f32 [tilespmem:s30], [sflag:$0x2], $0x40, s31, s16, $0xb8;
	[tilespmem:$0x1F000] =	vst v63  }
0x77: {  	s28 =	sadd.s32 $0x2980, s28;
	s30 =	sadd.s32 $0xB000, s29;
	s31 =	smin.u32 s25, $0x13  }
0x78: {  	[spmem:s2] =	stream.indirect.scatter.add.f32 [tilespmem:s30], [sflag:$0x2], $0x40, s28, s16, $0xb8;
	[tilespmem:$0x1F000] =	vst v63  }
0x79: {  	s28 =	sxor.u32 $0xD000, s29;
	s30 =	sshll.u32 s31, $0x9  }
0x7a: {  	[tilespmem:s28], [sflag:$0x1] =	stream.indirect.gather [hbm4b:s4+s16], $0x40, s30, s16, $0xb8;
	[tilespmem:$0x1F000] =	vst v63  }
0x7b: {  	s31 =	sor.u32 $0x80, s30;
	s28 =	sxor.u32 $0xF000, s29  }
0x7c: {  	[tilespmem:s28], [sflag:$0x1] =	stream.indirect.gather [hbm4b:s4+s16], $0x40, s31, s16, $0xb8;
	[tilespmem:$0x1F000] =	vst v63  }
0x7d: {  	s28 =	ssub.s32 $0x11000, s29;
	s31 =	sor.u32 $0x100, s30  }
0x7e: {  	[tilespmem:s28], [sflag:$0x1] =	stream.indirect.gather [hbm4b:s4+s16], $0x40, s31, s16, $0xb8;
	[tilespmem:$0x1F000] =	vst v63  }
0x7f: {  	s28 =	ssub.s32 $0x13000, s29;
	s29 =	sor.u32 $0x180, s30  }
0x80: {  	[tilespmem:s28], [sflag:$0x1] =	stream.indirect.gather [hbm4b:s4+s16], $0x40, s29, s16, $0xb8;
	[tilespmem:$0x1F000] =	vst v63  }
0x81: {  	_ =	swait.ge [sflag:s23], $0x2000  }
0x82: {  	[sflag:s23] =	ssyncset.done $0x0  }
0x83: {  	[sflag:s23] =	ssyncadd.s32 $0xFFFFE000  }
0x84: {  	_ =	swait.ge [sflag:s23], $0x2000  }
0x85: {  	[sflag:s23] =	ssyncset.done $0x0  }
0x86: {  	[sflag:s23] =	ssyncadd.s32 $0xFFFFE000  }
.Ltmp1:
0x87: {  	_ =	swait.ge [sflag:s23], $0x2000;
	(pc) =	sbr.rel @p0 .LBB2_4-.Ltmp1, $4  }
0x88: {  	[sflag:s23] =	ssyncset.done $0x0  }
0x89: {  	[sflag:s23] =	ssyncadd.s32 $0xFFFFE000  }
0x8a: {  	_ =	swait.ge [sflag:s23], $0x2000  }
0x8b: {  	[sflag:s23] =	ssyncset.done $0x0  }
0x8c: {  	[sflag:s23] =	ssyncadd.s32 $0xFFFFE000  }
0x8d: {  	_ =	swait.ge [sflag:s22], $0x2000  }
0x8e: {  	[sflag:s22] =	ssyncset.done $0x0  }
0x8f: {  	[sflag:s22] =	ssyncadd.s32 $0xFFFFE000  }
0x90: {  	_ =	swait.ge [sflag:s22], $0x2000  }
0x91: {  	[sflag:s22] =	ssyncset.done $0x0  }
0x92: {  	[sflag:s22] =	ssyncadd.s32 $0xFFFFE000  }
0x93: {  	_ =	swait.ge [sflag:s22], $0x2000  }
0x94: {  	[sflag:s22] =	ssyncset.done $0x0  }
0x95: {  	[sflag:s22] =	ssyncadd.s32 $0xFFFFE000  }
0x96: {  	_ =	swait.ge [sflag:s22], $0x2000  }
0x97: {  	s25 =	sshll.u32 s1, $0x6;
	s3 =	sadd.s32 $0x1, s3;
	[sflag:s22] =	ssyncset.done $0x0  }
0x98: {  	s26 =	sshrl.u32 s5, $0x3;
	p0 =	sne.s32 s3, s11;
	[sflag:s22] =	ssyncadd.s32 $0xFFFFE000  }
.Ltmp2:
0x99: {  	s25 =	sor.u32 $0x1C03, s25;
	[bflag:$0x0] =	sbarrier.arrive $0xFFFF;
	(pc) =	sbr.rel @p0 .LBB2_1-.Ltmp2, $4  }
0x9a: {  	[hbm:s24], [sflag:s25] =	dma.local [spmem:s26], $0x1400  }
0x9b: {  	_ =	swait.ge [sflag:s13], $0x1400  }
0x9c: {  	[sflag:s13] =	ssyncset.done $0x0  }
0x9d: {  	[sflag:s13] =	ssyncadd.s32 $0xFFFFEC00  }
0x9e: {  	_ =	sfence.sel $0x180000  }
0x9f: {  	[bflag:$0x0] =	sbarrier.arrive $0xFFFF  }
0xa0: {  	p0 =	sne.s32 s1, $0x0;
	_ =	strace $0x9000004D  }
0xa1: {  	s0 =	sadd.s32 @!p0 $0x100000, s0;
	[bflag:$0x2] =	sbarrier.arrive $0xFFFF  }
0xa2: {  	[sflag:s0] =	ssyncadd.tile.s32 @!p0 $0x1;
	_ =	shalt  }
.Lfunc_end2:
_tile_overlayer_lowered:
.L_overlay_start_2:
0xa3: {  	(tag) =	ssettag $0x2  }
0xa4: {  	s0 =	rddreg [dreg:$0x0];
	s2 =	stileid.u32  }
0xa5: {  	s1 =	rddreg [dreg:$0x1];
	p0 =	sne.s32 s2, $0x0  }
0xa6: {  	s3 =	rddreg [dreg:$0x2];
	[bflag:$0x3] =	sbarrier.arrive $0xFFFF;
	s2 =	simm.s32 @!p0 $0x1C03  }
0xa7: {  	[timem:s3], [sflag:s2] =	dma.local @!p0 [hbm:s0], s1  }
0xa8: {  	s0 =	simm.s32 @!p0 $0x3  }
0xa9: {  	_ =	swait.ge @!p0 [sflag:s0], s1  }
0xaa: {  	s1 =	ssub.s32 @!p0 $0x0, s1;
	[sflag:s0] =	ssyncset.done @!p0 $0x0  }
0xab: {  	[sflag:s0] =	ssyncadd.s32 @!p0 s1  }
0xac: {  	[bflag:$0x3] =	sbarrier.arrive $0xFFFF  }
0xad: {  	_ =	shalt  }

// kernel: kernel.9.cloned.1.call-start
scs
__scs_entry_jumppad:
0x0: {  	(pc) =	sbr.rel $0x88, $3  }
0x1: {  	(tag) =	ssettag $0x0;
	lr =	simm.s32 $0x1  }
0x2: {  	[smem:$0x3F9B] =	sst lr;
	_ =	strace $0xD0000000  }
0x3: {  	_ = 	snop  }
0x4: {  	_ = 	snop  }
0x5: {  	_ = 	snop  }
0x6: {  	_ = 	snop  }
0x7: {  	_ = 	snop  }
__scs_overlays_trampoline_lowered:
0x8: {  	[smem:$0x3FAA] =	sst s0  }
0x9: {  	[smem:$0x3FAB] =	sst s1  }
0xa: {  	[smem:$0x3FAC] =	sst s2  }
0xb: {  	[smem:$0x3FAD] =	sst s3  }
0xc: {  	[smem:$0x3FAE] =	sst s4  }
0xd: {  	[smem:$0x3FAF] =	sst s5  }
0xe: {  	[smem:$0x3FB0] =	sst s6  }
0xf: {  	[smem:$0x3FB1] =	sst s7  }
0x10: {  	[smem:$0x3FB2] =	sst s8  }
0x11: {  	[smem:$0x3FB3] =	sst s9;
	s0 =	simm.s32 @!p0 $0x0  }
0x12: {  	s1 =	sld [smem:$0x3F99];
	s0 =	simm.s32 @p0 $0x1  }
0x13: {  	[smem:$0x3FB4] =	sst s0;
	s0 =	simm.s32 @!p1 $0x0  }
0x14: {  	s2 =	sld [smem:$0x3F98];
	s0 =	simm.s32 @p1 $0x1  }
0x15: {  	[smem:$0x3FB5] =	sst s0;
	s0 =	simm.s32 @!p2 $0x0  }
0x16: {  	s3 =	sld [smem:$0x3FDB];
	s0 =	simm.s32 @p2 $0x1  }
0x17: {  	s4 =	simm.s32 $0x1BF5;
	[smem:$0x3FB7] =	sst s0  }
0x18: {  	s0 =	sld [smem:$0x3F9A];
	_ =	swait.ge [sflag:s4], $0x0  }
0x19: {  	s7 =	sld [smem:$0x3F9B]  }
0x1a: {  	s8 =	sadd.s32 $0xFFFFE003, lr  }
0x1b: {  	s9 =	sadd.s32 $0xFFFFFEF7, lr;
	s5 =	simm.s32 $0xFFFFFFFF;
	p2 =	slt.u32 s8, $0xFFFFF086  }
0x1c: {  	p1 =	slt.u32 s9, $0xF7A;
	s5 =	simm.s32 @!p2 $0x0  }
0x1d: {  	s5 =	simm.s32 @p1 $0x1;
	p0 =	seq.s32 s7, s2  }
0x1e: {  	s7 =	smul.u32 @!p0 $0xF7A, s2;
	p2 =	seq.s32 @!p0 s5, $0x0  }
0x1f: {  	s9 =	smul.u32 $0xF7A, s1;
	s8 =	simm.s32 @!p0 $0x1BF5;
	p2 =	por !p2, p0  }
0x20: {  	[sflag:s8] =	ssyncset.s32 @!p0 $0xFFFFF086;
	s6 =	sadd.s32 @!p0 s3, s7;
	s7 =	simm.s32 @!p0 $0x108  }
0x21: {  	s3 =	sadd.s32 s3, s9;
	s6 =	sadd.s32 @!p0 $0x88, s6;
	s7 =	simm.s32 @p2 $0x1082  }
0x22: {  	[simem:s7], [sflag:s8] =	dma.local @!p0 [hbm:s6], $0xF7A  }
0x23: {  	s9 =	sor.u32 $0xD0000000, s2;
	s6 =	simm.s32 $0x108;
	_ =	swait.ge @!p0 [sflag:s8], $0x0  }
0x24: {  	s3 =	sadd.s32 $0x88, s3;
	s6 =	simm.s32 @!p1 $0x1082;
	[sflag:s4] =	ssyncset.s32 $0xFFFFF086  }
0x25: {  	[simem:s6], [sflag:s4] =	dma.local [hbm:s3], $0xF7A  }
0x26: {  	[smem:$0x3F9B] =	sst s1;
	(tag) =	ssettag s2;
	_ =	strace s9  }
0x27: {  	s1 =	sld [smem:$0x3FAB]  }
0x28: {  	s2 =	sld [smem:$0x3FAC]  }
0x29: {  	s4 =	sld [smem:$0x3FAE]  }
0x2a: {  	p0 =	seq.s32 s5, $0x0;
	s5 =	sld [smem:$0x3FAF]  }
0x2b: {  	s6 =	sld [smem:$0x3FB0]  }
0x2c: {  	s7 =	sld [smem:$0x3FB1]  }
0x2d: {  	s3 =	simm.s32 $0x108;
	s8 =	sld [smem:$0x3FB2]  }
0x2e: {  	s3 =	simm.s32 @!p0 $0x1082;
	s9 =	sld [smem:$0x3FB3]  }
0x2f: {  	lr =	sadd.s32 s0, s3;
	s0 =	sld [smem:$0x3FAA]  }
0x30: {  	s3 =	sld [smem:$0x3FAD]  }
0x31: {  	[smem:$0x3FB6] =	sst s10  }
0x32: {  	s10 =	sld [smem:$0x3FB4];
	_ =	sdelay $0x3  }
0x33: {  	p0 =	seq.s32 s10, $0x1;
	s10 =	sld [smem:$0x3FB6];
	_ =	sdelay $0x3  }
0x34: {  	[smem:$0x3FB6] =	sst s10  }
0x35: {  	s10 =	sld [smem:$0x3FB5];
	_ =	sdelay $0x3  }
0x36: {  	p1 =	seq.s32 s10, $0x1;
	s10 =	sld [smem:$0x3FB6];
	_ =	sdelay $0x3  }
0x37: {  	[smem:$0x3FB6] =	sst s10  }
0x38: {  	s10 =	sld [smem:$0x3FB7]  }
0x39: {  	_ = 	snop;
	(pc) =	sbr.ind lr, $3  }
0x3a: {  	_ = 	snop  }
0x3b: {  	_ = 	snop  }
0x3c: {  	p2 =	seq.s32 s10, $0x1;
	s10 =	sld [smem:$0x3FB6]  }
0x3d: {  	_ =	shalt  }
0x3e: {  	_ =	shalt  }
0x3f: {  	_ =	shalt  }
0x40: {  	_ =	shalt  }
0x41: {  	_ =	shalt  }
0x42: {  	_ =	shalt  }
0x43: {  	_ =	shalt  }
0x44: {  	_ =	shalt  }
0x45: {  	_ =	shalt  }
0x46: {  	_ =	shalt  }
0x47: {  	_ =	shalt  }
0x48: {  	_ =	shalt  }
0x49: {  	_ =	shalt  }
0x4a: {  	_ =	shalt  }
0x4b: {  	_ =	shalt  }
0x4c: {  	_ =	shalt  }
0x4d: {  	_ =	shalt  }
0x4e: {  	_ =	shalt  }
0x4f: {  	_ =	shalt  }
0x50: {  	_ =	shalt  }
0x51: {  	_ =	shalt  }
0x52: {  	_ =	shalt  }
0x53: {  	_ =	shalt  }
0x54: {  	_ =	shalt  }
0x55: {  	_ =	shalt  }
0x56: {  	_ =	shalt  }
0x57: {  	_ =	shalt  }
0x58: {  	_ =	shalt  }
0x59: {  	_ =	shalt  }
0x5a: {  	_ =	shalt  }
0x5b: {  	_ =	shalt  }
0x5c: {  	_ =	shalt  }
0x5d: {  	_ =	shalt  }
0x5e: {  	_ =	shalt  }
0x5f: {  	_ =	shalt  }
0x60: {  	_ =	shalt  }
0x61: {  	_ =	shalt  }
0x62: {  	_ =	shalt  }
0x63: {  	_ =	shalt  }
0x64: {  	_ =	shalt  }
0x65: {  	_ =	shalt  }
0x66: {  	_ =	shalt  }
0x67: {  	_ =	shalt  }
0x68: {  	_ =	shalt  }
0x69: {  	_ =	shalt  }
0x6a: {  	_ =	shalt  }
0x6b: {  	_ =	shalt  }
0x6c: {  	_ =	shalt  }
0x6d: {  	_ =	shalt  }
0x6e: {  	_ =	shalt  }
0x6f: {  	_ =	shalt  }
0x70: {  	_ =	shalt  }
0x71: {  	_ =	shalt  }
0x72: {  	_ =	shalt  }
0x73: {  	_ =	shalt  }
0x74: {  	_ =	shalt  }
0x75: {  	_ =	shalt  }
0x76: {  	_ =	shalt  }
0x77: {  	_ =	shalt  }
0x78: {  	_ =	shalt  }
0x79: {  	_ =	shalt  }
0x7a: {  	_ =	shalt  }
0x7b: {  	_ =	shalt  }
0x7c: {  	_ =	shalt  }
0x7d: {  	_ =	shalt  }
0x7e: {  	_ =	shalt  }
0x7f: {  	_ =	shalt  }
0x80: {  	_ =	shalt  }
0x81: {  	_ =	shalt  }
0x82: {  	_ =	shalt  }
0x83: {  	_ =	shalt  }
0x84: {  	_ =	shalt  }
0x85: {  	_ =	shalt  }
0x86: {  	_ =	shalt  }
0x87: {  	_ =	shalt  }
.Lfunc_end0:
.L_simem_size_0:
called_computation_lowered:
.L_overlay_start_0:
0x88: {  	s2 =	sld [smem:$0x3FD9]  }
0x89: {  	s3 =	sld [smem:$0x3FFE];
	_ =	sdelay $0x1  }
0x8a: {  	s1 =	srdreg.scid  }
0x8b: {  	s0 =	sand.u32 $0x1, s1  }
0x8c: {  	s16 =	sshll.u32 s0, $0xA;
	s2 =	sadd.s32 s3, s2  }
0x8d: {  	s2 =	sadd.s32 s2, s16  }
0x8e: {  	[smem:$0x3FC2] =	sst s2  }
0x8f: {  	_ = 	snop  }
0x90: {  	(tm) =	ssettm $0x1  }
0x91: {  	s17 =	sld [smem:$0x3FFB];
	_ =	sdelay $0x3  }
0x92: {  	_ =	strace s17  }
0x93: {  	s2 =	sld [smem:$0x3FFC];
	_ =	sdelay $0x3  }
0x94: {  	_ =	strace s2  }
0x95: {  	s2 =	sld [smem:$0x3FFD];
	_ =	sdelay $0x3  }
0x96: {  	_ =	strace s2  }
0x97: {  	_ =	strace $0x8FFFFFFF  }
0x98: {  	s18 =	sld [smem:$0x3FDB];
	_ =	sdelay $0x1  }
0x99: {  	s19 =	simm.s32 $_scs_section_size  }
0x9a: {  	s4 =	simm.s32 $_size__tile_overlayer_lowered;
	s5 =	simm.s32 $_tile_overlayer_lowered  }
0x9b: {  	s22 =	simm.s32 $0x1BFF;
	s21 =	sshll.u32 s5, $0x1;
	s2 =	sadd.s32 s19, s18  }
0x9c: {  	s6 =	simm.s32 $0x0;
	s20 =	sshll.u32 s4, $0x1;
	s4 =	sadd.s32 s21, s2  }
0x9d: {  	[timem:s6], [sflag:s22] =	dma.local [hbm:s4], s20  }
0x9e: {  	_ =	swait.ge [sflag:s22], s20  }
0x9f: {  	s3 =	ssub.s32 $0x0, s20;
	[sflag:s22] =	ssyncset.done $0x0  }
0xa0: {  	[sflag:s22] =	ssyncadd.s32 s3;
	_ =	sdelay $0x1  }
0xa1: {  	s23 =	simm.s32 $0x1B8B  }
0xa2: {  	_ =	swait.ge [sflag:s23], $0x1  }
0xa3: {  	[sflag:s23] =	ssyncset.done $0x0  }
0xa4: {  	s25 =	simm.s32 $0x1B8E;
	s24 =	sld [smem:$0x3FFE];
	[sflag:s23] =	ssyncadd.s32 $0xFFFFFFFF  }
0xa5: {  	s26 =	simm.s32 $execute0_lowered;
	[smem:$0x3FD2] =	sst s25  }
0xa6: {  	s4 =	sshll.u32 s26, $0x1;
	_ =	strace $0x80000046;
	[dreg:$0x1] =	wrdreg $0xFFFFFFFF  }
0xa7: {  	s28 =	simm.s32 $_size_execute0_lowered;
	s2 =	sadd.s32 s2, s4;
	[dreg:$0x0] =	wrdreg $0x0  }
0xa8: {  	s4 =	sshll.u32 s28, $0x1;
	[dreg:$0x2] =	wrdreg s2  }
0xa9: {  	[dreg:$0x3] =	wrdreg s4  }
0xaa: {  	[dreg:$0x4] =	wrdreg $0xC0  }
0xab: {  	_ =	task [dreg:s6], $0x5FFFF  }
0xac: {  	[dreg:$0x1] =	wrdreg $0xFFFFFFFF  }
0xad: {  	[dreg:$0x0] =	wrdreg $0x60  }
0xae: {  	[dreg:$0x2] =	wrdreg s24  }
0xaf: {  	[dreg:$0x3] =	wrdreg $0x38000  }
0xb0: {  	[dreg:$0x4] =	wrdreg $0x9  }
0xb1: {  	_ =	task.clear_ibuf [dreg:s6], $0x5FFFF;
	_ =	strace $0x90000046  }
0xb2: {  	s29 =	simm.s32 $0x9;
	_ =	strace $0x80000048  }
0xb3: {  	_ =	swait.ge [sflag:s29], $0x1  }
0xb4: {  	[sflag:s29] =	ssyncadd.s32 $0xFFFFFFFF  }
0xb5: {  	_ =	strace $0x90000048  }
0xb6: {  	_ =	sfence  }
0xb7: {  	s30 =	sld [smem:$0x0];
	_ =	sdelay $0x2  }
0xb8: {  	s31 =	sshll.u32 s1, $0xD;
	s1 =	sshrl.u32 s1, $0x2  }
0xb9: {  	s3 =	sand.u32 $0x4000, s31;
	s1 =	sadd.s32 s1, s30  }
0xba: {  	s0 =	sor.u32 s3, s0;
	s1 =	sshll.u32 s1, $0x11  }
0xbb: {  	s0 =	sor.u32 s1, s0  }
0xbc: {  	s0 =	sadd.s32 $0x8F2B, s0  }
0xbd: {  	[sflag:s0] =	ssyncadd.remote.s32 $0x1  }
0xbe: {  	_ =	sfence.sel $0xFFFF  }
0xbf: {  	[dreg:$0x0] =	wrdreg $0xFFFFFFFF;
	(pc) =	sbr.abs _section_cstart, $3  }
0xc0: {  	[dreg:$0x1] =	wrdreg $0xFFFFFFFF  }
0xc1: {  	_ =	task.clear_ibuf [dreg:s6], $0x2FFFF;
	_ =	strace $0x9FFFFFFF  }
0xc2: {  	(tm) =	ssettm $0x7FFFFFFF  }
0xc3: {  	_ =	shalt  }
tec
execute0_lowered:
.L_overlay_start_1:
0x0: {  	(tag) =	ssettag $0x1  }
0x1: {  	s9 =	rddreg [dreg:$0x0]  }
0x2: {  	s1 =	rddreg [dreg:$0x1]  }
0x3: {  	s2 =	srdreg.scid;
	s0 =	rddreg [dreg:$0x2]  }
0x4: {  	s3 =	simm.s32 $0x0;
	s15 =	simm.s32 $0x100;
	s16 =	simm.s32 $0x180  }
0x5: {  	s17 =	simm.s32 $0x1;
	s4 =	sand.u32 $0x1, s2;
	s2 =	stileid.u32  }
0x6: {  	s21 =	simm.s32 $0x0;
	[smem:$0x7FF] =	sst s3;
	s5 =	smul.u32 $0x5000, s4  }
0x7: {  	s14 =	sadd.s32 $0xC000, s9;
	s6 =	smul.u32 $0xA000, s2;
	_ =	strace $0x80000047  }
0x8: {  	s30 =	ssub.s32 $0x2, s4;
	s11 =	smul.u32 $0x2800, s2;
	s4 =	sshll.u32 s4, $0x4  }
0x9: {  	s31 =	sshll.u32 s2, $0x6;
	s7 =	sshrl.u32 s30, $0x1;
	s13 =	sor.u32 s2, s4  }
0xa: {  	s10 =	sadd.s32 s5, s9;
	s6 =	sshrl.u32 s6, $0x2;
	s12 =	ssub.s32 s30, s7  }
0xb: {  	s4 =	sadd.s32 s11, s1;
	s13 =	smul.u32 $0x500, s13;
	s19 =	sshrl.u32 s11, $0x3  }
0xc: {  	s11 =	simm.s32 $0x2;
	s8 =	sadd.s32 s6, s1;
	s18 =	sadd.s32 $0x16000, s10  }
0xd: {  	s9 =	smax.u32 s12, $0x1;
	s10 =	simm.s32 $0x3000;
	s20 =	sshrl.u32 s4, $0x3  }
0xe: {  	s5 =	sadd.s32 $0x800, s8;
	s6 =	sadd.s32 $0x1000, s8;
	s7 =	sadd.s32 $0x1800, s8  }
0xf: {  	vm0 =	vcmask $0x300;
	v0 =	vimm.f32 $0.0e+00;
	s8 =	sadd.s32 $0x2000, s8;
	s12 =	sadd.s32 s13, s14;
	s13 =	simm.s32 $0x80  }
0x10: {  	v1 =	vsel vm0, $0x3F800000, v0;
	s14 =	simm.s32 $0x2800;
	s18 =	sadd.s32 s19, s18;
	s19 =	sor.u32 $0x1C02, s31  }
.LBB2_1:
0x11: {  	s22 =	simm.s32 $0x40;
	s23 =	simm.s32 $0x0  }
.LBB2_2:
0x12: {  	p0 =	sne.s32 s22, $0x1FC0;
	[tilespmem:s23+$0x2800] =	vst v1;
	s24 =	smov.u32 s22;
	s22 =	sadd.s32 $0x40, s22  }
.Ltmp0:
0x13: {  	[tilespmem:s23+$0x3000] =	vst v0;
	(pc) =	sbr.rel @p0 .LBB2_2-.Ltmp0, $2  }
0x14: {  	_ =	sdelay $0x2  }
0x15: {  	s23 =	sshra.s32 s24, $0x2  }
0x16: {  	[tilespmem:s23+$0x2800] =	vst v1  }
0x17: {  	[tilespmem:s23+$0x3000] =	vst v0  }
0x18: {  	[spmem:s4] =	stream.linear.scatter [tilespmem:s10], [sflag:$0x2], $0x800, $0x38;
	[tilespmem:$0x6000] =	vst v63  }
0x19: {  	_ =	swait.ge [sflag:s11], $0x800  }
0x1a: {  	[sflag:s11] =	ssyncset.done $0x0  }
0x1b: {  	[sflag:s11] =	ssyncadd.s32 $0xFFFFF800  }
0x1c: {  	[spmem:s5] =	stream.linear.scatter [tilespmem:s10], [sflag:$0x2], $0x800, $0x38;
	[tilespmem:$0x6000] =	vst v63  }
0x1d: {  	_ =	swait.ge [sflag:s11], $0x800  }
0x1e: {  	[sflag:s11] =	ssyncset.done $0x0  }
0x1f: {  	[sflag:s11] =	ssyncadd.s32 $0xFFFFF800  }
0x20: {  	[spmem:s6] =	stream.linear.scatter [tilespmem:s10], [sflag:$0x2], $0x800, $0x38;
	[tilespmem:$0x6000] =	vst v63  }
0x21: {  	_ =	swait.ge [sflag:s11], $0x800  }
0x22: {  	[sflag:s11] =	ssyncset.done $0x0  }
0x23: {  	[sflag:s11] =	ssyncadd.s32 $0xFFFFF800  }
0x24: {  	[spmem:s7] =	stream.linear.scatter [tilespmem:s10], [sflag:$0x2], $0x800, $0x38;
	[tilespmem:$0x6000] =	vst v63  }
0x25: {  	_ =	swait.ge [sflag:s11], $0x800  }
0x26: {  	[sflag:s11] =	ssyncset.done $0x0  }
0x27: {  	[sflag:s11] =	ssyncadd.s32 $0xFFFFF800  }
0x28: {  	[spmem:s8] =	stream.linear.scatter [tilespmem:s10], [sflag:$0x2], $0x800, $0x38;
	[tilespmem:$0x6000] =	vst v63  }
0x29: {  	_ =	swait.ge [sflag:s11], $0x800  }
0x2a: {  	[sflag:s11] =	ssyncset.done $0x0  }
0x2b: {  	[sflag:s11] =	ssyncadd.s32 $0xFFFFF800  }
0x2c: {  	[tilespmem:s3], [sflag:$0x2] =	stream.linear.gather [hbm4b:s12+s3], $0x2800, $0x38;
	[tilespmem:$0x6000] =	vst v63  }
0x2d: {  	_ =	swait.ge [sflag:s11], $0x2800  }
0x2e: {  	[sflag:s11] =	ssyncset.done $0x0  }
0x2f: {  	[sflag:s11] =	ssyncadd.s32 $0xFFFFD800  }
0x30: {  	[bflag:$0x0] =	sbarrier.arrive $0xFFFF  }
0x31: {  	[spmem:s1] =	stream.indirect.scatter.add.f32 [tilespmem:s14], [sflag:$0x1], $0x10, s3, s13, $0xb8;
	[tilespmem:$0x6000] =	vst v63  }
0x32: {  	_ = 	snop  }
0x33: {  	[spmem:s1] =	stream.indirect.scatter.add.f32 [tilespmem:s14], [sflag:$0x1], $0x10, s13, s13, $0xb8;
	[tilespmem:$0x6000] =	vst v63  }
0x34: {  	_ = 	snop  }
0x35: {  	[spmem:s1] =	stream.indirect.scatter.add.f32 [tilespmem:s14], [sflag:$0x1], $0x10, s15, s13, $0xb8;
	[tilespmem:$0x6000] =	vst v63  }
0x36: {  	_ = 	snop  }
0x37: {  	[spmem:s1] =	stream.indirect.scatter.add.f32 [tilespmem:s14], [sflag:$0x1], $0x10, s16, s13, $0xb8;
	[tilespmem:$0x6000] =	vst v63  }
0x38: {  	s22 =	simm.s32 $0x200  }
0x39: {  	[spmem:s1] =	stream.indirect.scatter.add.f32 [tilespmem:s14], [sflag:$0x1], $0x10, s22, s13, $0xb8;
	[tilespmem:$0x6000] =	vst v63  }
0x3a: {  	s29 =	simm.s32 $0x280  }
0x3b: {  	[spmem:s1] =	stream.indirect.scatter.add.f32 [tilespmem:s14], [sflag:$0x1], $0x10, s29, s13, $0xb8;
	[tilespmem:$0x6000] =	vst v63  }
0x3c: {  	s30 =	simm.s32 $0x300  }
0x3d: {  	[spmem:s1] =	stream.indirect.scatter.add.f32 [tilespmem:s14], [sflag:$0x1], $0x10, s30, s13, $0xb8;
	[tilespmem:$0x6000] =	vst v63  }
0x3e: {  	s31 =	simm.s32 $0x380  }
0x3f: {  	[spmem:s1] =	stream.indirect.scatter.add.f32 [tilespmem:s14], [sflag:$0x1], $0x10, s31, s13, $0xb8;
	[tilespmem:$0x6000] =	vst v63  }
0x40: {  	_ =	swait.ge [sflag:s17], $0x800  }
0x41: {  	[sflag:s17] =	ssyncset.done $0x0  }
0x42: {  	[sflag:s17] =	ssyncadd.s32 $0xFFFFF800  }
0x43: {  	_ =	swait.ge [sflag:s17], $0x800  }
0x44: {  	[sflag:s17] =	ssyncset.done $0x0  }
0x45: {  	[sflag:s17] =	ssyncadd.s32 $0xFFFFF800  }
0x46: {  	_ =	swait.ge [sflag:s17], $0x800  }
0x47: {  	[sflag:s17] =	ssyncset.done $0x0  }
0x48: {  	[sflag:s17] =	ssyncadd.s32 $0xFFFFF800  }
0x49: {  	_ =	swait.ge [sflag:s17], $0x800  }
0x4a: {  	s23 =	simm.s32 $0xFFFF7800;
	s22 =	simm.s32 $0xFFFFDC00;
	[sflag:s17] =	ssyncset.done $0x0  }
.LBB2_4:
0x4b: {  	s24 =	sadd.s32 $0x2800, s22  }
0x4c: {  	[sflag:s17] =	ssyncadd.s32 $0xFFFFF800;
	s25 =	smov.u32 s23;
	s26 =	sadd.s32 $0x800, s23  }
0x4d: {  	[spmem:s1] =	stream.indirect.scatter.add.f32 [tilespmem:s14], [sflag:$0x1], $0x10, s24, s13, $0xb8;
	[tilespmem:$0x6000] =	vst v63  }
0x4e: {  	p0 =	sne.s32 s23, $0xFFFFF800;
	s23 =	sadd.s32 $0x2880, s22  }
0x4f: {  	[spmem:s1] =	stream.indirect.scatter.add.f32 [tilespmem:s14], [sflag:$0x1], $0x10, s23, s13, $0xb8;
	[tilespmem:$0x6000] =	vst v63  }
0x50: {  	s23 =	sadd.s32 $0x2900, s22  }
0x51: {  	[spmem:s1] =	stream.indirect.scatter.add.f32 [tilespmem:s14], [sflag:$0x1], $0x10, s23, s13, $0xb8;
	[tilespmem:$0x6000] =	vst v63  }
0x52: {  	s22 =	sadd.s32 $0x2980, s22  }
0x53: {  	[spmem:s1] =	stream.indirect.scatter.add.f32 [tilespmem:s14], [sflag:$0x1], $0x10, s22, s13, $0xb8;
	[tilespmem:$0x6000] =	vst v63  }
0x54: {  	_ =	swait.ge [sflag:s17], $0x800  }
0x55: {  	[sflag:s17] =	ssyncset.done $0x0  }
0x56: {  	[sflag:s17] =	ssyncadd.s32 $0xFFFFF800  }
0x57: {  	_ =	swait.ge [sflag:s17], $0x800  }
0x58: {  	[sflag:s17] =	ssyncset.done $0x0  }
0x59: {  	[sflag:s17] =	ssyncadd.s32 $0xFFFFF800  }
.Ltmp1:
0x5a: {  	_ =	swait.ge [sflag:s17], $0x800;
	(pc) =	sbr.rel @p0 .LBB2_4-.Ltmp1, $4  }
0x5b: {  	[sflag:s17] =	ssyncset.done $0x0  }
0x5c: {  	[sflag:s17] =	ssyncadd.s32 $0xFFFFF800  }
0x5d: {  	_ =	swait.ge [sflag:s17], $0x800  }
0x5e: {  	s23 =	smov.u32 s26;
	s22 =	sshra.s32 s25, $0x2;
	[sflag:s17] =	ssyncset.done $0x0  }
0x5f: {  	s23 =	sadd.s32 $0x2800, s22;
	[sflag:s17] =	ssyncadd.s32 $0xFFFFF800  }
0x60: {  	[spmem:s1] =	stream.indirect.scatter.add.f32 [tilespmem:s14], [sflag:$0x1], $0x10, s23, s13, $0xb8;
	[tilespmem:$0x6000] =	vst v63  }
0x61: {  	s29 =	sadd.s32 $0x2880, s22  }
0x62: {  	[spmem:s1] =	stream.indirect.scatter.add.f32 [tilespmem:s14], [sflag:$0x1], $0x10, s29, s13, $0xb8;
	[tilespmem:$0x6000] =	vst v63  }
0x63: {  	s30 =	sadd.s32 $0x2900, s22  }
0x64: {  	[spmem:s1] =	stream.indirect.scatter.add.f32 [tilespmem:s14], [sflag:$0x1], $0x10, s30, s13, $0xb8;
	[tilespmem:$0x6000] =	vst v63  }
0x65: {  	s31 =	sadd.s32 $0x2980, s22  }
0x66: {  	[spmem:s1] =	stream.indirect.scatter.add.f32 [tilespmem:s14], [sflag:$0x1], $0x10, s31, s13, $0xb8;
	[tilespmem:$0x6000] =	vst v63  }
0x67: {  	_ =	swait.ge [sflag:s17], $0x800  }
0x68: {  	[sflag:s17] =	ssyncset.done $0x0  }
0x69: {  	[sflag:s17] =	ssyncadd.s32 $0xFFFFF800  }
0x6a: {  	_ =	swait.ge [sflag:s17], $0x800  }
0x6b: {  	[sflag:s17] =	ssyncset.done $0x0  }
0x6c: {  	[sflag:s17] =	ssyncadd.s32 $0xFFFFF800  }
0x6d: {  	_ =	swait.ge [sflag:s17], $0x800  }
0x6e: {  	[sflag:s17] =	ssyncset.done $0x0  }
0x6f: {  	[sflag:s17] =	ssyncadd.s32 $0xFFFFF800  }
0x70: {  	_ =	swait.ge [sflag:s17], $0x800  }
0x71: {  	[sflag:s17] =	ssyncset.done $0x0  }
0x72: {  	[sflag:s17] =	ssyncadd.s32 $0xFFFFF800  }
0x73: {  	_ =	swait.ge [sflag:s17], $0x800  }
0x74: {  	[sflag:s17] =	ssyncset.done $0x0  }
0x75: {  	[sflag:s17] =	ssyncadd.s32 $0xFFFFF800  }
0x76: {  	_ =	swait.ge [sflag:s17], $0x800  }
0x77: {  	[sflag:s17] =	ssyncset.done $0x0  }
0x78: {  	[sflag:s17] =	ssyncadd.s32 $0xFFFFF800  }
0x79: {  	_ =	swait.ge [sflag:s17], $0x800  }
0x7a: {  	[sflag:s17] =	ssyncset.done $0x0  }
0x7b: {  	[sflag:s17] =	ssyncadd.s32 $0xFFFFF800  }
0x7c: {  	_ =	swait.ge [sflag:s17], $0x800  }
0x7d: {  	s21 =	sadd.s32 $0x1, s21;
	[sflag:s17] =	ssyncset.done $0x0  }
0x7e: {  	p0 =	sne.s32 s21, s9;
	[sflag:s17] =	ssyncadd.s32 $0xFFFFF800  }
.Ltmp2:
0x7f: {  	[bflag:$0x0] =	sbarrier.arrive $0xFFFF;
	(pc) =	sbr.rel @p0 .LBB2_1-.Ltmp2, $4  }
0x80: {  	[hbm:s18], [sflag:s19] =	dma.local [spmem:s20], $0x500  }
0x81: {  	_ =	swait.ge [sflag:s11], $0x500  }
0x82: {  	[sflag:s11] =	ssyncset.done $0x0  }
0x83: {  	[sflag:s11] =	ssyncadd.s32 $0xFFFFFB00  }
0x84: {  	_ =	sfence.sel $0x180000  }
0x85: {  	[bflag:$0x0] =	sbarrier.arrive $0xFFFF  }
0x86: {  	p0 =	sne.s32 s2, $0x0;
	_ =	strace $0x90000047  }
0x87: {  	s0 =	sadd.s32 @!p0 $0x100000, s0;
	[bflag:$0x2] =	sbarrier.arrive $0xFFFF  }
0x88: {  	[sflag:s0] =	ssyncadd.tile.s32 @!p0 $0x1;
	_ =	shalt  }
.Lfunc_end2:
_tile_overlayer_lowered:
.L_overlay_start_2:
0x89: {  	(tag) =	ssettag $0x2  }
0x8a: {  	s0 =	rddreg [dreg:$0x0];
	s2 =	stileid.u32  }
0x8b: {  	s1 =	rddreg [dreg:$0x1];
	p0 =	sne.s32 s2, $0x0  }
0x8c: {  	s3 =	rddreg [dreg:$0x2];
	[bflag:$0x3] =	sbarrier.arrive $0xFFFF;
	s2 =	simm.s32 @!p0 $0x1C02  }
0x8d: {  	[timem:s3], [sflag:s2] =	dma.local @!p0 [hbm:s0], s1  }
0x8e: {  	s0 =	simm.s32 @!p0 $0x2  }
0x8f: {  	_ =	swait.ge @!p0 [sflag:s0], s1  }
0x90: {  	s1 =	ssub.s32 @!p0 $0x0, s1;
	[sflag:s0] =	ssyncset.done @!p0 $0x0  }
0x91: {  	[sflag:s0] =	ssyncadd.s32 @!p0 s1  }
0x92: {  	[bflag:$0x3] =	sbarrier.arrive $0xFFFF  }
0x93: {  	_ =	shalt  }

</sc_bundles>
